<compile_context>
chip_gen: v7x
topology: tpu7x:2x2x1
jax: 0.10.2.dev20260603
libtpu: 0.0.44.dev20260713+nightly
codegen_flags: <defaults>
</compile_context>

<pallas_src>
import functools

import jax
import jax.numpy as jnp
from jax import lax
from jax.experimental import pallas as pl
from jax.experimental.pallas import tpu as pltpu
from jax.experimental.pallas import tpu_sc as plsc

NC = 2
NS = 16
NW = NC * NS
P_CHUNK = 4


def _emb_kernel(L, B, V, D):
    R = L * B
    rows_per_w = R // NW
    pos_per_w = L // NW
    chunks = pos_per_w // P_CHUNK
    rows_chunk = B * P_CHUNK

    mesh = plsc.VectorSubcoreMesh(core_axis_name="c", subcore_axis_name="s")

    @functools.partial(
        pl.kernel,
        mesh=mesh,
        out_type=jax.ShapeDtypeStruct((L, B, D), jnp.float32),
        scratch_types=[
            pltpu.VMEM((rows_per_w,), jnp.int32),
            pltpu.VMEM((V * D,), jnp.float32),
            [pltpu.VMEM((P_CHUNK, B, D), jnp.float32) for _ in range(2)],
            [pltpu.VMEM((P_CHUNK, D), jnp.float32) for _ in range(2)],
            [pltpu.SemaphoreType.DMA for _ in range(4)],
        ],
    )
    def run(x_hbm, w_hbm, pe_hbm, out_hbm, idx_v, w_v, obuf, pebuf, sems):
        psem = sems[0:2]
        osem = sems[2:4]
        sid = lax.axis_index("s")
        wid = sid * NC + lax.axis_index("c")
        row_base = wid * rows_per_w
        pos_base = wid * pos_per_w
        pltpu.sync_copy(x_hbm.at[pl.ds(row_base, rows_per_w)], idx_v)
        pltpu.sync_copy(w_hbm, w_v)
        lane = lax.iota(jnp.int32, 16)

        def issue_pe(gg, b):
            pltpu.async_copy(
                pe_hbm.at[pl.ds(pos_base + gg * P_CHUNK, P_CHUNK)],
                pebuf[b], psem[b])

        issue_pe(0, 0)
        issue_pe(1, 1)

        def slot(gg, b):
            pos0 = pos_base + gg * P_CHUNK
            pltpu.make_async_copy(
                pe_hbm.at[pl.ds(pos0, P_CHUNK)], pebuf[b], psem[b]).wait()
            @pl.when(gg >= 2)
            def _():
                pltpu.make_async_copy(
                    obuf[b],
                    out_hbm.at[pl.ds(pos0 - 2 * P_CHUNK, P_CHUNK)],
                    osem[b]).wait()

            ids16 = idx_v[pl.ds(gg * rows_chunk, rows_chunk)]
            for p in range(P_CHUNK):
                base = [ids16[B * p + bb] * D for bb in range(B)]

                @plsc.parallel_loop(0, D // 16, unroll=8)
                def add_body(c):
                    pev = pebuf[b][p, pl.ds(c * 16, 16)]
                    for bb in range(B):
                        wv = w_v[pl.ds(base[bb] + c * 16, 16)]
                        obuf[b][p, bb, pl.ds(c * 16, 16)] = wv + pev
            pltpu.async_copy(obuf[b], out_hbm.at[pl.ds(pos0, P_CHUNK)],
                             osem[b])

            @pl.when(gg + 2 < chunks)
            def _():
                issue_pe(gg + 2, b)

        def pair_body(i, carry):
            slot(2 * i, 0)
            slot(2 * i + 1, 1)
            return carry

        lax.fori_loop(0, chunks // 2, pair_body, 0)

        for b in range(2):
            gg = chunks - 2 + b
            pltpu.make_async_copy(
                obuf[b],
                out_hbm.at[pl.ds(pos_base + gg * P_CHUNK, P_CHUNK)],
                osem[b]).wait()

    return run


def kernel(x, W_emb, pe):
    L, B = x.shape
    V, D = W_emb.shape
    x_flat = x.reshape(L * B)
    w_flat = W_emb.reshape(V * D)
    pe_flat = pe.reshape(pe.shape[0], D)
    return _emb_kernel(L, B, V, D)(x_flat, w_flat, pe_flat)

# --- scband reference (transcript-rebuilt; emitter-appended) ---
"""Pipeline reference for scband-protein-embedding-44083544326794 (READ-ONLY COPY).

The authoritative reference and input builder live on the scoring server;
editing this copy changes nothing except your own understanding.
"""

import jax, jax.numpy as jnp
import numpy as np

VOCAB = 25
D_MODEL = 1024
MAX_LEN = 5000
SEQ_LEN = 4096
BATCH = 4

def _make_pe(max_len, d_model):
    pe = np.zeros((max_len, d_model), dtype=np.float32)
    position = np.arange(0, max_len, dtype=np.float32)[:, None]
    div_term = np.exp(np.arange(0, d_model, 2, dtype=np.float32) * (-np.log(10000.0) / d_model))
    pe[:, 0::2] = np.sin(position * div_term)
    pe[:, 1::2] = np.cos(position * div_term)
    # matches torch: pe.unsqueeze(0).transpose(0,1) -> [max_len, 1, d_model]
    return jnp.asarray(pe[:, None, :])

def setup_inputs(seed: int = 0) -> dict:
    key = jax.random.key(seed)
    k1, k2 = jax.random.split(key)
    x = jax.random.randint(k1, (SEQ_LEN, BATCH), 0, VOCAB, dtype=jnp.int32)
    # nn.Embedding default init: N(0, 1)
    W_emb = jax.random.normal(k2, (VOCAB, D_MODEL), dtype=jnp.float32)
    pe = _make_pe(MAX_LEN, D_MODEL)
    return {"x": x, "W_emb": W_emb, "pe": pe}

def reference(x, W_emb, pe):
    # encod = embedding lookup; torch code computes it twice but result identical
    encod = jnp.take(W_emb, x, axis=0)  # [L, B, d_model]
    out = encod + pe[: x.shape[0], :]   # pe slice [L, 1, d_model] broadcasts over batch
    # nn.Dropout in eval mode is identity
    return out

if __name__ == "__main__":
    import jax
    _d = setup_inputs()
    print(jax.jit(kernel)(*tuple(_d.values())))

</pallas_src>

<mosaic_0001>
#map = affine_map<(d0, d1) -> (0)>
#map1 = affine_map<(d0, d1) -> (0, 0)>
#map2 = affine_map<(d0, d1) -> (0, 0, 0)>
module attributes {stable_mosaic.version = 14 : i64} {
  func.func @run(%arg0: i32, %arg1: i32, %arg2: memref<16384xi32, #tpu.memory_space<hbm>>, %arg3: memref<25600xf32, #tpu.memory_space<hbm>>, %arg4: memref<5000x1024xf32, #tpu.memory_space<hbm>>, %arg5: memref<4096x4x1024xf32, #tpu.memory_space<hbm>>, %arg6: memref<512xi32, #tpu.memory_space<vmem>>, %arg7: memref<25600xf32, #tpu.memory_space<vmem>>, %arg8: memref<4x4x1024xf32, #tpu.memory_space<vmem>>, %arg9: memref<4x4x1024xf32, #tpu.memory_space<vmem>>, %arg10: memref<4x1024xf32, #tpu.memory_space<vmem>>, %arg11: memref<4x1024xf32, #tpu.memory_space<vmem>>, %arg12: memref<!tpu.dma_semaphore, #tpu.memory_space<semaphore_mem>>, %arg13: memref<!tpu.dma_semaphore, #tpu.memory_space<semaphore_mem>>, %arg14: memref<!tpu.dma_semaphore, #tpu.memory_space<semaphore_mem>>, %arg15: memref<!tpu.dma_semaphore, #tpu.memory_space<semaphore_mem>>) attributes {dimension_semantics = [#tpu.dimension_semantics<core_parallel>, #tpu.dimension_semantics<subcore_parallel>], iteration_bounds = array<i64: 2, 16>, scalar_prefetch = 0 : i64, scratch_operands = 10 : i64, tpu.core_type = #tpu.core_type<sc_vector_subcore>, window_params = [{transform_indices = #map}, {transform_indices = #map}, {transform_indices = #map1}, {transform_indices = #map2}]} {
    %mul3A = arith.constant 2 : i32
    %mul3A_0 = arith.muli %arg1, %mul3A : i32
    %add3A = arith.addi %mul3A_0, %arg0 : i32
    %mul3A_1 = arith.constant 512 : i32
    %mul3A_2 = arith.muli %add3A, %mul3A_1 : i32
    %mul3A_3 = arith.constant 128 : i32
    %mul3A_4 = arith.muli %add3A, %mul3A_3 : i32
    "tpu.region"() ({
      %run_scoped3A = tpu.sem_alloc : memref<!tpu.dma_semaphore, #tpu.memory_space<semaphore_mem>>
      %dma_start3A_36 = tpu.memref_slice %arg2[%mul3A_2] : memref<16384xi32, #tpu.memory_space<hbm>> -> memref<512xi32, #tpu.memory_space<hbm>>
      %dma_start3A_37 = tpu.memref_slice %arg2[%mul3A_2] : memref<16384xi32, #tpu.memory_space<hbm>> -> memref<512xi32, #tpu.memory_space<hbm>>
      tpu.enqueue_dma source(%dma_start3A_37 : memref<512xi32, #tpu.memory_space<hbm>>) target(%arg6 : memref<512xi32, #tpu.memory_space<vmem>>) target_semaphore(%run_scoped3A : memref<!tpu.dma_semaphore, #tpu.memory_space<semaphore_mem>>)
      %dma_wait3A_38 = tpu.memref_slice %arg2[%mul3A_2] : memref<16384xi32, #tpu.memory_space<hbm>> -> memref<512xi32, #tpu.memory_space<hbm>>
      %dma_wait3A_39 = tpu.memref_slice %arg2[%mul3A_2] : memref<16384xi32, #tpu.memory_space<hbm>> -> memref<512xi32, #tpu.memory_space<hbm>>
      tpu.wait_dma2 semaphore(%run_scoped3A : memref<!tpu.dma_semaphore, #tpu.memory_space<semaphore_mem>>) src(%dma_wait3A_39 : memref<512xi32, #tpu.memory_space<hbm>>) dst(%arg6 : memref<512xi32, #tpu.memory_space<vmem>>)
      tpu.yield
    }) : () -> ()
    "tpu.region"() ({
      %run_scoped3A = tpu.sem_alloc : memref<!tpu.dma_semaphore, #tpu.memory_space<semaphore_mem>>
      tpu.enqueue_dma source(%arg3 : memref<25600xf32, #tpu.memory_space<hbm>>) target(%arg7 : memref<25600xf32, #tpu.memory_space<vmem>>) target_semaphore(%run_scoped3A : memref<!tpu.dma_semaphore, #tpu.memory_space<semaphore_mem>>)
      tpu.wait_dma2 semaphore(%run_scoped3A : memref<!tpu.dma_semaphore, #tpu.memory_space<semaphore_mem>>) src(%arg3 : memref<25600xf32, #tpu.memory_space<hbm>>) dst(%arg7 : memref<25600xf32, #tpu.memory_space<vmem>>)
      tpu.yield
    }) : () -> ()
    %iota3A = tpu.iota {dimensions = array<i32: 0>} : vector<16xi32>
    %add3A_5 = arith.constant 0 : i32
    %add3A_6 = arith.addi %mul3A_4, %add3A_5 : i32
    %dma_start3A = arith.constant 0 : i32
    %dma_start3A_7 = tpu.memref_slice %arg4[%add3A_6, %dma_start3A] : memref<5000x1024xf32, #tpu.memory_space<hbm>> -> memref<4x1024xf32, #tpu.memory_space<hbm>>
    %dma_start3A_8 = arith.constant 0 : i32
    %dma_start3A_9 = tpu.memref_slice %arg4[%add3A_6, %dma_start3A_8] : memref<5000x1024xf32, #tpu.memory_space<hbm>> -> memref<4x1024xf32, #tpu.memory_space<hbm>>
    tpu.enqueue_dma source(%dma_start3A_9 : memref<4x1024xf32, #tpu.memory_space<hbm>>) target(%arg10 : memref<4x1024xf32, #tpu.memory_space<vmem>>) target_semaphore(%arg12 : memref<!tpu.dma_semaphore, #tpu.memory_space<semaphore_mem>>)
    %add3A_10 = arith.constant 4 : i32
    %add3A_11 = arith.addi %mul3A_4, %add3A_10 : i32
    %dma_start3A_12 = arith.constant 0 : i32
    %dma_start3A_13 = tpu.memref_slice %arg4[%add3A_11, %dma_start3A_12] : memref<5000x1024xf32, #tpu.memory_space<hbm>> -> memref<4x1024xf32, #tpu.memory_space<hbm>>
    %dma_start3A_14 = arith.constant 0 : i32
    %dma_start3A_15 = tpu.memref_slice %arg4[%add3A_11, %dma_start3A_14] : memref<5000x1024xf32, #tpu.memory_space<hbm>> -> memref<4x1024xf32, #tpu.memory_space<hbm>>
    tpu.enqueue_dma source(%dma_start3A_15 : memref<4x1024xf32, #tpu.memory_space<hbm>>) target(%arg11 : memref<4x1024xf32, #tpu.memory_space<vmem>>) target_semaphore(%arg13 : memref<!tpu.dma_semaphore, #tpu.memory_space<semaphore_mem>>)
    %scan3A = arith.constant 0 : i32
    %scan3A_16 = arith.constant 0 : i32
    %scan3A_17 = arith.constant 16 : i32
    %scan3A_18 = arith.addi %scan3A_16, %scan3A_17 : i32
    %scan3A_19 = arith.constant 1 : i32
    scf.for %scan3A_36 = %scan3A_16 to %scan3A_18 step %scan3A_19  : i32 {
      %mul3A_37 = arith.constant 2 : i32
      %mul3A_38 = arith.muli %mul3A_37, %scan3A_36 : i32
      %mul3A_39 = arith.constant 4 : i32
      %mul3A_40 = arith.muli %mul3A_38, %mul3A_39 : i32
      %add3A_41 = arith.addi %mul3A_4, %mul3A_40 : i32
      %dma_wait3A_42 = arith.constant 0 : i32
      %dma_wait3A_43 = tpu.memref_slice %arg4[%add3A_41, %dma_wait3A_42] : memref<5000x1024xf32, #tpu.memory_space<hbm>> -> memref<4x1024xf32, #tpu.memory_space<hbm>>
      %dma_wait3A_44 = arith.constant 0 : i32
      %dma_wait3A_45 = tpu.memref_slice %arg4[%add3A_41, %dma_wait3A_44] : memref<5000x1024xf32, #tpu.memory_space<hbm>> -> memref<4x1024xf32, #tpu.memory_space<hbm>>
      tpu.wait_dma2 semaphore(%arg12 : memref<!tpu.dma_semaphore, #tpu.memory_space<semaphore_mem>>) src(%dma_wait3A_45 : memref<4x1024xf32, #tpu.memory_space<hbm>>) dst(%arg10 : memref<4x1024xf32, #tpu.memory_space<vmem>>)
      %ge3A = arith.constant 2 : i32
      %ge3A_46 = arith.cmpi sge, %mul3A_38, %ge3A : i32
      %convert_element_type3A = arith.extui %ge3A_46 : i1 to i32
      %cond3A = arith.constant 0 : i32
      %cond3A_47 = arith.cmpi ne, %convert_element_type3A, %cond3A : i32
      scf.if %cond3A_47 {
        %sub3A = arith.constant 8 : i32
        %sub3A_247 = arith.subi %add3A_41, %sub3A : i32
        %dma_wait3A_248 = arith.constant 0 : i32
        %dma_wait3A_249 = arith.constant 0 : i32
        %dma_wait3A_250 = tpu.memref_slice %arg5[%sub3A_247, %dma_wait3A_248, %dma_wait3A_249] : memref<4096x4x1024xf32, #tpu.memory_space<hbm>> -> memref<4x4x1024xf32, #tpu.memory_space<hbm>>
        %dma_wait3A_251 = arith.constant 0 : i32
        %dma_wait3A_252 = arith.constant 0 : i32
        %dma_wait3A_253 = tpu.memref_slice %arg5[%sub3A_247, %dma_wait3A_251, %dma_wait3A_252] : memref<4096x4x1024xf32, #tpu.memory_space<hbm>> -> memref<4x4x1024xf32, #tpu.memory_space<hbm>>
        tpu.wait_dma2 semaphore(%arg14 : memref<!tpu.dma_semaphore, #tpu.memory_space<semaphore_mem>>) src(%arg8 : memref<4x4x1024xf32, #tpu.memory_space<vmem>>) dst(%dma_wait3A_253 : memref<4x4x1024xf32, #tpu.memory_space<hbm>>)
      } else {
      }
      %mul3A_48 = arith.constant 16 : i32
      %mul3A_49 = arith.muli %mul3A_38, %mul3A_48 : i32
      %get3A = arith.index_cast %mul3A_49 : i32 to index
      %get3A_50 = tpu.vector_load %arg6[%get3A] {strides = array<i32>} : memref<512xi32, #tpu.memory_space<vmem>>, vector<16xi32>,
      %get3A_51 = vector.shape_cast %get3A_50 : vector<16xi32> to vector<16xi32>
      %slice3A = vector.extract_strided_slice %get3A_51 {offsets = [0], sizes = [1], strides = [1]} : vector<16xi32> to vector<1xi32>
      %squeeze3A = vector.extract %slice3A[0] : i32 from vector<1xi32>
      %mul3A_52 = arith.constant 1024 : i32
      %mul3A_53 = arith.muli %squeeze3A, %mul3A_52 : i32
      %slice3A_54 = vector.extract_strided_slice %get3A_51 {offsets = [1], sizes = [1], strides = [1]} : vector<16xi32> to vector<1xi32>
      %squeeze3A_55 = vector.extract %slice3A_54[0] : i32 from vector<1xi32>
      %mul3A_56 = arith.constant 1024 : i32
      %mul3A_57 = arith.muli %squeeze3A_55, %mul3A_56 : i32
      %slice3A_58 = vector.extract_strided_slice %get3A_51 {offsets = [2], sizes = [1], strides = [1]} : vector<16xi32> to vector<1xi32>
      %squeeze3A_59 = vector.extract %slice3A_58[0] : i32 from vector<1xi32>
      %mul3A_60 = arith.constant 1024 : i32
      %mul3A_61 = arith.muli %squeeze3A_59, %mul3A_60 : i32
      %slice3A_62 = vector.extract_strided_slice %get3A_51 {offsets = [3], sizes = [1], strides = [1]} : vector<16xi32> to vector<1xi32>
      %squeeze3A_63 = vector.extract %slice3A_62[0] : i32 from vector<1xi32>
      %mul3A_64 = arith.constant 1024 : i32
      %mul3A_65 = arith.muli %squeeze3A_63, %mul3A_64 : i32
      %parallel_loop3A = arith.constant 0 : i32
      %parallel_loop3A_66 = arith.constant 64 : i32
      %parallel_loop3A_67 = arith.constant 1 : i32
      scf.for %parallel_loop3A_247 = %parallel_loop3A to %parallel_loop3A_66 step %parallel_loop3A_67  : i32 {
        %parallel_loop3A_248 = arith.constant 16 : i32
        %parallel_loop3A_249 = arith.muli %parallel_loop3A_247, %parallel_loop3A_248 : i32
        %parallel_loop3A_250 = arith.constant 0 : i32
        %parallel_loop3A_251 = arith.index_cast %parallel_loop3A_250 : i32 to index
        %parallel_loop3A_252 = arith.index_cast %parallel_loop3A_249 : i32 to index
        %parallel_loop3A_253 = tpu.vector_load %arg10[%parallel_loop3A_251, %parallel_loop3A_252] {strides = array<i32>} : memref<4x1024xf32, #tpu.memory_space<vmem>>, vector<1x16xf32>,
        %parallel_loop3A_254 = vector.shape_cast %parallel_loop3A_253 : vector<1x16xf32> to vector<16xf32>
        %parallel_loop3A_255 = arith.constant 16 : i32
        %parallel_loop3A_256 = arith.muli %parallel_loop3A_247, %parallel_loop3A_255 : i32
        %parallel_loop3A_257 = arith.addi %mul3A_53, %parallel_loop3A_256 : i32
        %parallel_loop3A_258 = arith.index_cast %parallel_loop3A_257 : i32 to index
        %parallel_loop3A_259 = tpu.vector_load %arg7[%parallel_loop3A_258] {strides = array<i32>} : memref<25600xf32, #tpu.memory_space<vmem>>, vector<16xf32>,
        %parallel_loop3A_260 = vector.shape_cast %parallel_loop3A_259 : vector<16xf32> to vector<16xf32>
        %parallel_loop3A_261 = arith.addf %parallel_loop3A_260, %parallel_loop3A_254 : vector<16xf32>
        %parallel_loop3A_262 = arith.constant 16 : i32
        %parallel_loop3A_263 = arith.muli %parallel_loop3A_247, %parallel_loop3A_262 : i32
        %parallel_loop3A_264 = arith.constant 0 : i32
        %parallel_loop3A_265 = arith.constant 0 : i32
        %parallel_loop3A_266 = arith.index_cast %parallel_loop3A_264 : i32 to index
        %parallel_loop3A_267 = arith.index_cast %parallel_loop3A_265 : i32 to index
        %parallel_loop3A_268 = arith.index_cast %parallel_loop3A_263 : i32 to index
        %parallel_loop3A_269 = tpu.vector_load %arg8[%parallel_loop3A_266, %parallel_loop3A_267, %parallel_loop3A_268] {strides = array<i32>} : memref<4x4x1024xf32, #tpu.memory_space<vmem>>, vector<1x1x16xf32>,
        %parallel_loop3A_270 = vector.shape_cast %parallel_loop3A_269 : vector<1x1x16xf32> to vector<16xf32>
        %parallel_loop3A_271 = vector.shape_cast %parallel_loop3A_261 : vector<16xf32> to vector<1x1x16xf32>
        tpu.vector_store %arg8[%parallel_loop3A_266, %parallel_loop3A_267, %parallel_loop3A_268], %parallel_loop3A_271 {strides = array<i32>} : memref<4x4x1024xf32, #tpu.memory_space<vmem>>, vector<1x1x16xf32>,
        %parallel_loop3A_272 = arith.constant 16 : i32
        %parallel_loop3A_273 = arith.muli %parallel_loop3A_247, %parallel_loop3A_272 : i32
        %parallel_loop3A_274 = arith.addi %mul3A_57, %parallel_loop3A_273 : i32
        %parallel_loop3A_275 = arith.index_cast %parallel_loop3A_274 : i32 to index
        %parallel_loop3A_276 = tpu.vector_load %arg7[%parallel_loop3A_275] {strides = array<i32>} : memref<25600xf32, #tpu.memory_space<vmem>>, vector<16xf32>,
        %parallel_loop3A_277 = vector.shape_cast %parallel_loop3A_276 : vector<16xf32> to vector<16xf32>
        %parallel_loop3A_278 = arith.addf %parallel_loop3A_277, %parallel_loop3A_254 : vector<16xf32>
        %parallel_loop3A_279 = arith.constant 16 : i32
        %parallel_loop3A_280 = arith.muli %parallel_loop3A_247, %parallel_loop3A_279 : i32
        %parallel_loop3A_281 = arith.constant 0 : i32
        %parallel_loop3A_282 = arith.constant 1 : i32
        %parallel_loop3A_283 = arith.index_cast %parallel_loop3A_281 : i32 to index
        %parallel_loop3A_284 = arith.index_cast %parallel_loop3A_282 : i32 to index
        %parallel_loop3A_285 = arith.index_cast %parallel_loop3A_280 : i32 to index
        %parallel_loop3A_286 = tpu.vector_load %arg8[%parallel_loop3A_283, %parallel_loop3A_284, %parallel_loop3A_285] {strides = array<i32>} : memref<4x4x1024xf32, #tpu.memory_space<vmem>>, vector<1x1x16xf32>,
        %parallel_loop3A_287 = vector.shape_cast %parallel_loop3A_286 : vector<1x1x16xf32> to vector<16xf32>
        %parallel_loop3A_288 = vector.shape_cast %parallel_loop3A_278 : vector<16xf32> to vector<1x1x16xf32>
        tpu.vector_store %arg8[%parallel_loop3A_283, %parallel_loop3A_284, %parallel_loop3A_285], %parallel_loop3A_288 {strides = array<i32>} : memref<4x4x1024xf32, #tpu.memory_space<vmem>>, vector<1x1x16xf32>,
        %parallel_loop3A_289 = arith.constant 16 : i32
        %parallel_loop3A_290 = arith.muli %parallel_loop3A_247, %parallel_loop3A_289 : i32
        %parallel_loop3A_291 = arith.addi %mul3A_61, %parallel_loop3A_290 : i32
        %parallel_loop3A_292 = arith.index_cast %parallel_loop3A_291 : i32 to index
        %parallel_loop3A_293 = tpu.vector_load %arg7[%parallel_loop3A_292] {strides = array<i32>} : memref<25600xf32, #tpu.memory_space<vmem>>, vector<16xf32>,
        %parallel_loop3A_294 = vector.shape_cast %parallel_loop3A_293 : vector<16xf32> to vector<16xf32>
        %parallel_loop3A_295 = arith.addf %parallel_loop3A_294, %parallel_loop3A_254 : vector<16xf32>
        %parallel_loop3A_296 = arith.constant 16 : i32
        %parallel_loop3A_297 = arith.muli %parallel_loop3A_247, %parallel_loop3A_296 : i32
        %parallel_loop3A_298 = arith.constant 0 : i32
        %parallel_loop3A_299 = arith.constant 2 : i32
        %parallel_loop3A_300 = arith.index_cast %parallel_loop3A_298 : i32 to index
        %parallel_loop3A_301 = arith.index_cast %parallel_loop3A_299 : i32 to index
        %parallel_loop3A_302 = arith.index_cast %parallel_loop3A_297 : i32 to index
        %parallel_loop3A_303 = tpu.vector_load %arg8[%parallel_loop3A_300, %parallel_loop3A_301, %parallel_loop3A_302] {strides = array<i32>} : memref<4x4x1024xf32, #tpu.memory_space<vmem>>, vector<1x1x16xf32>,
        %parallel_loop3A_304 = vector.shape_cast %parallel_loop3A_303 : vector<1x1x16xf32> to vector<16xf32>
        %parallel_loop3A_305 = vector.shape_cast %parallel_loop3A_295 : vector<16xf32> to vector<1x1x16xf32>
        tpu.vector_store %arg8[%parallel_loop3A_300, %parallel_loop3A_301, %parallel_loop3A_302], %parallel_loop3A_305 {strides = array<i32>} : memref<4x4x1024xf32, #tpu.memory_space<vmem>>, vector<1x1x16xf32>,
        %parallel_loop3A_306 = arith.constant 16 : i32
        %parallel_loop3A_307 = arith.muli %parallel_loop3A_247, %parallel_loop3A_306 : i32
        %parallel_loop3A_308 = arith.addi %mul3A_65, %parallel_loop3A_307 : i32
        %parallel_loop3A_309 = arith.index_cast %parallel_loop3A_308 : i32 to index
        %parallel_loop3A_310 = tpu.vector_load %arg7[%parallel_loop3A_309] {strides = array<i32>} : memref<25600xf32, #tpu.memory_space<vmem>>, vector<16xf32>,
        %parallel_loop3A_311 = vector.shape_cast %parallel_loop3A_310 : vector<16xf32> to vector<16xf32>
        %parallel_loop3A_312 = arith.addf %parallel_loop3A_311, %parallel_loop3A_254 : vector<16xf32>
        %parallel_loop3A_313 = arith.constant 16 : i32
        %parallel_loop3A_314 = arith.muli %parallel_loop3A_247, %parallel_loop3A_313 : i32
        %parallel_loop3A_315 = arith.constant 0 : i32
        %parallel_loop3A_316 = arith.constant 3 : i32
        %parallel_loop3A_317 = arith.index_cast %parallel_loop3A_315 : i32 to index
        %parallel_loop3A_318 = arith.index_cast %parallel_loop3A_316 : i32 to index
        %parallel_loop3A_319 = arith.index_cast %parallel_loop3A_314 : i32 to index
        %parallel_loop3A_320 = tpu.vector_load %arg8[%parallel_loop3A_317, %parallel_loop3A_318, %parallel_loop3A_319] {strides = array<i32>} : memref<4x4x1024xf32, #tpu.memory_space<vmem>>, vector<1x1x16xf32>,
        %parallel_loop3A_321 = vector.shape_cast %parallel_loop3A_320 : vector<1x1x16xf32> to vector<16xf32>
        %parallel_loop3A_322 = vector.shape_cast %parallel_loop3A_312 : vector<16xf32> to vector<1x1x16xf32>
        tpu.vector_store %arg8[%parallel_loop3A_317, %parallel_loop3A_318, %parallel_loop3A_319], %parallel_loop3A_322 {strides = array<i32>} : memref<4x4x1024xf32, #tpu.memory_space<vmem>>, vector<1x1x16xf32>,
      } {sc.loop_unroll_factor = 8 : i64, sc.parallel_access}
      %slice3A_68 = vector.extract_strided_slice %get3A_51 {offsets = [4], sizes = [1], strides = [1]} : vector<16xi32> to vector<1xi32>
      %squeeze3A_69 = vector.extract %slice3A_68[0] : i32 from vector<1xi32>
      %mul3A_70 = arith.constant 1024 : i32
      %mul3A_71 = arith.muli %squeeze3A_69, %mul3A_70 : i32
      %slice3A_72 = vector.extract_strided_slice %get3A_51 {offsets = [5], sizes = [1], strides = [1]} : vector<16xi32> to vector<1xi32>
      %squeeze3A_73 = vector.extract %slice3A_72[0] : i32 from vector<1xi32>
      %mul3A_74 = arith.constant 1024 : i32
      %mul3A_75 = arith.muli %squeeze3A_73, %mul3A_74 : i32
      %slice3A_76 = vector.extract_strided_slice %get3A_51 {offsets = [6], sizes = [1], strides = [1]} : vector<16xi32> to vector<1xi32>
      %squeeze3A_77 = vector.extract %slice3A_76[0] : i32 from vector<1xi32>
      %mul3A_78 = arith.constant 1024 : i32
      %mul3A_79 = arith.muli %squeeze3A_77, %mul3A_78 : i32
      %slice3A_80 = vector.extract_strided_slice %get3A_51 {offsets = [7], sizes = [1], strides = [1]} : vector<16xi32> to vector<1xi32>
      %squeeze3A_81 = vector.extract %slice3A_80[0] : i32 from vector<1xi32>
      %mul3A_82 = arith.constant 1024 : i32
      %mul3A_83 = arith.muli %squeeze3A_81, %mul3A_82 : i32
      %parallel_loop3A_84 = arith.constant 0 : i32
      %parallel_loop3A_85 = arith.constant 64 : i32
      %parallel_loop3A_86 = arith.constant 1 : i32
      scf.for %parallel_loop3A_247 = %parallel_loop3A_84 to %parallel_loop3A_85 step %parallel_loop3A_86  : i32 {
        %parallel_loop3A_248 = arith.constant 16 : i32
        %parallel_loop3A_249 = arith.muli %parallel_loop3A_247, %parallel_loop3A_248 : i32
        %parallel_loop3A_250 = arith.constant 1 : i32
        %parallel_loop3A_251 = arith.index_cast %parallel_loop3A_250 : i32 to index
        %parallel_loop3A_252 = arith.index_cast %parallel_loop3A_249 : i32 to index
        %parallel_loop3A_253 = tpu.vector_load %arg10[%parallel_loop3A_251, %parallel_loop3A_252] {strides = array<i32>} : memref<4x1024xf32, #tpu.memory_space<vmem>>, vector<1x16xf32>,
        %parallel_loop3A_254 = vector.shape_cast %parallel_loop3A_253 : vector<1x16xf32> to vector<16xf32>
        %parallel_loop3A_255 = arith.constant 16 : i32
        %parallel_loop3A_256 = arith.muli %parallel_loop3A_247, %parallel_loop3A_255 : i32
        %parallel_loop3A_257 = arith.addi %mul3A_71, %parallel_loop3A_256 : i32
        %parallel_loop3A_258 = arith.index_cast %parallel_loop3A_257 : i32 to index
        %parallel_loop3A_259 = tpu.vector_load %arg7[%parallel_loop3A_258] {strides = array<i32>} : memref<25600xf32, #tpu.memory_space<vmem>>, vector<16xf32>,
        %parallel_loop3A_260 = vector.shape_cast %parallel_loop3A_259 : vector<16xf32> to vector<16xf32>
        %parallel_loop3A_261 = arith.addf %parallel_loop3A_260, %parallel_loop3A_254 : vector<16xf32>
        %parallel_loop3A_262 = arith.constant 16 : i32
        %parallel_loop3A_263 = arith.muli %parallel_loop3A_247, %parallel_loop3A_262 : i32
        %parallel_loop3A_264 = arith.constant 1 : i32
        %parallel_loop3A_265 = arith.constant 0 : i32
        %parallel_loop3A_266 = arith.index_cast %parallel_loop3A_264 : i32 to index
        %parallel_loop3A_267 = arith.index_cast %parallel_loop3A_265 : i32 to index
        %parallel_loop3A_268 = arith.index_cast %parallel_loop3A_263 : i32 to index
        %parallel_loop3A_269 = tpu.vector_load %arg8[%parallel_loop3A_266, %parallel_loop3A_267, %parallel_loop3A_268] {strides = array<i32>} : memref<4x4x1024xf32, #tpu.memory_space<vmem>>, vector<1x1x16xf32>,
        %parallel_loop3A_270 = vector.shape_cast %parallel_loop3A_269 : vector<1x1x16xf32> to vector<16xf32>
        %parallel_loop3A_271 = vector.shape_cast %parallel_loop3A_261 : vector<16xf32> to vector<1x1x16xf32>
        tpu.vector_store %arg8[%parallel_loop3A_266, %parallel_loop3A_267, %parallel_loop3A_268], %parallel_loop3A_271 {strides = array<i32>} : memref<4x4x1024xf32, #tpu.memory_space<vmem>>, vector<1x1x16xf32>,
        %parallel_loop3A_272 = arith.constant 16 : i32
        %parallel_loop3A_273 = arith.muli %parallel_loop3A_247, %parallel_loop3A_272 : i32
        %parallel_loop3A_274 = arith.addi %mul3A_75, %parallel_loop3A_273 : i32
        %parallel_loop3A_275 = arith.index_cast %parallel_loop3A_274 : i32 to index
        %parallel_loop3A_276 = tpu.vector_load %arg7[%parallel_loop3A_275] {strides = array<i32>} : memref<25600xf32, #tpu.memory_space<vmem>>, vector<16xf32>,
        %parallel_loop3A_277 = vector.shape_cast %parallel_loop3A_276 : vector<16xf32> to vector<16xf32>
        %parallel_loop3A_278 = arith.addf %parallel_loop3A_277, %parallel_loop3A_254 : vector<16xf32>
        %parallel_loop3A_279 = arith.constant 16 : i32
        %parallel_loop3A_280 = arith.muli %parallel_loop3A_247, %parallel_loop3A_279 : i32
        %parallel_loop3A_281 = arith.constant 1 : i32
        %parallel_loop3A_282 = arith.constant 1 : i32
        %parallel_loop3A_283 = arith.index_cast %parallel_loop3A_281 : i32 to index
        %parallel_loop3A_284 = arith.index_cast %parallel_loop3A_282 : i32 to index
        %parallel_loop3A_285 = arith.index_cast %parallel_loop3A_280 : i32 to index
        %parallel_loop3A_286 = tpu.vector_load %arg8[%parallel_loop3A_283, %parallel_loop3A_284, %parallel_loop3A_285] {strides = array<i32>} : memref<4x4x1024xf32, #tpu.memory_space<vmem>>, vector<1x1x16xf32>,
        %parallel_loop3A_287 = vector.shape_cast %parallel_loop3A_286 : vector<1x1x16xf32> to vector<16xf32>
        %parallel_loop3A_288 = vector.shape_cast %parallel_loop3A_278 : vector<16xf32> to vector<1x1x16xf32>
        tpu.vector_store %arg8[%parallel_loop3A_283, %parallel_loop3A_284, %parallel_loop3A_285], %parallel_loop3A_288 {strides = array<i32>} : memref<4x4x1024xf32, #tpu.memory_space<vmem>>, vector<1x1x16xf32>,
        %parallel_loop3A_289 = arith.constant 16 : i32
        %parallel_loop3A_290 = arith.muli %parallel_loop3A_247, %parallel_loop3A_289 : i32
        %parallel_loop3A_291 = arith.addi %mul3A_79, %parallel_loop3A_290 : i32
        %parallel_loop3A_292 = arith.index_cast %parallel_loop3A_291 : i32 to index
        %parallel_loop3A_293 = tpu.vector_load %arg7[%parallel_loop3A_292] {strides = array<i32>} : memref<25600xf32, #tpu.memory_space<vmem>>, vector<16xf32>,
        %parallel_loop3A_294 = vector.shape_cast %parallel_loop3A_293 : vector<16xf32> to vector<16xf32>
        %parallel_loop3A_295 = arith.addf %parallel_loop3A_294, %parallel_loop3A_254 : vector<16xf32>
        %parallel_loop3A_296 = arith.constant 16 : i32
        %parallel_loop3A_297 = arith.muli %parallel_loop3A_247, %parallel_loop3A_296 : i32
        %parallel_loop3A_298 = arith.constant 1 : i32
        %parallel_loop3A_299 = arith.constant 2 : i32
        %parallel_loop3A_300 = arith.index_cast %parallel_loop3A_298 : i32 to index
        %parallel_loop3A_301 = arith.index_cast %parallel_loop3A_299 : i32 to index
        %parallel_loop3A_302 = arith.index_cast %parallel_loop3A_297 : i32 to index
        %parallel_loop3A_303 = tpu.vector_load %arg8[%parallel_loop3A_300, %parallel_loop3A_301, %parallel_loop3A_302] {strides = array<i32>} : memref<4x4x1024xf32, #tpu.memory_space<vmem>>, vector<1x1x16xf32>,
        %parallel_loop3A_304 = vector.shape_cast %parallel_loop3A_303 : vector<1x1x16xf32> to vector<16xf32>
        %parallel_loop3A_305 = vector.shape_cast %parallel_loop3A_295 : vector<16xf32> to vector<1x1x16xf32>
        tpu.vector_store %arg8[%parallel_loop3A_300, %parallel_loop3A_301, %parallel_loop3A_302], %parallel_loop3A_305 {strides = array<i32>} : memref<4x4x1024xf32, #tpu.memory_space<vmem>>, vector<1x1x16xf32>,
        %parallel_loop3A_306 = arith.constant 16 : i32
        %parallel_loop3A_307 = arith.muli %parallel_loop3A_247, %parallel_loop3A_306 : i32
        %parallel_loop3A_308 = arith.addi %mul3A_83, %parallel_loop3A_307 : i32
        %parallel_loop3A_309 = arith.index_cast %parallel_loop3A_308 : i32 to index
        %parallel_loop3A_310 = tpu.vector_load %arg7[%parallel_loop3A_309] {strides = array<i32>} : memref<25600xf32, #tpu.memory_space<vmem>>, vector<16xf32>,
        %parallel_loop3A_311 = vector.shape_cast %parallel_loop3A_310 : vector<16xf32> to vector<16xf32>
        %parallel_loop3A_312 = arith.addf %parallel_loop3A_311, %parallel_loop3A_254 : vector<16xf32>
        %parallel_loop3A_313 = arith.constant 16 : i32
        %parallel_loop3A_314 = arith.muli %parallel_loop3A_247, %parallel_loop3A_313 : i32
        %parallel_loop3A_315 = arith.constant 1 : i32
        %parallel_loop3A_316 = arith.constant 3 : i32
        %parallel_loop3A_317 = arith.index_cast %parallel_loop3A_315 : i32 to index
        %parallel_loop3A_318 = arith.index_cast %parallel_loop3A_316 : i32 to index
        %parallel_loop3A_319 = arith.index_cast %parallel_loop3A_314 : i32 to index
        %parallel_loop3A_320 = tpu.vector_load %arg8[%parallel_loop3A_317, %parallel_loop3A_318, %parallel_loop3A_319] {strides = array<i32>} : memref<4x4x1024xf32, #tpu.memory_space<vmem>>, vector<1x1x16xf32>,
        %parallel_loop3A_321 = vector.shape_cast %parallel_loop3A_320 : vector<1x1x16xf32> to vector<16xf32>
        %parallel_loop3A_322 = vector.shape_cast %parallel_loop3A_312 : vector<16xf32> to vector<1x1x16xf32>
        tpu.vector_store %arg8[%parallel_loop3A_317, %parallel_loop3A_318, %parallel_loop3A_319], %parallel_loop3A_322 {strides = array<i32>} : memref<4x4x1024xf32, #tpu.memory_space<vmem>>, vector<1x1x16xf32>,
      } {sc.loop_unroll_factor = 8 : i64, sc.parallel_access}
      %slice3A_87 = vector.extract_strided_slice %get3A_51 {offsets = [8], sizes = [1], strides = [1]} : vector<16xi32> to vector<1xi32>
      %squeeze3A_88 = vector.extract %slice3A_87[0] : i32 from vector<1xi32>
      %mul3A_89 = arith.constant 1024 : i32
      %mul3A_90 = arith.muli %squeeze3A_88, %mul3A_89 : i32
      %slice3A_91 = vector.extract_strided_slice %get3A_51 {offsets = [9], sizes = [1], strides = [1]} : vector<16xi32> to vector<1xi32>
      %squeeze3A_92 = vector.extract %slice3A_91[0] : i32 from vector<1xi32>
      %mul3A_93 = arith.constant 1024 : i32
      %mul3A_94 = arith.muli %squeeze3A_92, %mul3A_93 : i32
      %slice3A_95 = vector.extract_strided_slice %get3A_51 {offsets = [10], sizes = [1], strides = [1]} : vector<16xi32> to vector<1xi32>
      %squeeze3A_96 = vector.extract %slice3A_95[0] : i32 from vector<1xi32>
      %mul3A_97 = arith.constant 1024 : i32
      %mul3A_98 = arith.muli %squeeze3A_96, %mul3A_97 : i32
      %slice3A_99 = vector.extract_strided_slice %get3A_51 {offsets = [11], sizes = [1], strides = [1]} : vector<16xi32> to vector<1xi32>
      %squeeze3A_100 = vector.extract %slice3A_99[0] : i32 from vector<1xi32>
      %mul3A_101 = arith.constant 1024 : i32
      %mul3A_102 = arith.muli %squeeze3A_100, %mul3A_101 : i32
      %parallel_loop3A_103 = arith.constant 0 : i32
      %parallel_loop3A_104 = arith.constant 64 : i32
      %parallel_loop3A_105 = arith.constant 1 : i32
      scf.for %parallel_loop3A_247 = %parallel_loop3A_103 to %parallel_loop3A_104 step %parallel_loop3A_105  : i32 {
        %parallel_loop3A_248 = arith.constant 16 : i32
        %parallel_loop3A_249 = arith.muli %parallel_loop3A_247, %parallel_loop3A_248 : i32
        %parallel_loop3A_250 = arith.constant 2 : i32
        %parallel_loop3A_251 = arith.index_cast %parallel_loop3A_250 : i32 to index
        %parallel_loop3A_252 = arith.index_cast %parallel_loop3A_249 : i32 to index
        %parallel_loop3A_253 = tpu.vector_load %arg10[%parallel_loop3A_251, %parallel_loop3A_252] {strides = array<i32>} : memref<4x1024xf32, #tpu.memory_space<vmem>>, vector<1x16xf32>,
        %parallel_loop3A_254 = vector.shape_cast %parallel_loop3A_253 : vector<1x16xf32> to vector<16xf32>
        %parallel_loop3A_255 = arith.constant 16 : i32
        %parallel_loop3A_256 = arith.muli %parallel_loop3A_247, %parallel_loop3A_255 : i32
        %parallel_loop3A_257 = arith.addi %mul3A_90, %parallel_loop3A_256 : i32
        %parallel_loop3A_258 = arith.index_cast %parallel_loop3A_257 : i32 to index
        %parallel_loop3A_259 = tpu.vector_load %arg7[%parallel_loop3A_258] {strides = array<i32>} : memref<25600xf32, #tpu.memory_space<vmem>>, vector<16xf32>,
        %parallel_loop3A_260 = vector.shape_cast %parallel_loop3A_259 : vector<16xf32> to vector<16xf32>
        %parallel_loop3A_261 = arith.addf %parallel_loop3A_260, %parallel_loop3A_254 : vector<16xf32>
        %parallel_loop3A_262 = arith.constant 16 : i32
        %parallel_loop3A_263 = arith.muli %parallel_loop3A_247, %parallel_loop3A_262 : i32
        %parallel_loop3A_264 = arith.constant 2 : i32
        %parallel_loop3A_265 = arith.constant 0 : i32
        %parallel_loop3A_266 = arith.index_cast %parallel_loop3A_264 : i32 to index
        %parallel_loop3A_267 = arith.index_cast %parallel_loop3A_265 : i32 to index
        %parallel_loop3A_268 = arith.index_cast %parallel_loop3A_263 : i32 to index
        %parallel_loop3A_269 = tpu.vector_load %arg8[%parallel_loop3A_266, %parallel_loop3A_267, %parallel_loop3A_268] {strides = array<i32>} : memref<4x4x1024xf32, #tpu.memory_space<vmem>>, vector<1x1x16xf32>,
        %parallel_loop3A_270 = vector.shape_cast %parallel_loop3A_269 : vector<1x1x16xf32> to vector<16xf32>
        %parallel_loop3A_271 = vector.shape_cast %parallel_loop3A_261 : vector<16xf32> to vector<1x1x16xf32>
        tpu.vector_store %arg8[%parallel_loop3A_266, %parallel_loop3A_267, %parallel_loop3A_268], %parallel_loop3A_271 {strides = array<i32>} : memref<4x4x1024xf32, #tpu.memory_space<vmem>>, vector<1x1x16xf32>,
        %parallel_loop3A_272 = arith.constant 16 : i32
        %parallel_loop3A_273 = arith.muli %parallel_loop3A_247, %parallel_loop3A_272 : i32
        %parallel_loop3A_274 = arith.addi %mul3A_94, %parallel_loop3A_273 : i32
        %parallel_loop3A_275 = arith.index_cast %parallel_loop3A_274 : i32 to index
        %parallel_loop3A_276 = tpu.vector_load %arg7[%parallel_loop3A_275] {strides = array<i32>} : memref<25600xf32, #tpu.memory_space<vmem>>, vector<16xf32>,
        %parallel_loop3A_277 = vector.shape_cast %parallel_loop3A_276 : vector<16xf32> to vector<16xf32>
        %parallel_loop3A_278 = arith.addf %parallel_loop3A_277, %parallel_loop3A_254 : vector<16xf32>
        %parallel_loop3A_279 = arith.constant 16 : i32
        %parallel_loop3A_280 = arith.muli %parallel_loop3A_247, %parallel_loop3A_279 : i32
        %parallel_loop3A_281 = arith.constant 2 : i32
        %parallel_loop3A_282 = arith.constant 1 : i32
        %parallel_loop3A_283 = arith.index_cast %parallel_loop3A_281 : i32 to index
        %parallel_loop3A_284 = arith.index_cast %parallel_loop3A_282 : i32 to index
        %parallel_loop3A_285 = arith.index_cast %parallel_loop3A_280 : i32 to index
        %parallel_loop3A_286 = tpu.vector_load %arg8[%parallel_loop3A_283, %parallel_loop3A_284, %parallel_loop3A_285] {strides = array<i32>} : memref<4x4x1024xf32, #tpu.memory_space<vmem>>, vector<1x1x16xf32>,
        %parallel_loop3A_287 = vector.shape_cast %parallel_loop3A_286 : vector<1x1x16xf32> to vector<16xf32>
        %parallel_loop3A_288 = vector.shape_cast %parallel_loop3A_278 : vector<16xf32> to vector<1x1x16xf32>
        tpu.vector_store %arg8[%parallel_loop3A_283, %parallel_loop3A_284, %parallel_loop3A_285], %parallel_loop3A_288 {strides = array<i32>} : memref<4x4x1024xf32, #tpu.memory_space<vmem>>, vector<1x1x16xf32>,
        %parallel_loop3A_289 = arith.constant 16 : i32
        %parallel_loop3A_290 = arith.muli %parallel_loop3A_247, %parallel_loop3A_289 : i32
        %parallel_loop3A_291 = arith.addi %mul3A_98, %parallel_loop3A_290 : i32
        %parallel_loop3A_292 = arith.index_cast %parallel_loop3A_291 : i32 to index
        %parallel_loop3A_293 = tpu.vector_load %arg7[%parallel_loop3A_292] {strides = array<i32>} : memref<25600xf32, #tpu.memory_space<vmem>>, vector<16xf32>,
        %parallel_loop3A_294 = vector.shape_cast %parallel_loop3A_293 : vector<16xf32> to vector<16xf32>
        %parallel_loop3A_295 = arith.addf %parallel_loop3A_294, %parallel_loop3A_254 : vector<16xf32>
        %parallel_loop3A_296 = arith.constant 16 : i32
        %parallel_loop3A_297 = arith.muli %parallel_loop3A_247, %parallel_loop3A_296 : i32
        %parallel_loop3A_298 = arith.constant 2 : i32
        %parallel_loop3A_299 = arith.constant 2 : i32
        %parallel_loop3A_300 = arith.index_cast %parallel_loop3A_298 : i32 to index
        %parallel_loop3A_301 = arith.index_cast %parallel_loop3A_299 : i32 to index
        %parallel_loop3A_302 = arith.index_cast %parallel_loop3A_297 : i32 to index
        %parallel_loop3A_303 = tpu.vector_load %arg8[%parallel_loop3A_300, %parallel_loop3A_301, %parallel_loop3A_302] {strides = array<i32>} : memref<4x4x1024xf32, #tpu.memory_space<vmem>>, vector<1x1x16xf32>,
        %parallel_loop3A_304 = vector.shape_cast %parallel_loop3A_303 : vector<1x1x16xf32> to vector<16xf32>
        %parallel_loop3A_305 = vector.shape_cast %parallel_loop3A_295 : vector<16xf32> to vector<1x1x16xf32>
        tpu.vector_store %arg8[%parallel_loop3A_300, %parallel_loop3A_301, %parallel_loop3A_302], %parallel_loop3A_305 {strides = array<i32>} : memref<4x4x1024xf32, #tpu.memory_space<vmem>>, vector<1x1x16xf32>,
        %parallel_loop3A_306 = arith.constant 16 : i32
        %parallel_loop3A_307 = arith.muli %parallel_loop3A_247, %parallel_loop3A_306 : i32
        %parallel_loop3A_308 = arith.addi %mul3A_102, %parallel_loop3A_307 : i32
        %parallel_loop3A_309 = arith.index_cast %parallel_loop3A_308 : i32 to index
        %parallel_loop3A_310 = tpu.vector_load %arg7[%parallel_loop3A_309] {strides = array<i32>} : memref<25600xf32, #tpu.memory_space<vmem>>, vector<16xf32>,
        %parallel_loop3A_311 = vector.shape_cast %parallel_loop3A_310 : vector<16xf32> to vector<16xf32>
        %parallel_loop3A_312 = arith.addf %parallel_loop3A_311, %parallel_loop3A_254 : vector<16xf32>
        %parallel_loop3A_313 = arith.constant 16 : i32
        %parallel_loop3A_314 = arith.muli %parallel_loop3A_247, %parallel_loop3A_313 : i32
        %parallel_loop3A_315 = arith.constant 2 : i32
        %parallel_loop3A_316 = arith.constant 3 : i32
        %parallel_loop3A_317 = arith.index_cast %parallel_loop3A_315 : i32 to index
        %parallel_loop3A_318 = arith.index_cast %parallel_loop3A_316 : i32 to index
        %parallel_loop3A_319 = arith.index_cast %parallel_loop3A_314 : i32 to index
        %parallel_loop3A_320 = tpu.vector_load %arg8[%parallel_loop3A_317, %parallel_loop3A_318, %parallel_loop3A_319] {strides = array<i32>} : memref<4x4x1024xf32, #tpu.memory_space<vmem>>, vector<1x1x16xf32>,
        %parallel_loop3A_321 = vector.shape_cast %parallel_loop3A_320 : vector<1x1x16xf32> to vector<16xf32>
        %parallel_loop3A_322 = vector.shape_cast %parallel_loop3A_312 : vector<16xf32> to vector<1x1x16xf32>
        tpu.vector_store %arg8[%parallel_loop3A_317, %parallel_loop3A_318, %parallel_loop3A_319], %parallel_loop3A_322 {strides = array<i32>} : memref<4x4x1024xf32, #tpu.memory_space<vmem>>, vector<1x1x16xf32>,
      } {sc.loop_unroll_factor = 8 : i64, sc.parallel_access}
      %slice3A_106 = vector.extract_strided_slice %get3A_51 {offsets = [12], sizes = [1], strides = [1]} : vector<16xi32> to vector<1xi32>
      %squeeze3A_107 = vector.extract %slice3A_106[0] : i32 from vector<1xi32>
      %mul3A_108 = arith.constant 1024 : i32
      %mul3A_109 = arith.muli %squeeze3A_107, %mul3A_108 : i32
      %slice3A_110 = vector.extract_strided_slice %get3A_51 {offsets = [13], sizes = [1], strides = [1]} : vector<16xi32> to vector<1xi32>
      %squeeze3A_111 = vector.extract %slice3A_110[0] : i32 from vector<1xi32>
      %mul3A_112 = arith.constant 1024 : i32
      %mul3A_113 = arith.muli %squeeze3A_111, %mul3A_112 : i32
      %slice3A_114 = vector.extract_strided_slice %get3A_51 {offsets = [14], sizes = [1], strides = [1]} : vector<16xi32> to vector<1xi32>
      %squeeze3A_115 = vector.extract %slice3A_114[0] : i32 from vector<1xi32>
      %mul3A_116 = arith.constant 1024 : i32
      %mul3A_117 = arith.muli %squeeze3A_115, %mul3A_116 : i32
      %slice3A_118 = vector.extract_strided_slice %get3A_51 {offsets = [15], sizes = [1], strides = [1]} : vector<16xi32> to vector<1xi32>
      %squeeze3A_119 = vector.extract %slice3A_118[0] : i32 from vector<1xi32>
      %mul3A_120 = arith.constant 1024 : i32
      %mul3A_121 = arith.muli %squeeze3A_119, %mul3A_120 : i32
      %parallel_loop3A_122 = arith.constant 0 : i32
      %parallel_loop3A_123 = arith.constant 64 : i32
      %parallel_loop3A_124 = arith.constant 1 : i32
      scf.for %parallel_loop3A_247 = %parallel_loop3A_122 to %parallel_loop3A_123 step %parallel_loop3A_124  : i32 {
        %parallel_loop3A_248 = arith.constant 16 : i32
        %parallel_loop3A_249 = arith.muli %parallel_loop3A_247, %parallel_loop3A_248 : i32
        %parallel_loop3A_250 = arith.constant 3 : i32
        %parallel_loop3A_251 = arith.index_cast %parallel_loop3A_250 : i32 to index
        %parallel_loop3A_252 = arith.index_cast %parallel_loop3A_249 : i32 to index
        %parallel_loop3A_253 = tpu.vector_load %arg10[%parallel_loop3A_251, %parallel_loop3A_252] {strides = array<i32>} : memref<4x1024xf32, #tpu.memory_space<vmem>>, vector<1x16xf32>,
        %parallel_loop3A_254 = vector.shape_cast %parallel_loop3A_253 : vector<1x16xf32> to vector<16xf32>
        %parallel_loop3A_255 = arith.constant 16 : i32
        %parallel_loop3A_256 = arith.muli %parallel_loop3A_247, %parallel_loop3A_255 : i32
        %parallel_loop3A_257 = arith.addi %mul3A_109, %parallel_loop3A_256 : i32
        %parallel_loop3A_258 = arith.index_cast %parallel_loop3A_257 : i32 to index
        %parallel_loop3A_259 = tpu.vector_load %arg7[%parallel_loop3A_258] {strides = array<i32>} : memref<25600xf32, #tpu.memory_space<vmem>>, vector<16xf32>,
        %parallel_loop3A_260 = vector.shape_cast %parallel_loop3A_259 : vector<16xf32> to vector<16xf32>
        %parallel_loop3A_261 = arith.addf %parallel_loop3A_260, %parallel_loop3A_254 : vector<16xf32>
        %parallel_loop3A_262 = arith.constant 16 : i32
        %parallel_loop3A_263 = arith.muli %parallel_loop3A_247, %parallel_loop3A_262 : i32
        %parallel_loop3A_264 = arith.constant 3 : i32
        %parallel_loop3A_265 = arith.constant 0 : i32
        %parallel_loop3A_266 = arith.index_cast %parallel_loop3A_264 : i32 to index
        %parallel_loop3A_267 = arith.index_cast %parallel_loop3A_265 : i32 to index
        %parallel_loop3A_268 = arith.index_cast %parallel_loop3A_263 : i32 to index
        %parallel_loop3A_269 = tpu.vector_load %arg8[%parallel_loop3A_266, %parallel_loop3A_267, %parallel_loop3A_268] {strides = array<i32>} : memref<4x4x1024xf32, #tpu.memory_space<vmem>>, vector<1x1x16xf32>,
        %parallel_loop3A_270 = vector.shape_cast %parallel_loop3A_269 : vector<1x1x16xf32> to vector<16xf32>
        %parallel_loop3A_271 = vector.shape_cast %parallel_loop3A_261 : vector<16xf32> to vector<1x1x16xf32>
        tpu.vector_store %arg8[%parallel_loop3A_266, %parallel_loop3A_267, %parallel_loop3A_268], %parallel_loop3A_271 {strides = array<i32>} : memref<4x4x1024xf32, #tpu.memory_space<vmem>>, vector<1x1x16xf32>,
        %parallel_loop3A_272 = arith.constant 16 : i32
        %parallel_loop3A_273 = arith.muli %parallel_loop3A_247, %parallel_loop3A_272 : i32
        %parallel_loop3A_274 = arith.addi %mul3A_113, %parallel_loop3A_273 : i32
        %parallel_loop3A_275 = arith.index_cast %parallel_loop3A_274 : i32 to index
        %parallel_loop3A_276 = tpu.vector_load %arg7[%parallel_loop3A_275] {strides = array<i32>} : memref<25600xf32, #tpu.memory_space<vmem>>, vector<16xf32>,
        %parallel_loop3A_277 = vector.shape_cast %parallel_loop3A_276 : vector<16xf32> to vector<16xf32>
        %parallel_loop3A_278 = arith.addf %parallel_loop3A_277, %parallel_loop3A_254 : vector<16xf32>
        %parallel_loop3A_279 = arith.constant 16 : i32
        %parallel_loop3A_280 = arith.muli %parallel_loop3A_247, %parallel_loop3A_279 : i32
        %parallel_loop3A_281 = arith.constant 3 : i32
        %parallel_loop3A_282 = arith.constant 1 : i32
        %parallel_loop3A_283 = arith.index_cast %parallel_loop3A_281 : i32 to index
        %parallel_loop3A_284 = arith.index_cast %parallel_loop3A_282 : i32 to index
        %parallel_loop3A_285 = arith.index_cast %parallel_loop3A_280 : i32 to index
        %parallel_loop3A_286 = tpu.vector_load %arg8[%parallel_loop3A_283, %parallel_loop3A_284, %parallel_loop3A_285] {strides = array<i32>} : memref<4x4x1024xf32, #tpu.memory_space<vmem>>, vector<1x1x16xf32>,
        %parallel_loop3A_287 = vector.shape_cast %parallel_loop3A_286 : vector<1x1x16xf32> to vector<16xf32>
        %parallel_loop3A_288 = vector.shape_cast %parallel_loop3A_278 : vector<16xf32> to vector<1x1x16xf32>
        tpu.vector_store %arg8[%parallel_loop3A_283, %parallel_loop3A_284, %parallel_loop3A_285], %parallel_loop3A_288 {strides = array<i32>} : memref<4x4x1024xf32, #tpu.memory_space<vmem>>, vector<1x1x16xf32>,
        %parallel_loop3A_289 = arith.constant 16 : i32
        %parallel_loop3A_290 = arith.muli %parallel_loop3A_247, %parallel_loop3A_289 : i32
        %parallel_loop3A_291 = arith.addi %mul3A_117, %parallel_loop3A_290 : i32
        %parallel_loop3A_292 = arith.index_cast %parallel_loop3A_291 : i32 to index
        %parallel_loop3A_293 = tpu.vector_load %arg7[%parallel_loop3A_292] {strides = array<i32>} : memref<25600xf32, #tpu.memory_space<vmem>>, vector<16xf32>,
        %parallel_loop3A_294 = vector.shape_cast %parallel_loop3A_293 : vector<16xf32> to vector<16xf32>
        %parallel_loop3A_295 = arith.addf %parallel_loop3A_294, %parallel_loop3A_254 : vector<16xf32>
        %parallel_loop3A_296 = arith.constant 16 : i32
        %parallel_loop3A_297 = arith.muli %parallel_loop3A_247, %parallel_loop3A_296 : i32
        %parallel_loop3A_298 = arith.constant 3 : i32
        %parallel_loop3A_299 = arith.constant 2 : i32
        %parallel_loop3A_300 = arith.index_cast %parallel_loop3A_298 : i32 to index
        %parallel_loop3A_301 = arith.index_cast %parallel_loop3A_299 : i32 to index
        %parallel_loop3A_302 = arith.index_cast %parallel_loop3A_297 : i32 to index
        %parallel_loop3A_303 = tpu.vector_load %arg8[%parallel_loop3A_300, %parallel_loop3A_301, %parallel_loop3A_302] {strides = array<i32>} : memref<4x4x1024xf32, #tpu.memory_space<vmem>>, vector<1x1x16xf32>,
        %parallel_loop3A_304 = vector.shape_cast %parallel_loop3A_303 : vector<1x1x16xf32> to vector<16xf32>
        %parallel_loop3A_305 = vector.shape_cast %parallel_loop3A_295 : vector<16xf32> to vector<1x1x16xf32>
        tpu.vector_store %arg8[%parallel_loop3A_300, %parallel_loop3A_301, %parallel_loop3A_302], %parallel_loop3A_305 {strides = array<i32>} : memref<4x4x1024xf32, #tpu.memory_space<vmem>>, vector<1x1x16xf32>,
        %parallel_loop3A_306 = arith.constant 16 : i32
        %parallel_loop3A_307 = arith.muli %parallel_loop3A_247, %parallel_loop3A_306 : i32
        %parallel_loop3A_308 = arith.addi %mul3A_121, %parallel_loop3A_307 : i32
        %parallel_loop3A_309 = arith.index_cast %parallel_loop3A_308 : i32 to index
        %parallel_loop3A_310 = tpu.vector_load %arg7[%parallel_loop3A_309] {strides = array<i32>} : memref<25600xf32, #tpu.memory_space<vmem>>, vector<16xf32>,
        %parallel_loop3A_311 = vector.shape_cast %parallel_loop3A_310 : vector<16xf32> to vector<16xf32>
        %parallel_loop3A_312 = arith.addf %parallel_loop3A_311, %parallel_loop3A_254 : vector<16xf32>
        %parallel_loop3A_313 = arith.constant 16 : i32
        %parallel_loop3A_314 = arith.muli %parallel_loop3A_247, %parallel_loop3A_313 : i32
        %parallel_loop3A_315 = arith.constant 3 : i32
        %parallel_loop3A_316 = arith.constant 3 : i32
        %parallel_loop3A_317 = arith.index_cast %parallel_loop3A_315 : i32 to index
        %parallel_loop3A_318 = arith.index_cast %parallel_loop3A_316 : i32 to index
        %parallel_loop3A_319 = arith.index_cast %parallel_loop3A_314 : i32 to index
        %parallel_loop3A_320 = tpu.vector_load %arg8[%parallel_loop3A_317, %parallel_loop3A_318, %parallel_loop3A_319] {strides = array<i32>} : memref<4x4x1024xf32, #tpu.memory_space<vmem>>, vector<1x1x16xf32>,
        %parallel_loop3A_321 = vector.shape_cast %parallel_loop3A_320 : vector<1x1x16xf32> to vector<16xf32>
        %parallel_loop3A_322 = vector.shape_cast %parallel_loop3A_312 : vector<16xf32> to vector<1x1x16xf32>
        tpu.vector_store %arg8[%parallel_loop3A_317, %parallel_loop3A_318, %parallel_loop3A_319], %parallel_loop3A_322 {strides = array<i32>} : memref<4x4x1024xf32, #tpu.memory_space<vmem>>, vector<1x1x16xf32>,
      } {sc.loop_unroll_factor = 8 : i64, sc.parallel_access}
      %dma_start3A_125 = arith.constant 0 : i32
      %dma_start3A_126 = arith.constant 0 : i32
      %dma_start3A_127 = tpu.memref_slice %arg5[%add3A_41, %dma_start3A_125, %dma_start3A_126] : memref<4096x4x1024xf32, #tpu.memory_space<hbm>> -> memref<4x4x1024xf32, #tpu.memory_space<hbm>>
      %dma_start3A_128 = arith.constant 0 : i32
      %dma_start3A_129 = arith.constant 0 : i32
      %dma_start3A_130 = tpu.memref_slice %arg5[%add3A_41, %dma_start3A_128, %dma_start3A_129] : memref<4096x4x1024xf32, #tpu.memory_space<hbm>> -> memref<4x4x1024xf32, #tpu.memory_space<hbm>>
      tpu.enqueue_dma source(%arg8 : memref<4x4x1024xf32, #tpu.memory_space<vmem>>) target(%dma_start3A_130 : memref<4x4x1024xf32, #tpu.memory_space<hbm>>) target_semaphore(%arg14 : memref<!tpu.dma_semaphore, #tpu.memory_space<semaphore_mem>>)
      %add3A_131 = arith.constant 2 : i32
      %add3A_132 = arith.addi %mul3A_38, %add3A_131 : i32
      %lt3A = arith.constant 32 : i32
      %lt3A_133 = arith.cmpi slt, %add3A_132, %lt3A : i32
      %convert_element_type3A_134 = arith.extui %lt3A_133 : i1 to i32
      %cond3A_135 = arith.constant 0 : i32
      %cond3A_136 = arith.cmpi ne, %convert_element_type3A_134, %cond3A_135 : i32
      scf.if %cond3A_136 {
        %add3A_247 = arith.constant 2 : i32
        %add3A_248 = arith.addi %mul3A_38, %add3A_247 : i32
        %mul3A_249 = arith.constant 4 : i32
        %mul3A_250 = arith.muli %add3A_248, %mul3A_249 : i32
        %add3A_251 = arith.addi %mul3A_4, %mul3A_250 : i32
        %dma_start3A_252 = arith.constant 0 : i32
        %dma_start3A_253 = tpu.memref_slice %arg4[%add3A_251, %dma_start3A_252] : memref<5000x1024xf32, #tpu.memory_space<hbm>> -> memref<4x1024xf32, #tpu.memory_space<hbm>>
        %dma_start3A_254 = arith.constant 0 : i32
        %dma_start3A_255 = tpu.memref_slice %arg4[%add3A_251, %dma_start3A_254] : memref<5000x1024xf32, #tpu.memory_space<hbm>> -> memref<4x1024xf32, #tpu.memory_space<hbm>>
        tpu.enqueue_dma source(%dma_start3A_255 : memref<4x1024xf32, #tpu.memory_space<hbm>>) target(%arg10 : memref<4x1024xf32, #tpu.memory_space<vmem>>) target_semaphore(%arg12 : memref<!tpu.dma_semaphore, #tpu.memory_space<semaphore_mem>>)
      } else {
      }
      %mul3A_137 = arith.constant 2 : i32
      %mul3A_138 = arith.muli %mul3A_137, %scan3A_36 : i32
      %add3A_139 = arith.constant 1 : i32
      %add3A_140 = arith.addi %mul3A_138, %add3A_139 : i32
      %mul3A_141 = arith.constant 4 : i32
      %mul3A_142 = arith.muli %add3A_140, %mul3A_141 : i32
      %add3A_143 = arith.addi %mul3A_4, %mul3A_142 : i32
      %dma_wait3A_144 = arith.constant 0 : i32
      %dma_wait3A_145 = tpu.memref_slice %arg4[%add3A_143, %dma_wait3A_144] : memref<5000x1024xf32, #tpu.memory_space<hbm>> -> memref<4x1024xf32, #tpu.memory_space<hbm>>
      %dma_wait3A_146 = arith.constant 0 : i32
      %dma_wait3A_147 = tpu.memref_slice %arg4[%add3A_143, %dma_wait3A_146] : memref<5000x1024xf32, #tpu.memory_space<hbm>> -> memref<4x1024xf32, #tpu.memory_space<hbm>>
      tpu.wait_dma2 semaphore(%arg13 : memref<!tpu.dma_semaphore, #tpu.memory_space<semaphore_mem>>) src(%dma_wait3A_147 : memref<4x1024xf32, #tpu.memory_space<hbm>>) dst(%arg11 : memref<4x1024xf32, #tpu.memory_space<vmem>>)
      %ge3A_148 = arith.constant 2 : i32
      %ge3A_149 = arith.cmpi sge, %add3A_140, %ge3A_148 : i32
      %convert_element_type3A_150 = arith.extui %ge3A_149 : i1 to i32
      %cond3A_151 = arith.constant 0 : i32
      %cond3A_152 = arith.cmpi ne, %convert_element_type3A_150, %cond3A_151 : i32
      scf.if %cond3A_152 {
        %sub3A = arith.constant 8 : i32
        %sub3A_247 = arith.subi %add3A_143, %sub3A : i32
        %dma_wait3A_248 = arith.constant 0 : i32
        %dma_wait3A_249 = arith.constant 0 : i32
        %dma_wait3A_250 = tpu.memref_slice %arg5[%sub3A_247, %dma_wait3A_248, %dma_wait3A_249] : memref<4096x4x1024xf32, #tpu.memory_space<hbm>> -> memref<4x4x1024xf32, #tpu.memory_space<hbm>>
        %dma_wait3A_251 = arith.constant 0 : i32
        %dma_wait3A_252 = arith.constant 0 : i32
        %dma_wait3A_253 = tpu.memref_slice %arg5[%sub3A_247, %dma_wait3A_251, %dma_wait3A_252] : memref<4096x4x1024xf32, #tpu.memory_space<hbm>> -> memref<4x4x1024xf32, #tpu.memory_space<hbm>>
        tpu.wait_dma2 semaphore(%arg15 : memref<!tpu.dma_semaphore, #tpu.memory_space<semaphore_mem>>) src(%arg9 : memref<4x4x1024xf32, #tpu.memory_space<vmem>>) dst(%dma_wait3A_253 : memref<4x4x1024xf32, #tpu.memory_space<hbm>>)
      } else {
      }
      %mul3A_153 = arith.constant 16 : i32
      %mul3A_154 = arith.muli %add3A_140, %mul3A_153 : i32
      %get3A_155 = arith.index_cast %mul3A_154 : i32 to index
      %get3A_156 = tpu.vector_load %arg6[%get3A_155] {strides = array<i32>} : memref<512xi32, #tpu.memory_space<vmem>>, vector<16xi32>,
      %get3A_157 = vector.shape_cast %get3A_156 : vector<16xi32> to vector<16xi32>
      %slice3A_158 = vector.extract_strided_slice %get3A_157 {offsets = [0], sizes = [1], strides = [1]} : vector<16xi32> to vector<1xi32>
      %squeeze3A_159 = vector.extract %slice3A_158[0] : i32 from vector<1xi32>
      %mul3A_160 = arith.constant 1024 : i32
      %mul3A_161 = arith.muli %squeeze3A_159, %mul3A_160 : i32
      %slice3A_162 = vector.extract_strided_slice %get3A_157 {offsets = [1], sizes = [1], strides = [1]} : vector<16xi32> to vector<1xi32>
      %squeeze3A_163 = vector.extract %slice3A_162[0] : i32 from vector<1xi32>
      %mul3A_164 = arith.constant 1024 : i32
      %mul3A_165 = arith.muli %squeeze3A_163, %mul3A_164 : i32
      %slice3A_166 = vector.extract_strided_slice %get3A_157 {offsets = [2], sizes = [1], strides = [1]} : vector<16xi32> to vector<1xi32>
      %squeeze3A_167 = vector.extract %slice3A_166[0] : i32 from vector<1xi32>
      %mul3A_168 = arith.constant 1024 : i32
      %mul3A_169 = arith.muli %squeeze3A_167, %mul3A_168 : i32
      %slice3A_170 = vector.extract_strided_slice %get3A_157 {offsets = [3], sizes = [1], strides = [1]} : vector<16xi32> to vector<1xi32>
      %squeeze3A_171 = vector.extract %slice3A_170[0] : i32 from vector<1xi32>
      %mul3A_172 = arith.constant 1024 : i32
      %mul3A_173 = arith.muli %squeeze3A_171, %mul3A_172 : i32
      %parallel_loop3A_174 = arith.constant 0 : i32
      %parallel_loop3A_175 = arith.constant 64 : i32
      %parallel_loop3A_176 = arith.constant 1 : i32
      scf.for %parallel_loop3A_247 = %parallel_loop3A_174 to %parallel_loop3A_175 step %parallel_loop3A_176  : i32 {
        %parallel_loop3A_248 = arith.constant 16 : i32
        %parallel_loop3A_249 = arith.muli %parallel_loop3A_247, %parallel_loop3A_248 : i32
        %parallel_loop3A_250 = arith.constant 0 : i32
        %parallel_loop3A_251 = arith.index_cast %parallel_loop3A_250 : i32 to index
        %parallel_loop3A_252 = arith.index_cast %parallel_loop3A_249 : i32 to index
        %parallel_loop3A_253 = tpu.vector_load %arg11[%parallel_loop3A_251, %parallel_loop3A_252] {strides = array<i32>} : memref<4x1024xf32, #tpu.memory_space<vmem>>, vector<1x16xf32>,
        %parallel_loop3A_254 = vector.shape_cast %parallel_loop3A_253 : vector<1x16xf32> to vector<16xf32>
        %parallel_loop3A_255 = arith.constant 16 : i32
        %parallel_loop3A_256 = arith.muli %parallel_loop3A_247, %parallel_loop3A_255 : i32
        %parallel_loop3A_257 = arith.addi %mul3A_161, %parallel_loop3A_256 : i32
        %parallel_loop3A_258 = arith.index_cast %parallel_loop3A_257 : i32 to index
        %parallel_loop3A_259 = tpu.vector_load %arg7[%parallel_loop3A_258] {strides = array<i32>} : memref<25600xf32, #tpu.memory_space<vmem>>, vector<16xf32>,
        %parallel_loop3A_260 = vector.shape_cast %parallel_loop3A_259 : vector<16xf32> to vector<16xf32>
        %parallel_loop3A_261 = arith.addf %parallel_loop3A_260, %parallel_loop3A_254 : vector<16xf32>
        %parallel_loop3A_262 = arith.constant 16 : i32
        %parallel_loop3A_263 = arith.muli %parallel_loop3A_247, %parallel_loop3A_262 : i32
        %parallel_loop3A_264 = arith.constant 0 : i32
        %parallel_loop3A_265 = arith.constant 0 : i32
        %parallel_loop3A_266 = arith.index_cast %parallel_loop3A_264 : i32 to index
        %parallel_loop3A_267 = arith.index_cast %parallel_loop3A_265 : i32 to index
        %parallel_loop3A_268 = arith.index_cast %parallel_loop3A_263 : i32 to index
        %parallel_loop3A_269 = tpu.vector_load %arg9[%parallel_loop3A_266, %parallel_loop3A_267, %parallel_loop3A_268] {strides = array<i32>} : memref<4x4x1024xf32, #tpu.memory_space<vmem>>, vector<1x1x16xf32>,
        %parallel_loop3A_270 = vector.shape_cast %parallel_loop3A_269 : vector<1x1x16xf32> to vector<16xf32>
        %parallel_loop3A_271 = vector.shape_cast %parallel_loop3A_261 : vector<16xf32> to vector<1x1x16xf32>
        tpu.vector_store %arg9[%parallel_loop3A_266, %parallel_loop3A_267, %parallel_loop3A_268], %parallel_loop3A_271 {strides = array<i32>} : memref<4x4x1024xf32, #tpu.memory_space<vmem>>, vector<1x1x16xf32>,
        %parallel_loop3A_272 = arith.constant 16 : i32
        %parallel_loop3A_273 = arith.muli %parallel_loop3A_247, %parallel_loop3A_272 : i32
        %parallel_loop3A_274 = arith.addi %mul3A_165, %parallel_loop3A_273 : i32
        %parallel_loop3A_275 = arith.index_cast %parallel_loop3A_274 : i32 to index
        %parallel_loop3A_276 = tpu.vector_load %arg7[%parallel_loop3A_275] {strides = array<i32>} : memref<25600xf32, #tpu.memory_space<vmem>>, vector<16xf32>,
        %parallel_loop3A_277 = vector.shape_cast %parallel_loop3A_276 : vector<16xf32> to vector<16xf32>
        %parallel_loop3A_278 = arith.addf %parallel_loop3A_277, %parallel_loop3A_254 : vector<16xf32>
        %parallel_loop3A_279 = arith.constant 16 : i32
        %parallel_loop3A_280 = arith.muli %parallel_loop3A_247, %parallel_loop3A_279 : i32
        %parallel_loop3A_281 = arith.constant 0 : i32
        %parallel_loop3A_282 = arith.constant 1 : i32
        %parallel_loop3A_283 = arith.index_cast %parallel_loop3A_281 : i32 to index
        %parallel_loop3A_284 = arith.index_cast %parallel_loop3A_282 : i32 to index
        %parallel_loop3A_285 = arith.index_cast %parallel_loop3A_280 : i32 to index
        %parallel_loop3A_286 = tpu.vector_load %arg9[%parallel_loop3A_283, %parallel_loop3A_284, %parallel_loop3A_285] {strides = array<i32>} : memref<4x4x1024xf32, #tpu.memory_space<vmem>>, vector<1x1x16xf32>,
        %parallel_loop3A_287 = vector.shape_cast %parallel_loop3A_286 : vector<1x1x16xf32> to vector<16xf32>
        %parallel_loop3A_288 = vector.shape_cast %parallel_loop3A_278 : vector<16xf32> to vector<1x1x16xf32>
        tpu.vector_store %arg9[%parallel_loop3A_283, %parallel_loop3A_284, %parallel_loop3A_285], %parallel_loop3A_288 {strides = array<i32>} : memref<4x4x1024xf32, #tpu.memory_space<vmem>>, vector<1x1x16xf32>,
        %parallel_loop3A_289 = arith.constant 16 : i32
        %parallel_loop3A_290 = arith.muli %parallel_loop3A_247, %parallel_loop3A_289 : i32
        %parallel_loop3A_291 = arith.addi %mul3A_169, %parallel_loop3A_290 : i32
        %parallel_loop3A_292 = arith.index_cast %parallel_loop3A_291 : i32 to index
        %parallel_loop3A_293 = tpu.vector_load %arg7[%parallel_loop3A_292] {strides = array<i32>} : memref<25600xf32, #tpu.memory_space<vmem>>, vector<16xf32>,
        %parallel_loop3A_294 = vector.shape_cast %parallel_loop3A_293 : vector<16xf32> to vector<16xf32>
        %parallel_loop3A_295 = arith.addf %parallel_loop3A_294, %parallel_loop3A_254 : vector<16xf32>
        %parallel_loop3A_296 = arith.constant 16 : i32
        %parallel_loop3A_297 = arith.muli %parallel_loop3A_247, %parallel_loop3A_296 : i32
        %parallel_loop3A_298 = arith.constant 0 : i32
        %parallel_loop3A_299 = arith.constant 2 : i32
        %parallel_loop3A_300 = arith.index_cast %parallel_loop3A_298 : i32 to index
        %parallel_loop3A_301 = arith.index_cast %parallel_loop3A_299 : i32 to index
        %parallel_loop3A_302 = arith.index_cast %parallel_loop3A_297 : i32 to index
        %parallel_loop3A_303 = tpu.vector_load %arg9[%parallel_loop3A_300, %parallel_loop3A_301, %parallel_loop3A_302] {strides = array<i32>} : memref<4x4x1024xf32, #tpu.memory_space<vmem>>, vector<1x1x16xf32>,
        %parallel_loop3A_304 = vector.shape_cast %parallel_loop3A_303 : vector<1x1x16xf32> to vector<16xf32>
        %parallel_loop3A_305 = vector.shape_cast %parallel_loop3A_295 : vector<16xf32> to vector<1x1x16xf32>
        tpu.vector_store %arg9[%parallel_loop3A_300, %parallel_loop3A_301, %parallel_loop3A_302], %parallel_loop3A_305 {strides = array<i32>} : memref<4x4x1024xf32, #tpu.memory_space<vmem>>, vector<1x1x16xf32>,
        %parallel_loop3A_306 = arith.constant 16 : i32
        %parallel_loop3A_307 = arith.muli %parallel_loop3A_247, %parallel_loop3A_306 : i32
        %parallel_loop3A_308 = arith.addi %mul3A_173, %parallel_loop3A_307 : i32
        %parallel_loop3A_309 = arith.index_cast %parallel_loop3A_308 : i32 to index
        %parallel_loop3A_310 = tpu.vector_load %arg7[%parallel_loop3A_309] {strides = array<i32>} : memref<25600xf32, #tpu.memory_space<vmem>>, vector<16xf32>,
        %parallel_loop3A_311 = vector.shape_cast %parallel_loop3A_310 : vector<16xf32> to vector<16xf32>
        %parallel_loop3A_312 = arith.addf %parallel_loop3A_311, %parallel_loop3A_254 : vector<16xf32>
        %parallel_loop3A_313 = arith.constant 16 : i32
        %parallel_loop3A_314 = arith.muli %parallel_loop3A_247, %parallel_loop3A_313 : i32
        %parallel_loop3A_315 = arith.constant 0 : i32
        %parallel_loop3A_316 = arith.constant 3 : i32
        %parallel_loop3A_317 = arith.index_cast %parallel_loop3A_315 : i32 to index
        %parallel_loop3A_318 = arith.index_cast %parallel_loop3A_316 : i32 to index
        %parallel_loop3A_319 = arith.index_cast %parallel_loop3A_314 : i32 to index
        %parallel_loop3A_320 = tpu.vector_load %arg9[%parallel_loop3A_317, %parallel_loop3A_318, %parallel_loop3A_319] {strides = array<i32>} : memref<4x4x1024xf32, #tpu.memory_space<vmem>>, vector<1x1x16xf32>,
        %parallel_loop3A_321 = vector.shape_cast %parallel_loop3A_320 : vector<1x1x16xf32> to vector<16xf32>
        %parallel_loop3A_322 = vector.shape_cast %parallel_loop3A_312 : vector<16xf32> to vector<1x1x16xf32>
        tpu.vector_store %arg9[%parallel_loop3A_317, %parallel_loop3A_318, %parallel_loop3A_319], %parallel_loop3A_322 {strides = array<i32>} : memref<4x4x1024xf32, #tpu.memory_space<vmem>>, vector<1x1x16xf32>,
      } {sc.loop_unroll_factor = 8 : i64, sc.parallel_access}
      %slice3A_177 = vector.extract_strided_slice %get3A_157 {offsets = [4], sizes = [1], strides = [1]} : vector<16xi32> to vector<1xi32>
      %squeeze3A_178 = vector.extract %slice3A_177[0] : i32 from vector<1xi32>
      %mul3A_179 = arith.constant 1024 : i32
      %mul3A_180 = arith.muli %squeeze3A_178, %mul3A_179 : i32
      %slice3A_181 = vector.extract_strided_slice %get3A_157 {offsets = [5], sizes = [1], strides = [1]} : vector<16xi32> to vector<1xi32>
      %squeeze3A_182 = vector.extract %slice3A_181[0] : i32 from vector<1xi32>
      %mul3A_183 = arith.constant 1024 : i32
      %mul3A_184 = arith.muli %squeeze3A_182, %mul3A_183 : i32
      %slice3A_185 = vector.extract_strided_slice %get3A_157 {offsets = [6], sizes = [1], strides = [1]} : vector<16xi32> to vector<1xi32>
      %squeeze3A_186 = vector.extract %slice3A_185[0] : i32 from vector<1xi32>
      %mul3A_187 = arith.constant 1024 : i32
      %mul3A_188 = arith.muli %squeeze3A_186, %mul3A_187 : i32
      %slice3A_189 = vector.extract_strided_slice %get3A_157 {offsets = [7], sizes = [1], strides = [1]} : vector<16xi32> to vector<1xi32>
      %squeeze3A_190 = vector.extract %slice3A_189[0] : i32 from vector<1xi32>
      %mul3A_191 = arith.constant 1024 : i32
      %mul3A_192 = arith.muli %squeeze3A_190, %mul3A_191 : i32
      %parallel_loop3A_193 = arith.constant 0 : i32
      %parallel_loop3A_194 = arith.constant 64 : i32
      %parallel_loop3A_195 = arith.constant 1 : i32
      scf.for %parallel_loop3A_247 = %parallel_loop3A_193 to %parallel_loop3A_194 step %parallel_loop3A_195  : i32 {
        %parallel_loop3A_248 = arith.constant 16 : i32
        %parallel_loop3A_249 = arith.muli %parallel_loop3A_247, %parallel_loop3A_248 : i32
        %parallel_loop3A_250 = arith.constant 1 : i32
        %parallel_loop3A_251 = arith.index_cast %parallel_loop3A_250 : i32 to index
        %parallel_loop3A_252 = arith.index_cast %parallel_loop3A_249 : i32 to index
        %parallel_loop3A_253 = tpu.vector_load %arg11[%parallel_loop3A_251, %parallel_loop3A_252] {strides = array<i32>} : memref<4x1024xf32, #tpu.memory_space<vmem>>, vector<1x16xf32>,
        %parallel_loop3A_254 = vector.shape_cast %parallel_loop3A_253 : vector<1x16xf32> to vector<16xf32>
        %parallel_loop3A_255 = arith.constant 16 : i32
        %parallel_loop3A_256 = arith.muli %parallel_loop3A_247, %parallel_loop3A_255 : i32
        %parallel_loop3A_257 = arith.addi %mul3A_180, %parallel_loop3A_256 : i32
        %parallel_loop3A_258 = arith.index_cast %parallel_loop3A_257 : i32 to index
        %parallel_loop3A_259 = tpu.vector_load %arg7[%parallel_loop3A_258] {strides = array<i32>} : memref<25600xf32, #tpu.memory_space<vmem>>, vector<16xf32>,
        %parallel_loop3A_260 = vector.shape_cast %parallel_loop3A_259 : vector<16xf32> to vector<16xf32>
        %parallel_loop3A_261 = arith.addf %parallel_loop3A_260, %parallel_loop3A_254 : vector<16xf32>
        %parallel_loop3A_262 = arith.constant 16 : i32
        %parallel_loop3A_263 = arith.muli %parallel_loop3A_247, %parallel_loop3A_262 : i32
        %parallel_loop3A_264 = arith.constant 1 : i32
        %parallel_loop3A_265 = arith.constant 0 : i32
        %parallel_loop3A_266 = arith.index_cast %parallel_loop3A_264 : i32 to index
        %parallel_loop3A_267 = arith.index_cast %parallel_loop3A_265 : i32 to index
        %parallel_loop3A_268 = arith.index_cast %parallel_loop3A_263 : i32 to index
        %parallel_loop3A_269 = tpu.vector_load %arg9[%parallel_loop3A_266, %parallel_loop3A_267, %parallel_loop3A_268] {strides = array<i32>} : memref<4x4x1024xf32, #tpu.memory_space<vmem>>, vector<1x1x16xf32>,
        %parallel_loop3A_270 = vector.shape_cast %parallel_loop3A_269 : vector<1x1x16xf32> to vector<16xf32>
        %parallel_loop3A_271 = vector.shape_cast %parallel_loop3A_261 : vector<16xf32> to vector<1x1x16xf32>
        tpu.vector_store %arg9[%parallel_loop3A_266, %parallel_loop3A_267, %parallel_loop3A_268], %parallel_loop3A_271 {strides = array<i32>} : memref<4x4x1024xf32, #tpu.memory_space<vmem>>, vector<1x1x16xf32>,
        %parallel_loop3A_272 = arith.constant 16 : i32
        %parallel_loop3A_273 = arith.muli %parallel_loop3A_247, %parallel_loop3A_272 : i32
        %parallel_loop3A_274 = arith.addi %mul3A_184, %parallel_loop3A_273 : i32
        %parallel_loop3A_275 = arith.index_cast %parallel_loop3A_274 : i32 to index
        %parallel_loop3A_276 = tpu.vector_load %arg7[%parallel_loop3A_275] {strides = array<i32>} : memref<25600xf32, #tpu.memory_space<vmem>>, vector<16xf32>,
        %parallel_loop3A_277 = vector.shape_cast %parallel_loop3A_276 : vector<16xf32> to vector<16xf32>
        %parallel_loop3A_278 = arith.addf %parallel_loop3A_277, %parallel_loop3A_254 : vector<16xf32>
        %parallel_loop3A_279 = arith.constant 16 : i32
        %parallel_loop3A_280 = arith.muli %parallel_loop3A_247, %parallel_loop3A_279 : i32
        %parallel_loop3A_281 = arith.constant 1 : i32
        %parallel_loop3A_282 = arith.constant 1 : i32
        %parallel_loop3A_283 = arith.index_cast %parallel_loop3A_281 : i32 to index
        %parallel_loop3A_284 = arith.index_cast %parallel_loop3A_282 : i32 to index
        %parallel_loop3A_285 = arith.index_cast %parallel_loop3A_280 : i32 to index
        %parallel_loop3A_286 = tpu.vector_load %arg9[%parallel_loop3A_283, %parallel_loop3A_284, %parallel_loop3A_285] {strides = array<i32>} : memref<4x4x1024xf32, #tpu.memory_space<vmem>>, vector<1x1x16xf32>,
        %parallel_loop3A_287 = vector.shape_cast %parallel_loop3A_286 : vector<1x1x16xf32> to vector<16xf32>
        %parallel_loop3A_288 = vector.shape_cast %parallel_loop3A_278 : vector<16xf32> to vector<1x1x16xf32>
        tpu.vector_store %arg9[%parallel_loop3A_283, %parallel_loop3A_284, %parallel_loop3A_285], %parallel_loop3A_288 {strides = array<i32>} : memref<4x4x1024xf32, #tpu.memory_space<vmem>>, vector<1x1x16xf32>,
        %parallel_loop3A_289 = arith.constant 16 : i32
        %parallel_loop3A_290 = arith.muli %parallel_loop3A_247, %parallel_loop3A_289 : i32
        %parallel_loop3A_291 = arith.addi %mul3A_188, %parallel_loop3A_290 : i32
        %parallel_loop3A_292 = arith.index_cast %parallel_loop3A_291 : i32 to index
        %parallel_loop3A_293 = tpu.vector_load %arg7[%parallel_loop3A_292] {strides = array<i32>} : memref<25600xf32, #tpu.memory_space<vmem>>, vector<16xf32>,
        %parallel_loop3A_294 = vector.shape_cast %parallel_loop3A_293 : vector<16xf32> to vector<16xf32>
        %parallel_loop3A_295 = arith.addf %parallel_loop3A_294, %parallel_loop3A_254 : vector<16xf32>
        %parallel_loop3A_296 = arith.constant 16 : i32
        %parallel_loop3A_297 = arith.muli %parallel_loop3A_247, %parallel_loop3A_296 : i32
        %parallel_loop3A_298 = arith.constant 1 : i32
        %parallel_loop3A_299 = arith.constant 2 : i32
        %parallel_loop3A_300 = arith.index_cast %parallel_loop3A_298 : i32 to index
        %parallel_loop3A_301 = arith.index_cast %parallel_loop3A_299 : i32 to index
        %parallel_loop3A_302 = arith.index_cast %parallel_loop3A_297 : i32 to index
        %parallel_loop3A_303 = tpu.vector_load %arg9[%parallel_loop3A_300, %parallel_loop3A_301, %parallel_loop3A_302] {strides = array<i32>} : memref<4x4x1024xf32, #tpu.memory_space<vmem>>, vector<1x1x16xf32>,
        %parallel_loop3A_304 = vector.shape_cast %parallel_loop3A_303 : vector<1x1x16xf32> to vector<16xf32>
        %parallel_loop3A_305 = vector.shape_cast %parallel_loop3A_295 : vector<16xf32> to vector<1x1x16xf32>
        tpu.vector_store %arg9[%parallel_loop3A_300, %parallel_loop3A_301, %parallel_loop3A_302], %parallel_loop3A_305 {strides = array<i32>} : memref<4x4x1024xf32, #tpu.memory_space<vmem>>, vector<1x1x16xf32>,
        %parallel_loop3A_306 = arith.constant 16 : i32
        %parallel_loop3A_307 = arith.muli %parallel_loop3A_247, %parallel_loop3A_306 : i32
        %parallel_loop3A_308 = arith.addi %mul3A_192, %parallel_loop3A_307 : i32
        %parallel_loop3A_309 = arith.index_cast %parallel_loop3A_308 : i32 to index
        %parallel_loop3A_310 = tpu.vector_load %arg7[%parallel_loop3A_309] {strides = array<i32>} : memref<25600xf32, #tpu.memory_space<vmem>>, vector<16xf32>,
        %parallel_loop3A_311 = vector.shape_cast %parallel_loop3A_310 : vector<16xf32> to vector<16xf32>
        %parallel_loop3A_312 = arith.addf %parallel_loop3A_311, %parallel_loop3A_254 : vector<16xf32>
        %parallel_loop3A_313 = arith.constant 16 : i32
        %parallel_loop3A_314 = arith.muli %parallel_loop3A_247, %parallel_loop3A_313 : i32
        %parallel_loop3A_315 = arith.constant 1 : i32
        %parallel_loop3A_316 = arith.constant 3 : i32
        %parallel_loop3A_317 = arith.index_cast %parallel_loop3A_315 : i32 to index
        %parallel_loop3A_318 = arith.index_cast %parallel_loop3A_316 : i32 to index
        %parallel_loop3A_319 = arith.index_cast %parallel_loop3A_314 : i32 to index
        %parallel_loop3A_320 = tpu.vector_load %arg9[%parallel_loop3A_317, %parallel_loop3A_318, %parallel_loop3A_319] {strides = array<i32>} : memref<4x4x1024xf32, #tpu.memory_space<vmem>>, vector<1x1x16xf32>,
        %parallel_loop3A_321 = vector.shape_cast %parallel_loop3A_320 : vector<1x1x16xf32> to vector<16xf32>
        %parallel_loop3A_322 = vector.shape_cast %parallel_loop3A_312 : vector<16xf32> to vector<1x1x16xf32>
        tpu.vector_store %arg9[%parallel_loop3A_317, %parallel_loop3A_318, %parallel_loop3A_319], %parallel_loop3A_322 {strides = array<i32>} : memref<4x4x1024xf32, #tpu.memory_space<vmem>>, vector<1x1x16xf32>,
      } {sc.loop_unroll_factor = 8 : i64, sc.parallel_access}
      %slice3A_196 = vector.extract_strided_slice %get3A_157 {offsets = [8], sizes = [1], strides = [1]} : vector<16xi32> to vector<1xi32>
      %squeeze3A_197 = vector.extract %slice3A_196[0] : i32 from vector<1xi32>
      %mul3A_198 = arith.constant 1024 : i32
      %mul3A_199 = arith.muli %squeeze3A_197, %mul3A_198 : i32
      %slice3A_200 = vector.extract_strided_slice %get3A_157 {offsets = [9], sizes = [1], strides = [1]} : vector<16xi32> to vector<1xi32>
      %squeeze3A_201 = vector.extract %slice3A_200[0] : i32 from vector<1xi32>
      %mul3A_202 = arith.constant 1024 : i32
      %mul3A_203 = arith.muli %squeeze3A_201, %mul3A_202 : i32
      %slice3A_204 = vector.extract_strided_slice %get3A_157 {offsets = [10], sizes = [1], strides = [1]} : vector<16xi32> to vector<1xi32>
      %squeeze3A_205 = vector.extract %slice3A_204[0] : i32 from vector<1xi32>
      %mul3A_206 = arith.constant 1024 : i32
      %mul3A_207 = arith.muli %squeeze3A_205, %mul3A_206 : i32
      %slice3A_208 = vector.extract_strided_slice %get3A_157 {offsets = [11], sizes = [1], strides = [1]} : vector<16xi32> to vector<1xi32>
      %squeeze3A_209 = vector.extract %slice3A_208[0] : i32 from vector<1xi32>
      %mul3A_210 = arith.constant 1024 : i32
      %mul3A_211 = arith.muli %squeeze3A_209, %mul3A_210 : i32
      %parallel_loop3A_212 = arith.constant 0 : i32
      %parallel_loop3A_213 = arith.constant 64 : i32
      %parallel_loop3A_214 = arith.constant 1 : i32
      scf.for %parallel_loop3A_247 = %parallel_loop3A_212 to %parallel_loop3A_213 step %parallel_loop3A_214  : i32 {
        %parallel_loop3A_248 = arith.constant 16 : i32
        %parallel_loop3A_249 = arith.muli %parallel_loop3A_247, %parallel_loop3A_248 : i32
        %parallel_loop3A_250 = arith.constant 2 : i32
        %parallel_loop3A_251 = arith.index_cast %parallel_loop3A_250 : i32 to index
        %parallel_loop3A_252 = arith.index_cast %parallel_loop3A_249 : i32 to index
        %parallel_loop3A_253 = tpu.vector_load %arg11[%parallel_loop3A_251, %parallel_loop3A_252] {strides = array<i32>} : memref<4x1024xf32, #tpu.memory_space<vmem>>, vector<1x16xf32>,
        %parallel_loop3A_254 = vector.shape_cast %parallel_loop3A_253 : vector<1x16xf32> to vector<16xf32>
        %parallel_loop3A_255 = arith.constant 16 : i32
        %parallel_loop3A_256 = arith.muli %parallel_loop3A_247, %parallel_loop3A_255 : i32
        %parallel_loop3A_257 = arith.addi %mul3A_199, %parallel_loop3A_256 : i32
        %parallel_loop3A_258 = arith.index_cast %parallel_loop3A_257 : i32 to index
        %parallel_loop3A_259 = tpu.vector_load %arg7[%parallel_loop3A_258] {strides = array<i32>} : memref<25600xf32, #tpu.memory_space<vmem>>, vector<16xf32>,
        %parallel_loop3A_260 = vector.shape_cast %parallel_loop3A_259 : vector<16xf32> to vector<16xf32>
        %parallel_loop3A_261 = arith.addf %parallel_loop3A_260, %parallel_loop3A_254 : vector<16xf32>
        %parallel_loop3A_262 = arith.constant 16 : i32
        %parallel_loop3A_263 = arith.muli %parallel_loop3A_247, %parallel_loop3A_262 : i32
        %parallel_loop3A_264 = arith.constant 2 : i32
        %parallel_loop3A_265 = arith.constant 0 : i32
        %parallel_loop3A_266 = arith.index_cast %parallel_loop3A_264 : i32 to index
        %parallel_loop3A_267 = arith.index_cast %parallel_loop3A_265 : i32 to index
        %parallel_loop3A_268 = arith.index_cast %parallel_loop3A_263 : i32 to index
        %parallel_loop3A_269 = tpu.vector_load %arg9[%parallel_loop3A_266, %parallel_loop3A_267, %parallel_loop3A_268] {strides = array<i32>} : memref<4x4x1024xf32, #tpu.memory_space<vmem>>, vector<1x1x16xf32>,
        %parallel_loop3A_270 = vector.shape_cast %parallel_loop3A_269 : vector<1x1x16xf32> to vector<16xf32>
        %parallel_loop3A_271 = vector.shape_cast %parallel_loop3A_261 : vector<16xf32> to vector<1x1x16xf32>
        tpu.vector_store %arg9[%parallel_loop3A_266, %parallel_loop3A_267, %parallel_loop3A_268], %parallel_loop3A_271 {strides = array<i32>} : memref<4x4x1024xf32, #tpu.memory_space<vmem>>, vector<1x1x16xf32>,
        %parallel_loop3A_272 = arith.constant 16 : i32
        %parallel_loop3A_273 = arith.muli %parallel_loop3A_247, %parallel_loop3A_272 : i32
        %parallel_loop3A_274 = arith.addi %mul3A_203, %parallel_loop3A_273 : i32
        %parallel_loop3A_275 = arith.index_cast %parallel_loop3A_274 : i32 to index
        %parallel_loop3A_276 = tpu.vector_load %arg7[%parallel_loop3A_275] {strides = array<i32>} : memref<25600xf32, #tpu.memory_space<vmem>>, vector<16xf32>,
        %parallel_loop3A_277 = vector.shape_cast %parallel_loop3A_276 : vector<16xf32> to vector<16xf32>
        %parallel_loop3A_278 = arith.addf %parallel_loop3A_277, %parallel_loop3A_254 : vector<16xf32>
        %parallel_loop3A_279 = arith.constant 16 : i32
        %parallel_loop3A_280 = arith.muli %parallel_loop3A_247, %parallel_loop3A_279 : i32
        %parallel_loop3A_281 = arith.constant 2 : i32
        %parallel_loop3A_282 = arith.constant 1 : i32
        %parallel_loop3A_283 = arith.index_cast %parallel_loop3A_281 : i32 to index
        %parallel_loop3A_284 = arith.index_cast %parallel_loop3A_282 : i32 to index
        %parallel_loop3A_285 = arith.index_cast %parallel_loop3A_280 : i32 to index
        %parallel_loop3A_286 = tpu.vector_load %arg9[%parallel_loop3A_283, %parallel_loop3A_284, %parallel_loop3A_285] {strides = array<i32>} : memref<4x4x1024xf32, #tpu.memory_space<vmem>>, vector<1x1x16xf32>,
        %parallel_loop3A_287 = vector.shape_cast %parallel_loop3A_286 : vector<1x1x16xf32> to vector<16xf32>
        %parallel_loop3A_288 = vector.shape_cast %parallel_loop3A_278 : vector<16xf32> to vector<1x1x16xf32>
        tpu.vector_store %arg9[%parallel_loop3A_283, %parallel_loop3A_284, %parallel_loop3A_285], %parallel_loop3A_288 {strides = array<i32>} : memref<4x4x1024xf32, #tpu.memory_space<vmem>>, vector<1x1x16xf32>,
        %parallel_loop3A_289 = arith.constant 16 : i32
        %parallel_loop3A_290 = arith.muli %parallel_loop3A_247, %parallel_loop3A_289 : i32
        %parallel_loop3A_291 = arith.addi %mul3A_207, %parallel_loop3A_290 : i32
        %parallel_loop3A_292 = arith.index_cast %parallel_loop3A_291 : i32 to index
        %parallel_loop3A_293 = tpu.vector_load %arg7[%parallel_loop3A_292] {strides = array<i32>} : memref<25600xf32, #tpu.memory_space<vmem>>, vector<16xf32>,
        %parallel_loop3A_294 = vector.shape_cast %parallel_loop3A_293 : vector<16xf32> to vector<16xf32>
        %parallel_loop3A_295 = arith.addf %parallel_loop3A_294, %parallel_loop3A_254 : vector<16xf32>
        %parallel_loop3A_296 = arith.constant 16 : i32
        %parallel_loop3A_297 = arith.muli %parallel_loop3A_247, %parallel_loop3A_296 : i32
        %parallel_loop3A_298 = arith.constant 2 : i32
        %parallel_loop3A_299 = arith.constant 2 : i32
        %parallel_loop3A_300 = arith.index_cast %parallel_loop3A_298 : i32 to index
        %parallel_loop3A_301 = arith.index_cast %parallel_loop3A_299 : i32 to index
        %parallel_loop3A_302 = arith.index_cast %parallel_loop3A_297 : i32 to index
        %parallel_loop3A_303 = tpu.vector_load %arg9[%parallel_loop3A_300, %parallel_loop3A_301, %parallel_loop3A_302] {strides = array<i32>} : memref<4x4x1024xf32, #tpu.memory_space<vmem>>, vector<1x1x16xf32>,
        %parallel_loop3A_304 = vector.shape_cast %parallel_loop3A_303 : vector<1x1x16xf32> to vector<16xf32>
        %parallel_loop3A_305 = vector.shape_cast %parallel_loop3A_295 : vector<16xf32> to vector<1x1x16xf32>
        tpu.vector_store %arg9[%parallel_loop3A_300, %parallel_loop3A_301, %parallel_loop3A_302], %parallel_loop3A_305 {strides = array<i32>} : memref<4x4x1024xf32, #tpu.memory_space<vmem>>, vector<1x1x16xf32>,
        %parallel_loop3A_306 = arith.constant 16 : i32
        %parallel_loop3A_307 = arith.muli %parallel_loop3A_247, %parallel_loop3A_306 : i32
        %parallel_loop3A_308 = arith.addi %mul3A_211, %parallel_loop3A_307 : i32
        %parallel_loop3A_309 = arith.index_cast %parallel_loop3A_308 : i32 to index
        %parallel_loop3A_310 = tpu.vector_load %arg7[%parallel_loop3A_309] {strides = array<i32>} : memref<25600xf32, #tpu.memory_space<vmem>>, vector<16xf32>,
        %parallel_loop3A_311 = vector.shape_cast %parallel_loop3A_310 : vector<16xf32> to vector<16xf32>
        %parallel_loop3A_312 = arith.addf %parallel_loop3A_311, %parallel_loop3A_254 : vector<16xf32>
        %parallel_loop3A_313 = arith.constant 16 : i32
        %parallel_loop3A_314 = arith.muli %parallel_loop3A_247, %parallel_loop3A_313 : i32
        %parallel_loop3A_315 = arith.constant 2 : i32
        %parallel_loop3A_316 = arith.constant 3 : i32
        %parallel_loop3A_317 = arith.index_cast %parallel_loop3A_315 : i32 to index
        %parallel_loop3A_318 = arith.index_cast %parallel_loop3A_316 : i32 to index
        %parallel_loop3A_319 = arith.index_cast %parallel_loop3A_314 : i32 to index
        %parallel_loop3A_320 = tpu.vector_load %arg9[%parallel_loop3A_317, %parallel_loop3A_318, %parallel_loop3A_319] {strides = array<i32>} : memref<4x4x1024xf32, #tpu.memory_space<vmem>>, vector<1x1x16xf32>,
        %parallel_loop3A_321 = vector.shape_cast %parallel_loop3A_320 : vector<1x1x16xf32> to vector<16xf32>
        %parallel_loop3A_322 = vector.shape_cast %parallel_loop3A_312 : vector<16xf32> to vector<1x1x16xf32>
        tpu.vector_store %arg9[%parallel_loop3A_317, %parallel_loop3A_318, %parallel_loop3A_319], %parallel_loop3A_322 {strides = array<i32>} : memref<4x4x1024xf32, #tpu.memory_space<vmem>>, vector<1x1x16xf32>,
      } {sc.loop_unroll_factor = 8 : i64, sc.parallel_access}
      %slice3A_215 = vector.extract_strided_slice %get3A_157 {offsets = [12], sizes = [1], strides = [1]} : vector<16xi32> to vector<1xi32>
      %squeeze3A_216 = vector.extract %slice3A_215[0] : i32 from vector<1xi32>
      %mul3A_217 = arith.constant 1024 : i32
      %mul3A_218 = arith.muli %squeeze3A_216, %mul3A_217 : i32
      %slice3A_219 = vector.extract_strided_slice %get3A_157 {offsets = [13], sizes = [1], strides = [1]} : vector<16xi32> to vector<1xi32>
      %squeeze3A_220 = vector.extract %slice3A_219[0] : i32 from vector<1xi32>
      %mul3A_221 = arith.constant 1024 : i32
      %mul3A_222 = arith.muli %squeeze3A_220, %mul3A_221 : i32
      %slice3A_223 = vector.extract_strided_slice %get3A_157 {offsets = [14], sizes = [1], strides = [1]} : vector<16xi32> to vector<1xi32>
      %squeeze3A_224 = vector.extract %slice3A_223[0] : i32 from vector<1xi32>
      %mul3A_225 = arith.constant 1024 : i32
      %mul3A_226 = arith.muli %squeeze3A_224, %mul3A_225 : i32
      %slice3A_227 = vector.extract_strided_slice %get3A_157 {offsets = [15], sizes = [1], strides = [1]} : vector<16xi32> to vector<1xi32>
      %squeeze3A_228 = vector.extract %slice3A_227[0] : i32 from vector<1xi32>
      %mul3A_229 = arith.constant 1024 : i32
      %mul3A_230 = arith.muli %squeeze3A_228, %mul3A_229 : i32
      %parallel_loop3A_231 = arith.constant 0 : i32
      %parallel_loop3A_232 = arith.constant 64 : i32
      %parallel_loop3A_233 = arith.constant 1 : i32
      scf.for %parallel_loop3A_247 = %parallel_loop3A_231 to %parallel_loop3A_232 step %parallel_loop3A_233  : i32 {
        %parallel_loop3A_248 = arith.constant 16 : i32
        %parallel_loop3A_249 = arith.muli %parallel_loop3A_247, %parallel_loop3A_248 : i32
        %parallel_loop3A_250 = arith.constant 3 : i32
        %parallel_loop3A_251 = arith.index_cast %parallel_loop3A_250 : i32 to index
        %parallel_loop3A_252 = arith.index_cast %parallel_loop3A_249 : i32 to index
        %parallel_loop3A_253 = tpu.vector_load %arg11[%parallel_loop3A_251, %parallel_loop3A_252] {strides = array<i32>} : memref<4x1024xf32, #tpu.memory_space<vmem>>, vector<1x16xf32>,
        %parallel_loop3A_254 = vector.shape_cast %parallel_loop3A_253 : vector<1x16xf32> to vector<16xf32>
        %parallel_loop3A_255 = arith.constant 16 : i32
        %parallel_loop3A_256 = arith.muli %parallel_loop3A_247, %parallel_loop3A_255 : i32
        %parallel_loop3A_257 = arith.addi %mul3A_218, %parallel_loop3A_256 : i32
        %parallel_loop3A_258 = arith.index_cast %parallel_loop3A_257 : i32 to index
        %parallel_loop3A_259 = tpu.vector_load %arg7[%parallel_loop3A_258] {strides = array<i32>} : memref<25600xf32, #tpu.memory_space<vmem>>, vector<16xf32>,
        %parallel_loop3A_260 = vector.shape_cast %parallel_loop3A_259 : vector<16xf32> to vector<16xf32>
        %parallel_loop3A_261 = arith.addf %parallel_loop3A_260, %parallel_loop3A_254 : vector<16xf32>
        %parallel_loop3A_262 = arith.constant 16 : i32
        %parallel_loop3A_263 = arith.muli %parallel_loop3A_247, %parallel_loop3A_262 : i32
        %parallel_loop3A_264 = arith.constant 3 : i32
        %parallel_loop3A_265 = arith.constant 0 : i32
        %parallel_loop3A_266 = arith.index_cast %parallel_loop3A_264 : i32 to index
        %parallel_loop3A_267 = arith.index_cast %parallel_loop3A_265 : i32 to index
        %parallel_loop3A_268 = arith.index_cast %parallel_loop3A_263 : i32 to index
        %parallel_loop3A_269 = tpu.vector_load %arg9[%parallel_loop3A_266, %parallel_loop3A_267, %parallel_loop3A_268] {strides = array<i32>} : memref<4x4x1024xf32, #tpu.memory_space<vmem>>, vector<1x1x16xf32>,
        %parallel_loop3A_270 = vector.shape_cast %parallel_loop3A_269 : vector<1x1x16xf32> to vector<16xf32>
        %parallel_loop3A_271 = vector.shape_cast %parallel_loop3A_261 : vector<16xf32> to vector<1x1x16xf32>
        tpu.vector_store %arg9[%parallel_loop3A_266, %parallel_loop3A_267, %parallel_loop3A_268], %parallel_loop3A_271 {strides = array<i32>} : memref<4x4x1024xf32, #tpu.memory_space<vmem>>, vector<1x1x16xf32>,
        %parallel_loop3A_272 = arith.constant 16 : i32
        %parallel_loop3A_273 = arith.muli %parallel_loop3A_247, %parallel_loop3A_272 : i32
        %parallel_loop3A_274 = arith.addi %mul3A_222, %parallel_loop3A_273 : i32
        %parallel_loop3A_275 = arith.index_cast %parallel_loop3A_274 : i32 to index
        %parallel_loop3A_276 = tpu.vector_load %arg7[%parallel_loop3A_275] {strides = array<i32>} : memref<25600xf32, #tpu.memory_space<vmem>>, vector<16xf32>,
        %parallel_loop3A_277 = vector.shape_cast %parallel_loop3A_276 : vector<16xf32> to vector<16xf32>
        %parallel_loop3A_278 = arith.addf %parallel_loop3A_277, %parallel_loop3A_254 : vector<16xf32>
        %parallel_loop3A_279 = arith.constant 16 : i32
        %parallel_loop3A_280 = arith.muli %parallel_loop3A_247, %parallel_loop3A_279 : i32
        %parallel_loop3A_281 = arith.constant 3 : i32
        %parallel_loop3A_282 = arith.constant 1 : i32
        %parallel_loop3A_283 = arith.index_cast %parallel_loop3A_281 : i32 to index
        %parallel_loop3A_284 = arith.index_cast %parallel_loop3A_282 : i32 to index
        %parallel_loop3A_285 = arith.index_cast %parallel_loop3A_280 : i32 to index
        %parallel_loop3A_286 = tpu.vector_load %arg9[%parallel_loop3A_283, %parallel_loop3A_284, %parallel_loop3A_285] {strides = array<i32>} : memref<4x4x1024xf32, #tpu.memory_space<vmem>>, vector<1x1x16xf32>,
        %parallel_loop3A_287 = vector.shape_cast %parallel_loop3A_286 : vector<1x1x16xf32> to vector<16xf32>
        %parallel_loop3A_288 = vector.shape_cast %parallel_loop3A_278 : vector<16xf32> to vector<1x1x16xf32>
        tpu.vector_store %arg9[%parallel_loop3A_283, %parallel_loop3A_284, %parallel_loop3A_285], %parallel_loop3A_288 {strides = array<i32>} : memref<4x4x1024xf32, #tpu.memory_space<vmem>>, vector<1x1x16xf32>,
        %parallel_loop3A_289 = arith.constant 16 : i32
        %parallel_loop3A_290 = arith.muli %parallel_loop3A_247, %parallel_loop3A_289 : i32
        %parallel_loop3A_291 = arith.addi %mul3A_226, %parallel_loop3A_290 : i32
        %parallel_loop3A_292 = arith.index_cast %parallel_loop3A_291 : i32 to index
        %parallel_loop3A_293 = tpu.vector_load %arg7[%parallel_loop3A_292] {strides = array<i32>} : memref<25600xf32, #tpu.memory_space<vmem>>, vector<16xf32>,
        %parallel_loop3A_294 = vector.shape_cast %parallel_loop3A_293 : vector<16xf32> to vector<16xf32>
        %parallel_loop3A_295 = arith.addf %parallel_loop3A_294, %parallel_loop3A_254 : vector<16xf32>
        %parallel_loop3A_296 = arith.constant 16 : i32
        %parallel_loop3A_297 = arith.muli %parallel_loop3A_247, %parallel_loop3A_296 : i32
        %parallel_loop3A_298 = arith.constant 3 : i32
        %parallel_loop3A_299 = arith.constant 2 : i32
        %parallel_loop3A_300 = arith.index_cast %parallel_loop3A_298 : i32 to index
        %parallel_loop3A_301 = arith.index_cast %parallel_loop3A_299 : i32 to index
        %parallel_loop3A_302 = arith.index_cast %parallel_loop3A_297 : i32 to index
        %parallel_loop3A_303 = tpu.vector_load %arg9[%parallel_loop3A_300, %parallel_loop3A_301, %parallel_loop3A_302] {strides = array<i32>} : memref<4x4x1024xf32, #tpu.memory_space<vmem>>, vector<1x1x16xf32>,
        %parallel_loop3A_304 = vector.shape_cast %parallel_loop3A_303 : vector<1x1x16xf32> to vector<16xf32>
        %parallel_loop3A_305 = vector.shape_cast %parallel_loop3A_295 : vector<16xf32> to vector<1x1x16xf32>
        tpu.vector_store %arg9[%parallel_loop3A_300, %parallel_loop3A_301, %parallel_loop3A_302], %parallel_loop3A_305 {strides = array<i32>} : memref<4x4x1024xf32, #tpu.memory_space<vmem>>, vector<1x1x16xf32>,
        %parallel_loop3A_306 = arith.constant 16 : i32
        %parallel_loop3A_307 = arith.muli %parallel_loop3A_247, %parallel_loop3A_306 : i32
        %parallel_loop3A_308 = arith.addi %mul3A_230, %parallel_loop3A_307 : i32
        %parallel_loop3A_309 = arith.index_cast %parallel_loop3A_308 : i32 to index
        %parallel_loop3A_310 = tpu.vector_load %arg7[%parallel_loop3A_309] {strides = array<i32>} : memref<25600xf32, #tpu.memory_space<vmem>>, vector<16xf32>,
        %parallel_loop3A_311 = vector.shape_cast %parallel_loop3A_310 : vector<16xf32> to vector<16xf32>
        %parallel_loop3A_312 = arith.addf %parallel_loop3A_311, %parallel_loop3A_254 : vector<16xf32>
        %parallel_loop3A_313 = arith.constant 16 : i32
        %parallel_loop3A_314 = arith.muli %parallel_loop3A_247, %parallel_loop3A_313 : i32
        %parallel_loop3A_315 = arith.constant 3 : i32
        %parallel_loop3A_316 = arith.constant 3 : i32
        %parallel_loop3A_317 = arith.index_cast %parallel_loop3A_315 : i32 to index
        %parallel_loop3A_318 = arith.index_cast %parallel_loop3A_316 : i32 to index
        %parallel_loop3A_319 = arith.index_cast %parallel_loop3A_314 : i32 to index
        %parallel_loop3A_320 = tpu.vector_load %arg9[%parallel_loop3A_317, %parallel_loop3A_318, %parallel_loop3A_319] {strides = array<i32>} : memref<4x4x1024xf32, #tpu.memory_space<vmem>>, vector<1x1x16xf32>,
        %parallel_loop3A_321 = vector.shape_cast %parallel_loop3A_320 : vector<1x1x16xf32> to vector<16xf32>
        %parallel_loop3A_322 = vector.shape_cast %parallel_loop3A_312 : vector<16xf32> to vector<1x1x16xf32>
        tpu.vector_store %arg9[%parallel_loop3A_317, %parallel_loop3A_318, %parallel_loop3A_319], %parallel_loop3A_322 {strides = array<i32>} : memref<4x4x1024xf32, #tpu.memory_space<vmem>>, vector<1x1x16xf32>,
      } {sc.loop_unroll_factor = 8 : i64, sc.parallel_access}
      %dma_start3A_234 = arith.constant 0 : i32
      %dma_start3A_235 = arith.constant 0 : i32
      %dma_start3A_236 = tpu.memref_slice %arg5[%add3A_143, %dma_start3A_234, %dma_start3A_235] : memref<4096x4x1024xf32, #tpu.memory_space<hbm>> -> memref<4x4x1024xf32, #tpu.memory_space<hbm>>
      %dma_start3A_237 = arith.constant 0 : i32
      %dma_start3A_238 = arith.constant 0 : i32
      %dma_start3A_239 = tpu.memref_slice %arg5[%add3A_143, %dma_start3A_237, %dma_start3A_238] : memref<4096x4x1024xf32, #tpu.memory_space<hbm>> -> memref<4x4x1024xf32, #tpu.memory_space<hbm>>
      tpu.enqueue_dma source(%arg9 : memref<4x4x1024xf32, #tpu.memory_space<vmem>>) target(%dma_start3A_239 : memref<4x4x1024xf32, #tpu.memory_space<hbm>>) target_semaphore(%arg15 : memref<!tpu.dma_semaphore, #tpu.memory_space<semaphore_mem>>)
      %add3A_240 = arith.constant 2 : i32
      %add3A_241 = arith.addi %add3A_140, %add3A_240 : i32
      %lt3A_242 = arith.constant 32 : i32
      %lt3A_243 = arith.cmpi slt, %add3A_241, %lt3A_242 : i32
      %convert_element_type3A_244 = arith.extui %lt3A_243 : i1 to i32
      %cond3A_245 = arith.constant 0 : i32
      %cond3A_246 = arith.cmpi ne, %convert_element_type3A_244, %cond3A_245 : i32
      scf.if %cond3A_246 {
        %add3A_247 = arith.constant 2 : i32
        %add3A_248 = arith.addi %add3A_140, %add3A_247 : i32
        %mul3A_249 = arith.constant 4 : i32
        %mul3A_250 = arith.muli %add3A_248, %mul3A_249 : i32
        %add3A_251 = arith.addi %mul3A_4, %mul3A_250 : i32
        %dma_start3A_252 = arith.constant 0 : i32
        %dma_start3A_253 = tpu.memref_slice %arg4[%add3A_251, %dma_start3A_252] : memref<5000x1024xf32, #tpu.memory_space<hbm>> -> memref<4x1024xf32, #tpu.memory_space<hbm>>
        %dma_start3A_254 = arith.constant 0 : i32
        %dma_start3A_255 = tpu.memref_slice %arg4[%add3A_251, %dma_start3A_254] : memref<5000x1024xf32, #tpu.memory_space<hbm>> -> memref<4x1024xf32, #tpu.memory_space<hbm>>
        tpu.enqueue_dma source(%dma_start3A_255 : memref<4x1024xf32, #tpu.memory_space<hbm>>) target(%arg11 : memref<4x1024xf32, #tpu.memory_space<vmem>>) target_semaphore(%arg13 : memref<!tpu.dma_semaphore, #tpu.memory_space<semaphore_mem>>)
      } else {
      }
    }
    %scan3A_20 = arith.constant 16 : i32
    %add3A_21 = arith.constant 120 : i32
    %add3A_22 = arith.addi %mul3A_4, %add3A_21 : i32
    %dma_wait3A = arith.constant 0 : i32
    %dma_wait3A_23 = arith.constant 0 : i32
    %dma_wait3A_24 = tpu.memref_slice %arg5[%add3A_22, %dma_wait3A, %dma_wait3A_23] : memref<4096x4x1024xf32, #tpu.memory_space<hbm>> -> memref<4x4x1024xf32, #tpu.memory_space<hbm>>
    %dma_wait3A_25 = arith.constant 0 : i32
    %dma_wait3A_26 = arith.constant 0 : i32
    %dma_wait3A_27 = tpu.memref_slice %arg5[%add3A_22, %dma_wait3A_25, %dma_wait3A_26] : memref<4096x4x1024xf32, #tpu.memory_space<hbm>> -> memref<4x4x1024xf32, #tpu.memory_space<hbm>>
    tpu.wait_dma2 semaphore(%arg14 : memref<!tpu.dma_semaphore, #tpu.memory_space<semaphore_mem>>) src(%arg8 : memref<4x4x1024xf32, #tpu.memory_space<vmem>>) dst(%dma_wait3A_27 : memref<4x4x1024xf32, #tpu.memory_space<hbm>>)
    %add3A_28 = arith.constant 124 : i32
    %add3A_29 = arith.addi %mul3A_4, %add3A_28 : i32
    %dma_wait3A_30 = arith.constant 0 : i32
    %dma_wait3A_31 = arith.constant 0 : i32
    %dma_wait3A_32 = tpu.memref_slice %arg5[%add3A_29, %dma_wait3A_30, %dma_wait3A_31] : memref<4096x4x1024xf32, #tpu.memory_space<hbm>> -> memref<4x4x1024xf32, #tpu.memory_space<hbm>>
    %dma_wait3A_33 = arith.constant 0 : i32
    %dma_wait3A_34 = arith.constant 0 : i32
    %dma_wait3A_35 = tpu.memref_slice %arg5[%add3A_29, %dma_wait3A_33, %dma_wait3A_34] : memref<4096x4x1024xf32, #tpu.memory_space<hbm>> -> memref<4x4x1024xf32, #tpu.memory_space<hbm>>
    tpu.wait_dma2 semaphore(%arg15 : memref<!tpu.dma_semaphore, #tpu.memory_space<semaphore_mem>>) src(%arg9 : memref<4x4x1024xf32, #tpu.memory_space<vmem>>) dst(%dma_wait3A_35 : memref<4x4x1024xf32, #tpu.memory_space<hbm>>)
    return
  }
}

</mosaic_0001>

<sc_bundles>
// kernel: kernel.3.cloned.1.call-start
scs
__scs_entry_jumppad:
0x0: {  	(pc) =	sbr.rel $0x88, $3  }
0x1: {  	(tag) =	ssettag $0x0;
	lr =	simm.s32 $0x1  }
0x2: {  	[smem:$0x3F9E] =	sst lr;
	_ =	strace $0xD0000000  }
0x3: {  	_ = 	snop  }
0x4: {  	_ = 	snop  }
0x5: {  	_ = 	snop  }
0x6: {  	_ = 	snop  }
0x7: {  	_ = 	snop  }
__scs_overlays_trampoline_lowered:
0x8: {  	[smem:$0x3FAD] =	sst s0  }
0x9: {  	[smem:$0x3FAE] =	sst s1  }
0xa: {  	[smem:$0x3FAF] =	sst s2  }
0xb: {  	[smem:$0x3FB0] =	sst s3  }
0xc: {  	[smem:$0x3FB1] =	sst s4  }
0xd: {  	[smem:$0x3FB2] =	sst s5  }
0xe: {  	[smem:$0x3FB3] =	sst s6  }
0xf: {  	[smem:$0x3FB4] =	sst s7  }
0x10: {  	[smem:$0x3FB5] =	sst s8  }
0x11: {  	[smem:$0x3FB6] =	sst s9;
	s0 =	simm.s32 @!p0 $0x0  }
0x12: {  	s1 =	sld [smem:$0x3F9C];
	s0 =	simm.s32 @p0 $0x1  }
0x13: {  	[smem:$0x3FB7] =	sst s0;
	s0 =	simm.s32 @!p1 $0x0  }
0x14: {  	s2 =	sld [smem:$0x3F9B];
	s0 =	simm.s32 @p1 $0x1  }
0x15: {  	[smem:$0x3FB8] =	sst s0;
	s0 =	simm.s32 @!p2 $0x0  }
0x16: {  	s3 =	sld [smem:$0x3FDB];
	s0 =	simm.s32 @p2 $0x1  }
0x17: {  	s4 =	simm.s32 $0x1BF5;
	[smem:$0x3FBA] =	sst s0  }
0x18: {  	s0 =	sld [smem:$0x3F9D];
	_ =	swait.ge [sflag:s4], $0x0  }
0x19: {  	s7 =	sld [smem:$0x3F9E]  }
0x1a: {  	s8 =	sadd.s32 $0xFFFFE003, lr  }
0x1b: {  	s9 =	sadd.s32 $0xFFFFFEF7, lr;
	s5 =	simm.s32 $0xFFFFFFFF;
	p2 =	slt.u32 s8, $0xFFFFF086  }
0x1c: {  	p1 =	slt.u32 s9, $0xF7A;
	s5 =	simm.s32 @!p2 $0x0  }
0x1d: {  	s5 =	simm.s32 @p1 $0x1;
	p0 =	seq.s32 s7, s2  }
0x1e: {  	s7 =	smul.u32 @!p0 $0xF7A, s2;
	p2 =	seq.s32 @!p0 s5, $0x0  }
0x1f: {  	s9 =	smul.u32 $0xF7A, s1;
	s8 =	simm.s32 @!p0 $0x1BF5;
	p2 =	por !p2, p0  }
0x20: {  	[sflag:s8] =	ssyncset.s32 @!p0 $0xFFFFF086;
	s6 =	sadd.s32 @!p0 s3, s7;
	s7 =	simm.s32 @!p0 $0x108  }
0x21: {  	s3 =	sadd.s32 s3, s9;
	s6 =	sadd.s32 @!p0 $0x88, s6;
	s7 =	simm.s32 @p2 $0x1082  }
0x22: {  	[simem:s7], [sflag:s8] =	dma.local @!p0 [hbm:s6], $0xF7A  }
0x23: {  	s9 =	sor.u32 $0xD0000000, s2;
	s6 =	simm.s32 $0x108;
	_ =	swait.ge @!p0 [sflag:s8], $0x0  }
0x24: {  	s3 =	sadd.s32 $0x88, s3;
	s6 =	simm.s32 @!p1 $0x1082;
	[sflag:s4] =	ssyncset.s32 $0xFFFFF086  }
0x25: {  	[simem:s6], [sflag:s4] =	dma.local [hbm:s3], $0xF7A  }
0x26: {  	[smem:$0x3F9E] =	sst s1;
	(tag) =	ssettag s2;
	_ =	strace s9  }
0x27: {  	s1 =	sld [smem:$0x3FAE]  }
0x28: {  	s2 =	sld [smem:$0x3FAF]  }
0x29: {  	s4 =	sld [smem:$0x3FB1]  }
0x2a: {  	p0 =	seq.s32 s5, $0x0;
	s5 =	sld [smem:$0x3FB2]  }
0x2b: {  	s6 =	sld [smem:$0x3FB3]  }
0x2c: {  	s7 =	sld [smem:$0x3FB4]  }
0x2d: {  	s3 =	simm.s32 $0x108;
	s8 =	sld [smem:$0x3FB5]  }
0x2e: {  	s3 =	simm.s32 @!p0 $0x1082;
	s9 =	sld [smem:$0x3FB6]  }
0x2f: {  	lr =	sadd.s32 s0, s3;
	s0 =	sld [smem:$0x3FAD]  }
0x30: {  	s3 =	sld [smem:$0x3FB0]  }
0x31: {  	[smem:$0x3FB9] =	sst s10  }
0x32: {  	s10 =	sld [smem:$0x3FB7];
	_ =	sdelay $0x3  }
0x33: {  	p0 =	seq.s32 s10, $0x1;
	s10 =	sld [smem:$0x3FB9];
	_ =	sdelay $0x3  }
0x34: {  	[smem:$0x3FB9] =	sst s10  }
0x35: {  	s10 =	sld [smem:$0x3FB8];
	_ =	sdelay $0x3  }
0x36: {  	p1 =	seq.s32 s10, $0x1;
	s10 =	sld [smem:$0x3FB9];
	_ =	sdelay $0x3  }
0x37: {  	[smem:$0x3FB9] =	sst s10  }
0x38: {  	s10 =	sld [smem:$0x3FBA]  }
0x39: {  	_ = 	snop;
	(pc) =	sbr.ind lr, $3  }
0x3a: {  	_ = 	snop  }
0x3b: {  	_ = 	snop  }
0x3c: {  	p2 =	seq.s32 s10, $0x1;
	s10 =	sld [smem:$0x3FB9]  }
0x3d: {  	_ =	shalt  }
0x3e: {  	_ =	shalt  }
0x3f: {  	_ =	shalt  }
0x40: {  	_ =	shalt  }
0x41: {  	_ =	shalt  }
0x42: {  	_ =	shalt  }
0x43: {  	_ =	shalt  }
0x44: {  	_ =	shalt  }
0x45: {  	_ =	shalt  }
0x46: {  	_ =	shalt  }
0x47: {  	_ =	shalt  }
0x48: {  	_ =	shalt  }
0x49: {  	_ =	shalt  }
0x4a: {  	_ =	shalt  }
0x4b: {  	_ =	shalt  }
0x4c: {  	_ =	shalt  }
0x4d: {  	_ =	shalt  }
0x4e: {  	_ =	shalt  }
0x4f: {  	_ =	shalt  }
0x50: {  	_ =	shalt  }
0x51: {  	_ =	shalt  }
0x52: {  	_ =	shalt  }
0x53: {  	_ =	shalt  }
0x54: {  	_ =	shalt  }
0x55: {  	_ =	shalt  }
0x56: {  	_ =	shalt  }
0x57: {  	_ =	shalt  }
0x58: {  	_ =	shalt  }
0x59: {  	_ =	shalt  }
0x5a: {  	_ =	shalt  }
0x5b: {  	_ =	shalt  }
0x5c: {  	_ =	shalt  }
0x5d: {  	_ =	shalt  }
0x5e: {  	_ =	shalt  }
0x5f: {  	_ =	shalt  }
0x60: {  	_ =	shalt  }
0x61: {  	_ =	shalt  }
0x62: {  	_ =	shalt  }
0x63: {  	_ =	shalt  }
0x64: {  	_ =	shalt  }
0x65: {  	_ =	shalt  }
0x66: {  	_ =	shalt  }
0x67: {  	_ =	shalt  }
0x68: {  	_ =	shalt  }
0x69: {  	_ =	shalt  }
0x6a: {  	_ =	shalt  }
0x6b: {  	_ =	shalt  }
0x6c: {  	_ =	shalt  }
0x6d: {  	_ =	shalt  }
0x6e: {  	_ =	shalt  }
0x6f: {  	_ =	shalt  }
0x70: {  	_ =	shalt  }
0x71: {  	_ =	shalt  }
0x72: {  	_ =	shalt  }
0x73: {  	_ =	shalt  }
0x74: {  	_ =	shalt  }
0x75: {  	_ =	shalt  }
0x76: {  	_ =	shalt  }
0x77: {  	_ =	shalt  }
0x78: {  	_ =	shalt  }
0x79: {  	_ =	shalt  }
0x7a: {  	_ =	shalt  }
0x7b: {  	_ =	shalt  }
0x7c: {  	_ =	shalt  }
0x7d: {  	_ =	shalt  }
0x7e: {  	_ =	shalt  }
0x7f: {  	_ =	shalt  }
0x80: {  	_ =	shalt  }
0x81: {  	_ =	shalt  }
0x82: {  	_ =	shalt  }
0x83: {  	_ =	shalt  }
0x84: {  	_ =	shalt  }
0x85: {  	_ =	shalt  }
0x86: {  	_ =	shalt  }
0x87: {  	_ =	shalt  }
.Lfunc_end0:
.L_simem_size_0:
called_computation_lowered:
.L_overlay_start_0:
0x88: {  	s2 =	sld [smem:$0x3FD9]  }
0x89: {  	s3 =	sld [smem:$0x3FFE];
	_ =	sdelay $0x1  }
0x8a: {  	s1 =	srdreg.scid  }
0x8b: {  	s0 =	sand.u32 $0x1, s1  }
0x8c: {  	s17 =	sshll.u32 s0, $0xA;
	s2 =	sadd.s32 s3, s2  }
0x8d: {  	s2 =	sadd.s32 s2, s17  }
0x8e: {  	[smem:$0x3FC5] =	sst s2  }
0x8f: {  	_ = 	snop  }
0x90: {  	s2 =	sld [smem:$0x3FD0];
	(tm) =	ssettm $0x1  }
0x91: {  	s18 =	sld [smem:$0x3FFB];
	_ =	sdelay $0x3  }
0x92: {  	_ =	strace s18  }
0x93: {  	s3 =	sld [smem:$0x3FFC];
	_ =	sdelay $0x3  }
0x94: {  	_ =	strace s3  }
0x95: {  	s3 =	sld [smem:$0x3FFD];
	_ =	sdelay $0x3  }
0x96: {  	_ =	strace s3  }
0x97: {  	_ =	strace $0x8FFFFFFF  }
0x98: {  	s19 =	sld [smem:$0x3FDB];
	_ =	sdelay $0x1  }
0x99: {  	s4 =	simm.s32 $_scs_section_size  }
0x9a: {  	s5 =	simm.s32 $_size__tile_overlayer_lowered;
	s6 =	simm.s32 $_tile_overlayer_lowered  }
0x9b: {  	s22 =	simm.s32 $0x1BFF;
	s21 =	sshll.u32 s6, $0x1;
	s3 =	sadd.s32 s4, s19  }
0x9c: {  	s7 =	simm.s32 $0x0;
	s20 =	sshll.u32 s5, $0x1;
	s5 =	sadd.s32 s21, s3  }
0x9d: {  	[timem:s7], [sflag:s22] =	dma.local [hbm:s5], s20  }
0x9e: {  	_ =	swait.ge [sflag:s22], s20  }
0x9f: {  	s4 =	ssub.s32 $0x0, s20;
	[sflag:s22] =	ssyncset.done $0x0  }
0xa0: {  	[sflag:s22] =	ssyncadd.s32 s4;
	_ =	sdelay $0x1  }
0xa1: {  	s23 =	simm.s32 $0x1B8B  }
0xa2: {  	_ =	swait.ge [sflag:s23], $0x1  }
0xa3: {  	[sflag:s23] =	ssyncset.done $0x0  }
0xa4: {  	s25 =	simm.s32 $0x1B8E;
	s24 =	sld [smem:$0x3FFE];
	[sflag:s23] =	ssyncadd.s32 $0xFFFFFFFF  }
0xa5: {  	s26 =	simm.s32 $execute0_lowered;
	[smem:$0x3FD2] =	sst s25  }
0xa6: {  	s5 =	sshll.u32 s26, $0x1;
	_ =	strace $0x80000046;
	[dreg:$0x1] =	wrdreg $0xFFFFFFFF  }
0xa7: {  	s28 =	simm.s32 $_size_execute0_lowered;
	s3 =	sadd.s32 s3, s5;
	[dreg:$0x0] =	wrdreg $0x0  }
0xa8: {  	s5 =	sshll.u32 s28, $0x1;
	[dreg:$0x2] =	wrdreg s3  }
0xa9: {  	[dreg:$0x3] =	wrdreg s5  }
0xaa: {  	[dreg:$0x4] =	wrdreg $0xC0  }
0xab: {  	_ =	task [dreg:s7], $0x5FFFF  }
0xac: {  	[dreg:$0x1] =	wrdreg $0xFFFFFFFF  }
0xad: {  	[dreg:$0x0] =	wrdreg $0x60  }
0xae: {  	[dreg:$0x2] =	wrdreg s24  }
0xaf: {  	[dreg:$0x3] =	wrdreg s2  }
0xb0: {  	[dreg:$0x4] =	wrdreg $0x9  }
0xb1: {  	_ =	task.clear_ibuf [dreg:s7], $0x5FFFF;
	_ =	strace $0x90000046  }
0xb2: {  	s29 =	simm.s32 $0x9;
	_ =	strace $0x80000048  }
0xb3: {  	_ =	swait.ge [sflag:s29], $0x1  }
0xb4: {  	[sflag:s29] =	ssyncadd.s32 $0xFFFFFFFF  }
0xb5: {  	_ =	strace $0x90000048  }
0xb6: {  	_ =	sfence  }
0xb7: {  	s30 =	sld [smem:$0x0];
	_ =	sdelay $0x2  }
0xb8: {  	s31 =	sshll.u32 s1, $0xD;
	s1 =	sshrl.u32 s1, $0x2  }
0xb9: {  	s3 =	sand.u32 $0x4000, s31;
	s1 =	sadd.s32 s1, s30  }
0xba: {  	s0 =	sor.u32 s3, s0;
	s1 =	sshll.u32 s1, $0x11  }
0xbb: {  	s0 =	sor.u32 s1, s0  }
0xbc: {  	s0 =	sadd.s32 $0x8F2B, s0  }
0xbd: {  	[sflag:s0] =	ssyncadd.remote.s32 $0x1  }
0xbe: {  	_ =	sfence.sel $0xFFFF  }
0xbf: {  	[dreg:$0x0] =	wrdreg $0xFFFFFFFF;
	(pc) =	sbr.abs _section_cstart, $3  }
0xc0: {  	[dreg:$0x1] =	wrdreg $0xFFFFFFFF  }
0xc1: {  	_ =	task.clear_ibuf [dreg:s7], $0x2FFFF;
	_ =	strace $0x9FFFFFFF  }
0xc2: {  	(tm) =	ssettm $0x7FFFFFFF  }
0xc3: {  	_ =	shalt  }
tec
execute0_lowered:
.L_overlay_start_1:
0x0: {  	(tag) =	ssettag $0x1  }
0x1: {  	s0 =	rddreg [dreg:$0x0]  }
0x2: {  	s1 =	rddreg [dreg:$0x1]  }
0x3: {  	s3 =	srdreg.scid;
	s4 =	stileid.u32;
	s2 =	simm.s32 $0x0  }
0x4: {  	s11 =	simm.s32 $0x5;
	s12 =	simm.s32 $0x200;
	s13 =	simm.s32 $0x400  }
0x5: {  	s15 =	simm.s32 $0xF600;
	s16 =	simm.s32 $0x1;
	s17 =	simm.s32 $0x6600  }
0x6: {  	s18 =	simm.s32 $0x2;
	s19 =	simm.s32 $0xA600;
	s20 =	simm.s32 $0x3  }
0x7: {  	s21 =	simm.s32 $0x4;
	s3 =	sand.u32 $0x1, s3;
	s4 =	sshll.u32 s4, $0x1  }
0x8: {  	s22 =	simm.s32 $0x0;
	[smem:$0x7FF] =	sst s2;
	s5 =	sor.u32 s3, s4  }
0x9: {  	_ =	strace $0x80000047;
	s7 =	ssub.s32 $0x2, s3;
	s3 =	sadd.s32 $0x400, s0  }
.Ltmp0:
0xa: {  	s4 =	sshll.u32 s5, $0x6;
	s6 =	sshll.u32 s5, $0xE;
	(pc) =	sbr.rel .LBB2_1-.Ltmp0, $4  }
0xb: {  	s30 =	sshrl.u32 s7, $0x1;
	s31 =	sshll.u32 s5, $0x10;
	s4 =	sadd.s32 s4, s0  }
0xc: {  	s0 =	sadd.s32 s6, s0;
	s9 =	ssub.s32 s7, s30;
	s7 =	sadd.s32 s1, s31  }
0xd: {  	s4 =	sadd.s32 $0x1200, s4;
	s5 =	sadd.s32 $0x1A00, s0;
	s6 =	sadd.s32 $0x1A40, s0  }
0xe: {  	s8 =	sadd.s32 $0x1E00, s0;
	s9 =	smax.u32 s9, $0x1;
	s10 =	sadd.s32 $0x1E40, s0  }
.LBB2_20:
0xf: {  	s22 =	sadd.s32 $0x1, s22  }
0x10: {  	_ =	swait.ge [sflag:s20], $0x4000;
	p0 =	sne.s32 s22, s9  }
.Ltmp1:
0x11: {  	[sflag:s20] =	ssyncset.done $0x0;
	(pc) =	sbr.rel @!p0 .LBB2_21-.Ltmp1, $4  }
0x12: {  	[sflag:s20] =	ssyncadd.s32 $0xFFFFC000  }
0x13: {  	_ =	swait.ge [sflag:s21], $0x4000  }
0x14: {  	[sflag:s21] =	ssyncset.done $0x0  }
0x15: {  	[sflag:s21] =	ssyncadd.s32 $0xFFFFC000  }
.LBB2_1:
0x16: {  	[tilespmem:s2], [sflag:$0x5] =	stream.linear.gather [hbm4b:s4+s2], $0x200, $0x38;
	[tilespmem:$0x10600] =	vst v63  }
0x17: {  	_ =	swait.ge [sflag:s11], $0x200  }
0x18: {  	[sflag:s11] =	ssyncset.done $0x0  }
0x19: {  	[sflag:s11] =	ssyncadd.s32 $0xFFFFFE00  }
0x1a: {  	[tilespmem:s12], [sflag:$0x5] =	stream.linear.gather [hbm4b:s3+s2], $0x6400, $0x38;
	[tilespmem:$0x10600] =	vst v63  }
0x1b: {  	_ =	swait.ge [sflag:s11], $0x6400  }
0x1c: {  	[sflag:s11] =	ssyncset.done $0x0  }
0x1d: {  	s0 =	simm.s32 $0xE600;
	[sflag:s11] =	ssyncadd.s32 $0xFFFF9C00  }
0x1e: {  	[tilespmem:s0], [sflag:$0x1] =	stream.strided.gather [hbm4b:s5+s12], $0x1000, s13, s12, $0x38;
	[tilespmem:$0x10600] =	vst v63  }
0x1f: {  	s23 =	simm.s32 $0x0  }
0x20: {  	[tilespmem:s15], [sflag:$0x2] =	stream.strided.gather [hbm4b:s6+s12], $0x1000, s13, s12, $0x38;
	[tilespmem:$0x10600] =	vst v63  }
.LBB2_2:
0x21: {  	_ =	swait.ge [sflag:s16], $0x1000  }
0x22: {  	p0 =	seq.s32 s23, $0x0;
	[sflag:s16] =	ssyncset.done $0x0  }
0x23: {  	s0 =	simm.s32 @!p0 $0x3;
	[sflag:s16] =	ssyncadd.s32 $0xFFFFF000  }
0x24: {  	_ =	swait.ge @!p0 [sflag:s0], $0x4000  }
0x25: {  	s1 =	sshll.u32 s23, $0x5;
	[sflag:s0] =	ssyncset.done @!p0 $0x0  }
0x26: {  	s26 =	sand.u32 $0x3FFFFFE0, s1;
	[sflag:s0] =	ssyncadd.s32 @!p0 $0xFFFFC000  }
0x27: {  	v0 =	vld [tilespmem:s26+$0x0];
	_ =	sdelay $0x4  }
0x28: {  	v0 =	vshll.u32 v0, $0xC  }
0x29: {  	v0 =	vshra.s32 v0, $0x2  }
0x2a: {  	(v2sf) =	vpush v0, $0x0;
	_ =	sdelay $0x6  }
0x2b: {  	s24 =	simm.s32 $0xE640  }
0x2c: {  	v1 =	vld [tilespmem:s24+$0x30]  }
0x2d: {  	v4 =	vld [tilespmem:s24+$0xFFFFFFD0]  }
0x2e: {  	v6 =	vld [tilespmem:s24+$0xFFFFFFE0]  }
0x2f: {  	v8 =	vld [tilespmem:s24+$0xFFFFFFF0];
	(v2sf) =	vpush v0, $0x1  }
0x30: {  	v10 =	vld [tilespmem:s24+$0x0]  }
0x31: {  	v12 =	vld [tilespmem:s24+$0x10]  }
0x32: {  	s30 =	simm.s32 $0xE840;
	v14 =	vld [tilespmem:s24+$0x20]  }
0x33: {  	v19 =	vld [tilespmem:s30+$0x30];
	s1 =	spop (v2sf)  }
0x34: {  	v21 =	vld [tilespmem:s30+$0xFFFFFFD0];
	s1 =	sor.u32 $0x240, s1  }
0x35: {  	v2 =	vld [tilespmem:s1+$0x30]  }
0x36: {  	v3 =	vld [tilespmem:s1+$0xFFFFFFC0]  }
0x37: {  	(v2sf) =	vpush v0, $0x2;
	v5 =	vld [tilespmem:s1+$0xFFFFFFD0]  }
0x38: {  	v7 =	vld [tilespmem:s1+$0xFFFFFFE0]  }
0x39: {  	v9 =	vld [tilespmem:s1+$0xFFFFFFF0]  }
0x3a: {  	v11 =	vld [tilespmem:s1+$0x0]  }
0x3b: {  	v13 =	vld [tilespmem:s1+$0x10];
	s28 =	sadd.s32 $0x80, s1  }
0x3c: {  	v20 =	vld [tilespmem:s28+$0xFFFFFFC0]  }
0x3d: {  	v22 =	vld [tilespmem:s28+$0xFFFFFFD0];
	v2 =	vadd.f32 v2, v1  }
0x3e: {  	s25 =	simm.s32 $0x6700;
	s14 =	spop (v2sf);
	v62 =	vld [tilespmem:s28+$0xFFFFFFF0]  }
0x3f: {  	(v2sf) =	vpush v0, $0x3;
	s14 =	sor.u32 $0x240, s14;
	[tilespmem:s25+$0xFFFFFF70] =	vst v2;
	v2 =	vadd.f32 v5, v4;
	v5 =	vld [tilespmem:s1+$0x20]  }
0x40: {  	v16 =	vadd.f32 v7, v6;
	v15 =	vld [tilespmem:s14+$0x30]  }
0x41: {  	v7 =	vld [tilespmem:s24+$0xFFFFFFC0];
	[tilespmem:s25+$0xFFFFFF10] =	vst v2;
	v2 =	vadd.f32 v9, v8  }
0x42: {  	[tilespmem:s25+$0xFFFFFF20] =	vst v16;
	v9 =	vadd.f32 v11, v10;
	v11 =	vld [tilespmem:s14+$0xFFFFFFD0]  }
0x43: {  	[tilespmem:s25+$0xFFFFFF30] =	vst v2;
	v2 =	vadd.f32 v13, v12;
	v13 =	vld [tilespmem:s14+$0xFFFFFFE0]  }
0x44: {  	[tilespmem:s25+$0xFFFFFF40] =	vst v9;
	v9 =	vld [tilespmem:s14+$0xFFFFFFF0];
	v5 =	vadd.f32 v5, v14  }
0x45: {  	v15 =	vadd.f32 v15, v1;
	[tilespmem:s25+$0xFFFFFF50] =	vst v2;
	v2 =	vld [tilespmem:s14+$0x0]  }
0x46: {  	v3 =	vadd.f32 v3, v7;
	s24 =	spop (v2sf);
	v59 =	vld [tilespmem:s14+$0x10];
	[tilespmem:s25+$0xFFFFFF60] =	vst v5  }
0x47: {  	s24 =	sor.u32 $0x240, s24;
	[tilespmem:s25+$0xFFFFFFF0] =	vst v15;
	v5 =	vadd.f32 v11, v4;
	v11 =	vld [tilespmem:s14+$0x20]  }
0x48: {  	[tilespmem:s25+$0xFFFFFF00] =	vst v3;
	v15 =	vld [tilespmem:s24+$0x30];
	v3 =	vadd.f32 v13, v6  }
0x49: {  	v13 =	vld [tilespmem:s14+$0xFFFFFFC0];
	[tilespmem:s25+$0xFFFFFF90] =	vst v5;
	v5 =	vadd.f32 v9, v8  }
0x4a: {  	v9 =	vld [tilespmem:s24+$0xFFFFFFD0];
	[tilespmem:s25+$0xFFFFFFA0] =	vst v3;
	v2 =	vadd.f32 v2, v10  }
0x4b: {  	v3 =	vld [tilespmem:s24+$0xFFFFFFE0];
	[tilespmem:s25+$0xFFFFFFB0] =	vst v5;
	v5 =	vadd.f32 v59, v12  }
0x4c: {  	v60 =	vld [tilespmem:s24+$0xFFFFFFF0];
	[tilespmem:s25+$0xFFFFFFC0] =	vst v2;
	v2 =	vadd.f32 v11, v14  }
0x4d: {  	v11 =	vadd.f32 v15, v1;
	v15 =	vld [tilespmem:s24+$0x0];
	[tilespmem:s25+$0xFFFFFFD0] =	vst v5  }
0x4e: {  	s26 =	spop (v2sf);
	v5 =	vadd.f32 v13, v7;
	v13 =	vld [tilespmem:s24+$0x10];
	[tilespmem:s25+$0xFFFFFFE0] =	vst v2  }
0x4f: {  	s0 =	sor.u32 $0x240, s26;
	[tilespmem:s25+$0x70] =	vst v11;
	v2 =	vadd.f32 v9, v4;
	v9 =	vld [tilespmem:s24+$0x20]  }
0x50: {  	[tilespmem:s25+$0xFFFFFF80] =	vst v5;
	v11 =	vld [tilespmem:s0+$0x30];
	v3 =	vadd.f32 v3, v6  }
0x51: {  	v5 =	vld [tilespmem:s24+$0xFFFFFFC0];
	[tilespmem:s25+$0x10] =	vst v2;
	v2 =	vadd.f32 v60, v8  }
0x52: {  	v61 =	vld [tilespmem:s0+$0xFFFFFFD0];
	[tilespmem:s25+$0x20] =	vst v3;
	v3 =	vadd.f32 v15, v10  }
0x53: {  	v15 =	vld [tilespmem:s0+$0xFFFFFFE0];
	[tilespmem:s25+$0x30] =	vst v2  }
0x54: {  	v2 =	vadd.f32 v13, v12;
	v13 =	vld [tilespmem:s0+$0xFFFFFFF0];
	[tilespmem:s25+$0x40] =	vst v3;
	v3 =	vadd.f32 v9, v14  }
0x55: {  	v9 =	vld [tilespmem:s0+$0x0]  }
0x56: {  	[tilespmem:s25+$0x60] =	vst v3;
	v3 =	vld [tilespmem:s28+$0x30]  }
0x57: {  	[tilespmem:s25+$0x50] =	vst v2;
	v2 =	vld [tilespmem:s30+$0xFFFFFFE0]  }
0x58: {  	v1 =	vadd.f32 v11, v1;
	v11 =	vld [tilespmem:s28+$0xFFFFFFE0]  }
0x59: {  	v17 =	vld [tilespmem:s0+$0x10];
	v4 =	vadd.f32 v61, v4  }
0x5a: {  	v18 =	vld [tilespmem:s0+$0x20];
	[tilespmem:s25+$0xF0] =	vst v1;
	v1 =	vadd.f32 v5, v7  }
0x5b: {  	[tilespmem:s25+$0x90] =	vst v4;
	v4 =	vld [tilespmem:s30+$0x0];
	v23 =	vadd.f32 v3, v19  }
0x5c: {  	s26 =	simm.s32 $0x6900;
	[tilespmem:s25+$0x0] =	vst v1;
	v1 =	vadd.f32 v15, v6;
	v5 =	vadd.f32 v13, v8;
	v8 =	vld [tilespmem:s28+$0x0]  }
0x5d: {  	s29 =	sadd.s32 $0x80, s14;
	v13 =	vld [tilespmem:s28+$0x20];
	[tilespmem:s26+$0xFFFFFF70] =	vst v23  }
0x5e: {  	v11 =	vadd.f32 v11, v2;
	[tilespmem:s25+$0xA0] =	vst v1;
	v15 =	vld [tilespmem:s29+$0x30]  }
0x5f: {  	v3 =	vld [tilespmem:s30+$0xFFFFFFF0];
	v1 =	vadd.f32 v9, v10;
	[tilespmem:s25+$0xB0] =	vst v5  }
0x60: {  	v6 =	vadd.f32 v17, v12;
	v5 =	vld [tilespmem:s30+$0x10];
	[tilespmem:s26+$0xFFFFFF20] =	vst v11  }
0x61: {  	v9 =	vld [tilespmem:s28+$0x10];
	[tilespmem:s25+$0xC0] =	vst v1;
	v1 =	vadd.f32 v18, v14  }
0x62: {  	v12 =	vadd.f32 v22, v21;
	[tilespmem:s25+$0xD0] =	vst v6;
	v6 =	vld [tilespmem:s30+$0x20]  }
0x63: {  	[tilespmem:s25+$0xE0] =	vst v1;
	v1 =	vld [tilespmem:s30+$0xFFFFFFC0];
	v10 =	vadd.f32 v15, v19  }
0x64: {  	[tilespmem:s26+$0xFFFFFF10] =	vst v12;
	v8 =	vadd.f32 v8, v4  }
0x65: {  	v11 =	vld [tilespmem:s29+$0xFFFFFFD0];
	s30 =	sadd.s32 $0x80, s24;
	[tilespmem:s26+$0xFFFFFFF0] =	vst v10;
	v10 =	vadd.f32 v62, v3  }
0x66: {  	v9 =	vadd.f32 v9, v5;
	[tilespmem:s26+$0xFFFFFF40] =	vst v8;
	v12 =	vld [tilespmem:s30+$0x30]  }
0x67: {  	v13 =	vadd.f32 v13, v6;
	[tilespmem:s26+$0xFFFFFF30] =	vst v10;
	v10 =	vld [tilespmem:s29+$0xFFFFFFE0]  }
0x68: {  	[tilespmem:s26+$0xFFFFFF50] =	vst v9;
	v9 =	vadd.f32 v20, v1;
	v8 =	vld [tilespmem:s29+$0xFFFFFFF0]  }
0x69: {  	v14 =	vld [tilespmem:s29+$0x0];
	[tilespmem:s26+$0xFFFFFF60] =	vst v13  }
0x6a: {  	v15 =	vld [tilespmem:s29+$0x10];
	[tilespmem:s26+$0xFFFFFF00] =	vst v9;
	v9 =	vadd.f32 v11, v21  }
0x6b: {  	v11 =	vld [tilespmem:s29+$0x20];
	v12 =	vadd.f32 v12, v19  }
0x6c: {  	v13 =	vld [tilespmem:s29+$0xFFFFFFC0];
	[tilespmem:s26+$0xFFFFFF90] =	vst v9;
	v10 =	vadd.f32 v10, v2  }
0x6d: {  	s31 =	sadd.s32 $0x80, s0;
	[tilespmem:s26+$0x70] =	vst v12;
	v8 =	vadd.f32 v8, v3;
	v12 =	vld [tilespmem:s30+$0xFFFFFFD0]  }
0x6e: {  	v9 =	vld [tilespmem:s31+$0x30];
	[tilespmem:s26+$0xFFFFFFA0] =	vst v10;
	v10 =	vadd.f32 v14, v4  }
0x6f: {  	v14 =	vld [tilespmem:s30+$0xFFFFFFE0];
	[tilespmem:s26+$0xFFFFFFB0] =	vst v8;
	v8 =	vadd.f32 v15, v5  }
0x70: {  	v15 =	vld [tilespmem:s30+$0xFFFFFFF0];
	[tilespmem:s26+$0xFFFFFFC0] =	vst v10;
	v10 =	vadd.f32 v11, v6  }
0x71: {  	v11 =	vadd.f32 v13, v1;
	v13 =	vld [tilespmem:s30+$0x0];
	[tilespmem:s26+$0xFFFFFFD0] =	vst v8  }
0x72: {  	v8 =	vld [tilespmem:s30+$0x10];
	[tilespmem:s26+$0xFFFFFFE0] =	vst v10;
	v10 =	vadd.f32 v12, v21  }
0x73: {  	[tilespmem:s26+$0xFFFFFF80] =	vst v11;
	v9 =	vadd.f32 v9, v19;
	v12 =	vld [tilespmem:s30+$0x20]  }
0x74: {  	v63 =	vld [tilespmem:s30+$0xFFFFFFC0];
	v11 =	vadd.f32 v14, v2;
	[tilespmem:s26+$0x10] =	vst v10  }
0x75: {  	v14 =	vld [tilespmem:s0+$0xFFFFFFC0];
	[tilespmem:s26+$0xF0] =	vst v9;
	v9 =	vadd.f32 v15, v3  }
0x76: {  	v15 =	vld [tilespmem:s31+$0xFFFFFFD0];
	[tilespmem:s26+$0x20] =	vst v11;
	v10 =	vadd.f32 v13, v4  }
0x77: {  	v11 =	vld [tilespmem:s31+$0xFFFFFFE0];
	[tilespmem:s26+$0x30] =	vst v9;
	v9 =	vadd.f32 v8, v5  }
0x78: {  	v8 =	vld [tilespmem:s31+$0xFFFFFFF0];
	[tilespmem:s26+$0x40] =	vst v10;
	v12 =	vadd.f32 v12, v6  }
0x79: {  	v16 =	vadd.f32 v63, v1;
	v10 =	vld [tilespmem:s31+$0x0];
	[tilespmem:s26+$0x50] =	vst v9  }
0x7a: {  	s14 =	simm.s32 $0xEA40;
	v13 =	vadd.f32 v14, v7;
	v9 =	vld [tilespmem:s31+$0x10];
	[tilespmem:s26+$0x60] =	vst v12  }
0x7b: {  	s1 =	smov.u32 s31;
	s24 =	sshll.u32 s23, $0x1;
	s0 =	simm.s32 $0x8;
	[tilespmem:s26+$0x0] =	vst v16;
	v7 =	vadd.f32 v15, v21;
	v12 =	vld [tilespmem:s31+$0x20]  }
.LBB2_3:
0x7c: {  	v14 =	vld [tilespmem:s14+$0x30];
	v2 =	vadd.f32 v11, v2;
	s28 =	sadd.s32 $0x80, s28;
	[tilespmem:s25+$0x80] =	vst v13;
	s25 =	smov.u32 s26  }
0x7d: {  	s0 =	sadd.s32 $0x8, s0;
	v11 =	vld [tilespmem:s28+$0x30];
	[tilespmem:s26+$0x90] =	vst v7;
	v3 =	vadd.f32 v8, v3  }
0x7e: {  	p1 =	slt.u32 s0, $0x38;
	v8 =	vld [tilespmem:s28+$0xFFFFFFC0];
	[tilespmem:s26+$0xA0] =	vst v2;
	v2 =	vadd.f32 v10, v4  }
0x7f: {  	v7 =	vld [tilespmem:s14+$0xFFFFFFD0];
	[tilespmem:s26+$0xB0] =	vst v3;
	v3 =	vadd.f32 v9, v5  }
0x80: {  	v4 =	vld [tilespmem:s28+$0xFFFFFFD0];
	[tilespmem:s26+$0xC0] =	vst v2;
	v5 =	vadd.f32 v12, v6  }
0x81: {  	v2 =	vld [tilespmem:s14+$0xFFFFFFE0];
	[tilespmem:s26+$0xD0] =	vst v3  }
0x82: {  	v6 =	vld [tilespmem:s28+$0xFFFFFFE0];
	v9 =	vadd.f32 v11, v14;
	[tilespmem:s26+$0xE0] =	vst v5  }
0x83: {  	s26 =	sadd.s32 $0x200, s26;
	v3 =	vld [tilespmem:s14+$0xFFFFFFF0]  }
0x84: {  	s29 =	sadd.s32 $0x80, s29;
	v10 =	vld [tilespmem:s28+$0xFFFFFFF0];
	[tilespmem:s26+$0xFFFFFF70] =	vst v9  }
0x85: {  	v5 =	vadd.f32 v4, v7;
	v9 =	vld [tilespmem:s29+$0x30]  }
0x86: {  	v4 =	vld [tilespmem:s14+$0x0]  }
0x87: {  	[tilespmem:s26+$0xFFFFFF10] =	vst v5;
	v6 =	vadd.f32 v6, v2;
	v11 =	vld [tilespmem:s28+$0x0]  }
0x88: {  	v5 =	vld [tilespmem:s14+$0x10]  }
0x89: {  	[tilespmem:s26+$0xFFFFFF20] =	vst v6;
	v10 =	vadd.f32 v10, v3;
	v12 =	vld [tilespmem:s28+$0x10]  }
0x8a: {  	v6 =	vld [tilespmem:s14+$0x20];
	v9 =	vadd.f32 v9, v14  }
0x8b: {  	[tilespmem:s26+$0xFFFFFF30] =	vst v10;
	v10 =	vld [tilespmem:s28+$0x20]  }
0x8c: {  	s30 =	sadd.s32 $0x80, s30;
	v15 =	vld [tilespmem:s14+$0xFFFFFFC0];
	v11 =	vadd.f32 v11, v4;
	[tilespmem:s26+$0xFFFFFFF0] =	vst v9  }
0x8d: {  	v9 =	vld [tilespmem:s30+$0x30]  }
0x8e: {  	v13 =	vld [tilespmem:s29+$0xFFFFFFD0];
	[tilespmem:s26+$0xFFFFFF40] =	vst v11;
	v11 =	vadd.f32 v12, v5  }
0x8f: {  	v12 =	vld [tilespmem:s29+$0xFFFFFFE0]  }
0x90: {  	v16 =	vld [tilespmem:s29+$0xFFFFFFF0];
	[tilespmem:s26+$0xFFFFFF50] =	vst v11;
	v10 =	vadd.f32 v10, v6  }
0x91: {  	v8 =	vadd.f32 v8, v15;
	v11 =	vld [tilespmem:s29+$0x0]  }
0x92: {  	v17 =	vld [tilespmem:s29+$0x10];
	[tilespmem:s26+$0xFFFFFF60] =	vst v10;
	v9 =	vadd.f32 v9, v14  }
0x93: {  	[tilespmem:s26+$0xFFFFFF00] =	vst v8;
	v8 =	vadd.f32 v13, v7;
	v10 =	vld [tilespmem:s29+$0x20]  }
0x94: {  	s31 =	sadd.s32 $0x80, s31;
	v13 =	vld [tilespmem:s29+$0xFFFFFFC0];
	v12 =	vadd.f32 v12, v2;
	[tilespmem:s26+$0x70] =	vst v9  }
0x95: {  	[tilespmem:s26+$0xFFFFFF90] =	vst v8;
	v8 =	vadd.f32 v16, v3;
	v9 =	vld [tilespmem:s31+$0x30]  }
0x96: {  	v16 =	vld [tilespmem:s30+$0xFFFFFFD0];
	[tilespmem:s26+$0xFFFFFFA0] =	vst v12;
	v11 =	vadd.f32 v11, v4  }
0x97: {  	v12 =	vld [tilespmem:s30+$0xFFFFFFE0];
	[tilespmem:s26+$0xFFFFFFB0] =	vst v8;
	v8 =	vadd.f32 v17, v5  }
0x98: {  	v17 =	vld [tilespmem:s30+$0xFFFFFFF0];
	[tilespmem:s26+$0xFFFFFFC0] =	vst v11;
	v10 =	vadd.f32 v10, v6  }
0x99: {  	v11 =	vadd.f32 v13, v15;
	v13 =	vld [tilespmem:s30+$0x0];
	[tilespmem:s26+$0xFFFFFFD0] =	vst v8  }
0x9a: {  	v8 =	vld [tilespmem:s30+$0x10];
	[tilespmem:s26+$0xFFFFFFE0] =	vst v10;
	v9 =	vadd.f32 v9, v14  }
0x9b: {  	[tilespmem:s26+$0xFFFFFF80] =	vst v11;
	v10 =	vadd.f32 v16, v7;
	v14 =	vld [tilespmem:s30+$0x20]  }
0x9c: {  	v16 =	vld [tilespmem:s30+$0xFFFFFFC0];
	v11 =	vadd.f32 v12, v2;
	[tilespmem:s26+$0xF0] =	vst v9  }
0x9d: {  	[tilespmem:s26+$0x10] =	vst v10;
	v9 =	vadd.f32 v17, v3;
	v12 =	vld [tilespmem:s1+$0xFFFFFFC0];
	s1 =	smov.u32 s31  }
0x9e: {  	v17 =	vld [tilespmem:s31+$0xFFFFFFD0];
	[tilespmem:s26+$0x20] =	vst v11;
	v10 =	vadd.f32 v13, v4  }
.Ltmp2:
0x9f: {  	v11 =	vld [tilespmem:s31+$0xFFFFFFE0];
	[tilespmem:s26+$0x30] =	vst v9;
	v9 =	vadd.f32 v8, v5;
	(pc) =	sbr.rel @p1 .LBB2_3-.Ltmp2, $4  }
0xa0: {  	v8 =	vld [tilespmem:s31+$0xFFFFFFF0];
	[tilespmem:s26+$0x40] =	vst v10;
	v13 =	vadd.f32 v14, v6  }
0xa1: {  	v14 =	vadd.f32 v16, v15;
	v10 =	vld [tilespmem:s31+$0x0];
	[tilespmem:s26+$0x50] =	vst v9  }
0xa2: {  	v9 =	vld [tilespmem:s31+$0x10];
	[tilespmem:s26+$0x60] =	vst v13;
	v13 =	vadd.f32 v12, v1;
	v1 =	vmov v15  }
0xa3: {  	s14 =	sadd.s32 $0x200, s14;
	[tilespmem:s26+$0x0] =	vst v14;
	v7 =	vadd.f32 v17, v7;
	v12 =	vld [tilespmem:s31+$0x20]  }
0xa4: {  	(v2sf) =	vpush v0, $0x4;
	v2 =	vadd.f32 v11, v2;
	[tilespmem:s25+$0x80] =	vst v13;
	v11 =	vld [tilespmem:s1+$0xFFFFFFC0]  }
0xa5: {  	[tilespmem:s26+$0x90] =	vst v7;
	v3 =	vadd.f32 v8, v3  }
0xa6: {  	[tilespmem:s26+$0xA0] =	vst v2;
	v2 =	vadd.f32 v10, v4  }
0xa7: {  	[tilespmem:s26+$0xB0] =	vst v3;
	v3 =	vadd.f32 v9, v5  }
0xa8: {  	[tilespmem:s26+$0xC0] =	vst v2;
	v2 =	vadd.f32 v12, v6  }
0xa9: {  	[tilespmem:s26+$0xD0] =	vst v3;
	v1 =	vadd.f32 v11, v1  }
0xaa: {  	[tilespmem:s26+$0xE0] =	vst v2  }
0xab: {  	[tilespmem:s26+$0x80] =	vst v1;
	s26 =	simm.s32 $0xE6F0  }
0xac: {  	v1 =	vld [tilespmem:s26+$0x0]  }
0xad: {  	v4 =	vld [tilespmem:s26+$0xFFFFFFA0]  }
0xae: {  	v6 =	vld [tilespmem:s26+$0xFFFFFFB0]  }
0xaf: {  	(v2sf) =	vpush v0, $0x5;
	v8 =	vld [tilespmem:s26+$0xFFFFFFC0]  }
0xb0: {  	v10 =	vld [tilespmem:s26+$0xFFFFFFD0]  }
0xb1: {  	v12 =	vld [tilespmem:s26+$0xFFFFFFE0]  }
0xb2: {  	s31 =	simm.s32 $0xE8F0;
	v14 =	vld [tilespmem:s26+$0xFFFFFFF0]  }
0xb3: {  	v19 =	vld [tilespmem:s31+$0x0];
	s0 =	spop (v2sf)  }
0xb4: {  	v21 =	vld [tilespmem:s31+$0xFFFFFFA0];
	s1 =	sor.u32 $0x240, s0  }
0xb5: {  	v2 =	vld [tilespmem:s1+$0x30]  }
0xb6: {  	v3 =	vld [tilespmem:s1+$0xFFFFFFC0]  }
0xb7: {  	(v2sf) =	vpush v0, $0x6;
	v5 =	vld [tilespmem:s1+$0xFFFFFFD0]  }
0xb8: {  	v7 =	vld [tilespmem:s1+$0xFFFFFFE0]  }
0xb9: {  	v9 =	vld [tilespmem:s1+$0xFFFFFFF0]  }
0xba: {  	v11 =	vld [tilespmem:s1+$0x0]  }
0xbb: {  	v13 =	vld [tilespmem:s1+$0x10];
	s28 =	sadd.s32 $0x80, s1  }
0xbc: {  	v20 =	vld [tilespmem:s28+$0xFFFFFFC0]  }
0xbd: {  	v22 =	vld [tilespmem:s28+$0xFFFFFFD0];
	v2 =	vadd.f32 v2, v1  }
0xbe: {  	s25 =	simm.s32 $0x77F0;
	s14 =	spop (v2sf);
	v62 =	vld [tilespmem:s28+$0xFFFFFFF0]  }
0xbf: {  	(v2sf) =	vpush v0, $0x7;
	s14 =	sor.u32 $0x240, s14;
	[tilespmem:s25+$0xFFFFFE80] =	vst v2;
	v2 =	vadd.f32 v5, v4;
	v5 =	vld [tilespmem:s1+$0x20]  }
0xc0: {  	v16 =	vadd.f32 v7, v6;
	v15 =	vld [tilespmem:s14+$0x30]  }
0xc1: {  	v7 =	vld [tilespmem:s26+$0xFFFFFF90];
	[tilespmem:s25+$0xFFFFFE20] =	vst v2;
	v2 =	vadd.f32 v9, v8  }
0xc2: {  	[tilespmem:s25+$0xFFFFFE30] =	vst v16;
	v9 =	vadd.f32 v11, v10;
	v11 =	vld [tilespmem:s14+$0xFFFFFFD0]  }
0xc3: {  	[tilespmem:s25+$0xFFFFFE40] =	vst v2;
	v2 =	vadd.f32 v13, v12;
	v13 =	vld [tilespmem:s14+$0xFFFFFFE0]  }
0xc4: {  	[tilespmem:s25+$0xFFFFFE50] =	vst v9;
	v9 =	vld [tilespmem:s14+$0xFFFFFFF0];
	v5 =	vadd.f32 v5, v14  }
0xc5: {  	v15 =	vadd.f32 v15, v1;
	[tilespmem:s25+$0xFFFFFE60] =	vst v2;
	v2 =	vld [tilespmem:s14+$0x0]  }
0xc6: {  	v3 =	vadd.f32 v3, v7;
	s26 =	spop (v2sf);
	v59 =	vld [tilespmem:s14+$0x10];
	[tilespmem:s25+$0xFFFFFE70] =	vst v5  }
0xc7: {  	s30 =	sor.u32 $0x240, s26;
	[tilespmem:s25+$0xFFFFFF00] =	vst v15;
	v5 =	vadd.f32 v11, v4;
	v11 =	vld [tilespmem:s14+$0x20]  }
0xc8: {  	[tilespmem:s25+$0xFFFFFE10] =	vst v3;
	v15 =	vld [tilespmem:s30+$0x30];
	v3 =	vadd.f32 v13, v6  }
0xc9: {  	v13 =	vld [tilespmem:s14+$0xFFFFFFC0];
	[tilespmem:s25+$0xFFFFFEA0] =	vst v5;
	v5 =	vadd.f32 v9, v8  }
0xca: {  	v9 =	vld [tilespmem:s30+$0xFFFFFFD0];
	[tilespmem:s25+$0xFFFFFEB0] =	vst v3;
	v2 =	vadd.f32 v2, v10  }
0xcb: {  	v3 =	vld [tilespmem:s30+$0xFFFFFFE0];
	[tilespmem:s25+$0xFFFFFEC0] =	vst v5;
	v5 =	vadd.f32 v59, v12  }
0xcc: {  	v60 =	vld [tilespmem:s30+$0xFFFFFFF0];
	[tilespmem:s25+$0xFFFFFED0] =	vst v2;
	v2 =	vadd.f32 v11, v14  }
0xcd: {  	v11 =	vadd.f32 v15, v1;
	v15 =	vld [tilespmem:s30+$0x0];
	[tilespmem:s25+$0xFFFFFEE0] =	vst v5  }
0xce: {  	s26 =	spop (v2sf);
	v5 =	vadd.f32 v13, v7;
	v13 =	vld [tilespmem:s30+$0x10];
	[tilespmem:s25+$0xFFFFFEF0] =	vst v2  }
0xcf: {  	s0 =	sor.u32 $0x240, s26;
	[tilespmem:s25+$0xFFFFFF80] =	vst v11;
	v2 =	vadd.f32 v9, v4;
	v9 =	vld [tilespmem:s30+$0x20]  }
0xd0: {  	[tilespmem:s25+$0xFFFFFE90] =	vst v5;
	v11 =	vld [tilespmem:s0+$0x30];
	v3 =	vadd.f32 v3, v6  }
0xd1: {  	v5 =	vld [tilespmem:s30+$0xFFFFFFC0];
	[tilespmem:s25+$0xFFFFFF20] =	vst v2;
	v2 =	vadd.f32 v60, v8  }
0xd2: {  	v61 =	vld [tilespmem:s0+$0xFFFFFFD0];
	[tilespmem:s25+$0xFFFFFF30] =	vst v3;
	v3 =	vadd.f32 v15, v10  }
0xd3: {  	v15 =	vld [tilespmem:s0+$0xFFFFFFE0];
	[tilespmem:s25+$0xFFFFFF40] =	vst v2  }
0xd4: {  	v2 =	vadd.f32 v13, v12;
	v13 =	vld [tilespmem:s0+$0xFFFFFFF0];
	[tilespmem:s25+$0xFFFFFF50] =	vst v3;
	v3 =	vadd.f32 v9, v14  }
0xd5: {  	v9 =	vld [tilespmem:s0+$0x0]  }
0xd6: {  	[tilespmem:s25+$0xFFFFFF70] =	vst v3;
	v3 =	vld [tilespmem:s28+$0x30]  }
0xd7: {  	[tilespmem:s25+$0xFFFFFF60] =	vst v2;
	v2 =	vld [tilespmem:s31+$0xFFFFFFB0]  }
0xd8: {  	v1 =	vadd.f32 v11, v1;
	v11 =	vld [tilespmem:s28+$0xFFFFFFE0]  }
0xd9: {  	v17 =	vld [tilespmem:s0+$0x10];
	v4 =	vadd.f32 v61, v4  }
0xda: {  	v18 =	vld [tilespmem:s0+$0x20];
	[tilespmem:s25+$0x0] =	vst v1;
	v1 =	vadd.f32 v5, v7  }
0xdb: {  	[tilespmem:s25+$0xFFFFFFA0] =	vst v4;
	v4 =	vld [tilespmem:s31+$0xFFFFFFD0];
	v23 =	vadd.f32 v3, v19  }
0xdc: {  	s26 =	simm.s32 $0x79F0;
	[tilespmem:s25+$0xFFFFFF10] =	vst v1;
	v1 =	vadd.f32 v15, v6;
	v5 =	vadd.f32 v13, v8;
	v8 =	vld [tilespmem:s28+$0x0]  }
0xdd: {  	s29 =	sadd.s32 $0x80, s14;
	v13 =	vld [tilespmem:s28+$0x20];
	[tilespmem:s26+$0xFFFFFE80] =	vst v23  }
0xde: {  	v11 =	vadd.f32 v11, v2;
	[tilespmem:s25+$0xFFFFFFB0] =	vst v1;
	v15 =	vld [tilespmem:s29+$0x30]  }
0xdf: {  	v3 =	vld [tilespmem:s31+$0xFFFFFFC0];
	v1 =	vadd.f32 v9, v10;
	[tilespmem:s25+$0xFFFFFFC0] =	vst v5  }
0xe0: {  	v6 =	vadd.f32 v17, v12;
	v5 =	vld [tilespmem:s31+$0xFFFFFFE0];
	[tilespmem:s26+$0xFFFFFE30] =	vst v11  }
0xe1: {  	v9 =	vld [tilespmem:s28+$0x10];
	[tilespmem:s25+$0xFFFFFFD0] =	vst v1;
	v1 =	vadd.f32 v18, v14  }
0xe2: {  	v12 =	vadd.f32 v22, v21;
	[tilespmem:s25+$0xFFFFFFE0] =	vst v6;
	v6 =	vld [tilespmem:s31+$0xFFFFFFF0]  }
0xe3: {  	[tilespmem:s25+$0xFFFFFFF0] =	vst v1;
	v1 =	vld [tilespmem:s31+$0xFFFFFF90];
	v10 =	vadd.f32 v15, v19  }
0xe4: {  	[tilespmem:s26+$0xFFFFFE20] =	vst v12;
	v8 =	vadd.f32 v8, v4  }
0xe5: {  	s30 =	sadd.s32 $0x80, s30;
	v11 =	vld [tilespmem:s29+$0xFFFFFFD0];
	[tilespmem:s26+$0xFFFFFF00] =	vst v10;
	v10 =	vadd.f32 v62, v3  }
0xe6: {  	v9 =	vadd.f32 v9, v5;
	[tilespmem:s26+$0xFFFFFE50] =	vst v8;
	v12 =	vld [tilespmem:s30+$0x30]  }
0xe7: {  	v13 =	vadd.f32 v13, v6;
	[tilespmem:s26+$0xFFFFFE40] =	vst v10;
	v10 =	vld [tilespmem:s29+$0xFFFFFFE0]  }
0xe8: {  	[tilespmem:s26+$0xFFFFFE60] =	vst v9;
	v9 =	vadd.f32 v20, v1;
	v8 =	vld [tilespmem:s29+$0xFFFFFFF0]  }
0xe9: {  	v14 =	vld [tilespmem:s29+$0x0];
	[tilespmem:s26+$0xFFFFFE70] =	vst v13  }
0xea: {  	v15 =	vld [tilespmem:s29+$0x10];
	[tilespmem:s26+$0xFFFFFE10] =	vst v9;
	v9 =	vadd.f32 v11, v21  }
0xeb: {  	v11 =	vld [tilespmem:s29+$0x20];
	v12 =	vadd.f32 v12, v19  }
0xec: {  	v13 =	vld [tilespmem:s29+$0xFFFFFFC0];
	[tilespmem:s26+$0xFFFFFEA0] =	vst v9;
	v10 =	vadd.f32 v10, v2  }
0xed: {  	s31 =	sadd.s32 $0x80, s0;
	[tilespmem:s26+$0xFFFFFF80] =	vst v12;
	v8 =	vadd.f32 v8, v3;
	v12 =	vld [tilespmem:s30+$0xFFFFFFD0]  }
0xee: {  	v9 =	vld [tilespmem:s31+$0x30];
	[tilespmem:s26+$0xFFFFFEB0] =	vst v10;
	v10 =	vadd.f32 v14, v4  }
0xef: {  	v14 =	vld [tilespmem:s30+$0xFFFFFFE0];
	[tilespmem:s26+$0xFFFFFEC0] =	vst v8;
	v8 =	vadd.f32 v15, v5  }
0xf0: {  	v15 =	vld [tilespmem:s30+$0xFFFFFFF0];
	[tilespmem:s26+$0xFFFFFED0] =	vst v10;
	v10 =	vadd.f32 v11, v6  }
0xf1: {  	v11 =	vadd.f32 v13, v1;
	v13 =	vld [tilespmem:s30+$0x0];
	[tilespmem:s26+$0xFFFFFEE0] =	vst v8  }
0xf2: {  	v8 =	vld [tilespmem:s30+$0x10];
	[tilespmem:s26+$0xFFFFFEF0] =	vst v10;
	v10 =	vadd.f32 v12, v21  }
0xf3: {  	[tilespmem:s26+$0xFFFFFE90] =	vst v11;
	v9 =	vadd.f32 v9, v19;
	v12 =	vld [tilespmem:s30+$0x20]  }
0xf4: {  	v63 =	vld [tilespmem:s30+$0xFFFFFFC0];
	v11 =	vadd.f32 v14, v2;
	[tilespmem:s26+$0xFFFFFF20] =	vst v10  }
0xf5: {  	v14 =	vld [tilespmem:s0+$0xFFFFFFC0];
	[tilespmem:s26+$0x0] =	vst v9;
	v9 =	vadd.f32 v15, v3  }
0xf6: {  	v15 =	vld [tilespmem:s31+$0xFFFFFFD0];
	[tilespmem:s26+$0xFFFFFF30] =	vst v11;
	v10 =	vadd.f32 v13, v4  }
0xf7: {  	v11 =	vld [tilespmem:s31+$0xFFFFFFE0];
	[tilespmem:s26+$0xFFFFFF40] =	vst v9;
	v9 =	vadd.f32 v8, v5  }
0xf8: {  	v8 =	vld [tilespmem:s31+$0xFFFFFFF0];
	[tilespmem:s26+$0xFFFFFF50] =	vst v10;
	v12 =	vadd.f32 v12, v6  }
0xf9: {  	v16 =	vadd.f32 v63, v1;
	v10 =	vld [tilespmem:s31+$0x0];
	[tilespmem:s26+$0xFFFFFF60] =	vst v9  }
0xfa: {  	v13 =	vadd.f32 v14, v7;
	v9 =	vld [tilespmem:s31+$0x10];
	[tilespmem:s26+$0xFFFFFF70] =	vst v12  }
0xfb: {  	s14 =	simm.s32 $0xEAF0;
	s1 =	smov.u32 s31;
	s0 =	simm.s32 $0x8;
	[tilespmem:s26+$0xFFFFFF10] =	vst v16;
	v7 =	vadd.f32 v15, v21;
	v12 =	vld [tilespmem:s31+$0x20]  }
.LBB2_5:
0xfc: {  	v14 =	vld [tilespmem:s14+$0x0];
	v2 =	vadd.f32 v11, v2;
	s28 =	sadd.s32 $0x80, s28;
	[tilespmem:s25+$0xFFFFFF90] =	vst v13;
	s25 =	smov.u32 s26  }
0xfd: {  	s0 =	sadd.s32 $0x8, s0;
	v11 =	vld [tilespmem:s28+$0x30];
	[tilespmem:s26+$0xFFFFFFA0] =	vst v7;
	v3 =	vadd.f32 v8, v3  }
0xfe: {  	p1 =	slt.u32 s0, $0x38;
	v8 =	vld [tilespmem:s28+$0xFFFFFFC0];
	[tilespmem:s26+$0xFFFFFFB0] =	vst v2;
	v2 =	vadd.f32 v10, v4  }
0xff: {  	v7 =	vld [tilespmem:s14+$0xFFFFFFA0];
	[tilespmem:s26+$0xFFFFFFC0] =	vst v3;
	v3 =	vadd.f32 v9, v5  }
0x100: {  	v4 =	vld [tilespmem:s28+$0xFFFFFFD0];
	[tilespmem:s26+$0xFFFFFFD0] =	vst v2;
	v5 =	vadd.f32 v12, v6  }
0x101: {  	v2 =	vld [tilespmem:s14+$0xFFFFFFB0];
	[tilespmem:s26+$0xFFFFFFE0] =	vst v3  }
0x102: {  	v6 =	vld [tilespmem:s28+$0xFFFFFFE0];
	v9 =	vadd.f32 v11, v14;
	[tilespmem:s26+$0xFFFFFFF0] =	vst v5  }
0x103: {  	s26 =	sadd.s32 $0x200, s26;
	v3 =	vld [tilespmem:s14+$0xFFFFFFC0]  }
0x104: {  	s29 =	sadd.s32 $0x80, s29;
	v10 =	vld [tilespmem:s28+$0xFFFFFFF0];
	[tilespmem:s26+$0xFFFFFE80] =	vst v9  }
0x105: {  	v5 =	vadd.f32 v4, v7;
	v9 =	vld [tilespmem:s29+$0x30]  }
0x106: {  	v4 =	vld [tilespmem:s14+$0xFFFFFFD0]  }
0x107: {  	[tilespmem:s26+$0xFFFFFE20] =	vst v5;
	v6 =	vadd.f32 v6, v2;
	v11 =	vld [tilespmem:s28+$0x0]  }
0x108: {  	v5 =	vld [tilespmem:s14+$0xFFFFFFE0]  }
0x109: {  	[tilespmem:s26+$0xFFFFFE30] =	vst v6;
	v10 =	vadd.f32 v10, v3;
	v12 =	vld [tilespmem:s28+$0x10]  }
0x10a: {  	v6 =	vld [tilespmem:s14+$0xFFFFFFF0];
	v9 =	vadd.f32 v9, v14  }
0x10b: {  	[tilespmem:s26+$0xFFFFFE40] =	vst v10;
	v10 =	vld [tilespmem:s28+$0x20]  }
0x10c: {  	s30 =	sadd.s32 $0x80, s30;
	v15 =	vld [tilespmem:s14+$0xFFFFFF90];
	v11 =	vadd.f32 v11, v4;
	[tilespmem:s26+$0xFFFFFF00] =	vst v9  }
0x10d: {  	v9 =	vld [tilespmem:s30+$0x30]  }
0x10e: {  	v13 =	vld [tilespmem:s29+$0xFFFFFFD0];
	[tilespmem:s26+$0xFFFFFE50] =	vst v11;
	v11 =	vadd.f32 v12, v5  }
0x10f: {  	v12 =	vld [tilespmem:s29+$0xFFFFFFE0]  }
0x110: {  	v16 =	vld [tilespmem:s29+$0xFFFFFFF0];
	[tilespmem:s26+$0xFFFFFE60] =	vst v11;
	v10 =	vadd.f32 v10, v6  }
0x111: {  	v8 =	vadd.f32 v8, v15;
	v11 =	vld [tilespmem:s29+$0x0]  }
0x112: {  	v17 =	vld [tilespmem:s29+$0x10];
	[tilespmem:s26+$0xFFFFFE70] =	vst v10;
	v9 =	vadd.f32 v9, v14  }
0x113: {  	[tilespmem:s26+$0xFFFFFE10] =	vst v8;
	v8 =	vadd.f32 v13, v7;
	v10 =	vld [tilespmem:s29+$0x20]  }
0x114: {  	s31 =	sadd.s32 $0x80, s31;
	v13 =	vld [tilespmem:s29+$0xFFFFFFC0];
	v12 =	vadd.f32 v12, v2;
	[tilespmem:s26+$0xFFFFFF80] =	vst v9  }
0x115: {  	[tilespmem:s26+$0xFFFFFEA0] =	vst v8;
	v8 =	vadd.f32 v16, v3;
	v9 =	vld [tilespmem:s31+$0x30]  }
0x116: {  	v16 =	vld [tilespmem:s30+$0xFFFFFFD0];
	[tilespmem:s26+$0xFFFFFEB0] =	vst v12;
	v11 =	vadd.f32 v11, v4  }
0x117: {  	v12 =	vld [tilespmem:s30+$0xFFFFFFE0];
	[tilespmem:s26+$0xFFFFFEC0] =	vst v8;
	v8 =	vadd.f32 v17, v5  }
0x118: {  	v17 =	vld [tilespmem:s30+$0xFFFFFFF0];
	[tilespmem:s26+$0xFFFFFED0] =	vst v11;
	v10 =	vadd.f32 v10, v6  }
0x119: {  	v11 =	vadd.f32 v13, v15;
	v13 =	vld [tilespmem:s30+$0x0];
	[tilespmem:s26+$0xFFFFFEE0] =	vst v8  }
0x11a: {  	v8 =	vld [tilespmem:s30+$0x10];
	[tilespmem:s26+$0xFFFFFEF0] =	vst v10;
	v9 =	vadd.f32 v9, v14  }
0x11b: {  	[tilespmem:s26+$0xFFFFFE90] =	vst v11;
	v10 =	vadd.f32 v16, v7;
	v14 =	vld [tilespmem:s30+$0x20]  }
0x11c: {  	v16 =	vld [tilespmem:s30+$0xFFFFFFC0];
	v11 =	vadd.f32 v12, v2;
	[tilespmem:s26+$0x0] =	vst v9  }
0x11d: {  	[tilespmem:s26+$0xFFFFFF20] =	vst v10;
	v9 =	vadd.f32 v17, v3;
	v12 =	vld [tilespmem:s1+$0xFFFFFFC0];
	s1 =	smov.u32 s31  }
0x11e: {  	v17 =	vld [tilespmem:s31+$0xFFFFFFD0];
	[tilespmem:s26+$0xFFFFFF30] =	vst v11;
	v10 =	vadd.f32 v13, v4  }
.Ltmp3:
0x11f: {  	v11 =	vld [tilespmem:s31+$0xFFFFFFE0];
	[tilespmem:s26+$0xFFFFFF40] =	vst v9;
	v9 =	vadd.f32 v8, v5;
	(pc) =	sbr.rel @p1 .LBB2_5-.Ltmp3, $4  }
0x120: {  	v8 =	vld [tilespmem:s31+$0xFFFFFFF0];
	[tilespmem:s26+$0xFFFFFF50] =	vst v10;
	v13 =	vadd.f32 v14, v6  }
0x121: {  	v14 =	vadd.f32 v16, v15;
	v10 =	vld [tilespmem:s31+$0x0];
	[tilespmem:s26+$0xFFFFFF60] =	vst v9  }
0x122: {  	v9 =	vld [tilespmem:s31+$0x10];
	[tilespmem:s26+$0xFFFFFF70] =	vst v13;
	v13 =	vadd.f32 v12, v1;
	v1 =	vmov v15  }
0x123: {  	s14 =	sadd.s32 $0x200, s14;
	[tilespmem:s26+$0xFFFFFF10] =	vst v14;
	v7 =	vadd.f32 v17, v7;
	v12 =	vld [tilespmem:s31+$0x20]  }
0x124: {  	(v2sf) =	vpush v0, $0x8;
	v2 =	vadd.f32 v11, v2;
	[tilespmem:s25+$0xFFFFFF90] =	vst v13;
	v11 =	vld [tilespmem:s1+$0xFFFFFFC0]  }
0x125: {  	[tilespmem:s26+$0xFFFFFFA0] =	vst v7;
	v3 =	vadd.f32 v8, v3  }
0x126: {  	[tilespmem:s26+$0xFFFFFFB0] =	vst v2;
	v2 =	vadd.f32 v10, v4  }
0x127: {  	[tilespmem:s26+$0xFFFFFFC0] =	vst v3;
	v3 =	vadd.f32 v9, v5  }
0x128: {  	[tilespmem:s26+$0xFFFFFFD0] =	vst v2;
	v2 =	vadd.f32 v12, v6  }
0x129: {  	[tilespmem:s26+$0xFFFFFFE0] =	vst v3;
	v1 =	vadd.f32 v11, v1  }
0x12a: {  	[tilespmem:s26+$0xFFFFFFF0] =	vst v2  }
0x12b: {  	[tilespmem:s26+$0xFFFFFF90] =	vst v1;
	s26 =	simm.s32 $0xE770  }
0x12c: {  	v1 =	vld [tilespmem:s26+$0x0]  }
0x12d: {  	v4 =	vld [tilespmem:s26+$0xFFFFFFA0]  }
0x12e: {  	v6 =	vld [tilespmem:s26+$0xFFFFFFB0]  }
0x12f: {  	(v2sf) =	vpush v0, $0x9;
	v8 =	vld [tilespmem:s26+$0xFFFFFFC0]  }
0x130: {  	v10 =	vld [tilespmem:s26+$0xFFFFFFD0]  }
0x131: {  	v12 =	vld [tilespmem:s26+$0xFFFFFFE0]  }
0x132: {  	s31 =	simm.s32 $0xE970;
	v14 =	vld [tilespmem:s26+$0xFFFFFFF0]  }
0x133: {  	v19 =	vld [tilespmem:s31+$0x0];
	s0 =	spop (v2sf)  }
0x134: {  	v21 =	vld [tilespmem:s31+$0xFFFFFFA0];
	s1 =	sor.u32 $0x240, s0  }
0x135: {  	v2 =	vld [tilespmem:s1+$0x30]  }
0x136: {  	v3 =	vld [tilespmem:s1+$0xFFFFFFC0]  }
0x137: {  	(v2sf) =	vpush v0, $0xA;
	v5 =	vld [tilespmem:s1+$0xFFFFFFD0]  }
0x138: {  	v7 =	vld [tilespmem:s1+$0xFFFFFFE0]  }
0x139: {  	v9 =	vld [tilespmem:s1+$0xFFFFFFF0]  }
0x13a: {  	v11 =	vld [tilespmem:s1+$0x0]  }
0x13b: {  	v13 =	vld [tilespmem:s1+$0x10];
	s28 =	sadd.s32 $0x80, s1  }
0x13c: {  	v20 =	vld [tilespmem:s28+$0xFFFFFFC0]  }
0x13d: {  	v22 =	vld [tilespmem:s28+$0xFFFFFFD0];
	v2 =	vadd.f32 v2, v1  }
0x13e: {  	s25 =	simm.s32 $0x87F0;
	s14 =	spop (v2sf);
	v62 =	vld [tilespmem:s28+$0xFFFFFFF0]  }
0x13f: {  	(v2sf) =	vpush v0, $0xB;
	s14 =	sor.u32 $0x240, s14;
	[tilespmem:s25+$0xFFFFFE80] =	vst v2;
	v2 =	vadd.f32 v5, v4;
	v5 =	vld [tilespmem:s1+$0x20]  }
0x140: {  	v16 =	vadd.f32 v7, v6;
	v15 =	vld [tilespmem:s14+$0x30]  }
0x141: {  	v7 =	vld [tilespmem:s26+$0xFFFFFF90];
	[tilespmem:s25+$0xFFFFFE20] =	vst v2;
	v2 =	vadd.f32 v9, v8  }
0x142: {  	[tilespmem:s25+$0xFFFFFE30] =	vst v16;
	v9 =	vadd.f32 v11, v10;
	v11 =	vld [tilespmem:s14+$0xFFFFFFD0]  }
0x143: {  	[tilespmem:s25+$0xFFFFFE40] =	vst v2;
	v2 =	vadd.f32 v13, v12;
	v13 =	vld [tilespmem:s14+$0xFFFFFFE0]  }
0x144: {  	[tilespmem:s25+$0xFFFFFE50] =	vst v9;
	v9 =	vld [tilespmem:s14+$0xFFFFFFF0];
	v5 =	vadd.f32 v5, v14  }
0x145: {  	v15 =	vadd.f32 v15, v1;
	[tilespmem:s25+$0xFFFFFE60] =	vst v2;
	v2 =	vld [tilespmem:s14+$0x0]  }
0x146: {  	v3 =	vadd.f32 v3, v7;
	s26 =	spop (v2sf);
	v59 =	vld [tilespmem:s14+$0x10];
	[tilespmem:s25+$0xFFFFFE70] =	vst v5  }
0x147: {  	s30 =	sor.u32 $0x240, s26;
	[tilespmem:s25+$0xFFFFFF00] =	vst v15;
	v5 =	vadd.f32 v11, v4;
	v11 =	vld [tilespmem:s14+$0x20]  }
0x148: {  	[tilespmem:s25+$0xFFFFFE10] =	vst v3;
	v15 =	vld [tilespmem:s30+$0x30];
	v3 =	vadd.f32 v13, v6  }
0x149: {  	v13 =	vld [tilespmem:s14+$0xFFFFFFC0];
	[tilespmem:s25+$0xFFFFFEA0] =	vst v5;
	v5 =	vadd.f32 v9, v8  }
0x14a: {  	v9 =	vld [tilespmem:s30+$0xFFFFFFD0];
	[tilespmem:s25+$0xFFFFFEB0] =	vst v3;
	v2 =	vadd.f32 v2, v10  }
0x14b: {  	v3 =	vld [tilespmem:s30+$0xFFFFFFE0];
	[tilespmem:s25+$0xFFFFFEC0] =	vst v5;
	v5 =	vadd.f32 v59, v12  }
0x14c: {  	v60 =	vld [tilespmem:s30+$0xFFFFFFF0];
	[tilespmem:s25+$0xFFFFFED0] =	vst v2;
	v2 =	vadd.f32 v11, v14  }
0x14d: {  	v11 =	vadd.f32 v15, v1;
	v15 =	vld [tilespmem:s30+$0x0];
	[tilespmem:s25+$0xFFFFFEE0] =	vst v5  }
0x14e: {  	s26 =	spop (v2sf);
	v5 =	vadd.f32 v13, v7;
	v13 =	vld [tilespmem:s30+$0x10];
	[tilespmem:s25+$0xFFFFFEF0] =	vst v2  }
0x14f: {  	s0 =	sor.u32 $0x240, s26;
	[tilespmem:s25+$0xFFFFFF80] =	vst v11;
	v2 =	vadd.f32 v9, v4;
	v9 =	vld [tilespmem:s30+$0x20]  }
0x150: {  	[tilespmem:s25+$0xFFFFFE90] =	vst v5;
	v11 =	vld [tilespmem:s0+$0x30];
	v3 =	vadd.f32 v3, v6  }
0x151: {  	v5 =	vld [tilespmem:s30+$0xFFFFFFC0];
	[tilespmem:s25+$0xFFFFFF20] =	vst v2;
	v2 =	vadd.f32 v60, v8  }
0x152: {  	v61 =	vld [tilespmem:s0+$0xFFFFFFD0];
	[tilespmem:s25+$0xFFFFFF30] =	vst v3;
	v3 =	vadd.f32 v15, v10  }
0x153: {  	v15 =	vld [tilespmem:s0+$0xFFFFFFE0];
	[tilespmem:s25+$0xFFFFFF40] =	vst v2  }
0x154: {  	v2 =	vadd.f32 v13, v12;
	v13 =	vld [tilespmem:s0+$0xFFFFFFF0];
	[tilespmem:s25+$0xFFFFFF50] =	vst v3;
	v3 =	vadd.f32 v9, v14  }
0x155: {  	v9 =	vld [tilespmem:s0+$0x0]  }
0x156: {  	[tilespmem:s25+$0xFFFFFF70] =	vst v3;
	v3 =	vld [tilespmem:s28+$0x30]  }
0x157: {  	[tilespmem:s25+$0xFFFFFF60] =	vst v2;
	v2 =	vld [tilespmem:s31+$0xFFFFFFB0]  }
0x158: {  	v1 =	vadd.f32 v11, v1;
	v11 =	vld [tilespmem:s28+$0xFFFFFFE0]  }
0x159: {  	v17 =	vld [tilespmem:s0+$0x10];
	v4 =	vadd.f32 v61, v4  }
0x15a: {  	v18 =	vld [tilespmem:s0+$0x20];
	[tilespmem:s25+$0x0] =	vst v1;
	v1 =	vadd.f32 v5, v7  }
0x15b: {  	[tilespmem:s25+$0xFFFFFFA0] =	vst v4;
	v4 =	vld [tilespmem:s31+$0xFFFFFFD0];
	v23 =	vadd.f32 v3, v19  }
0x15c: {  	s26 =	simm.s32 $0x89F0;
	[tilespmem:s25+$0xFFFFFF10] =	vst v1;
	v1 =	vadd.f32 v15, v6;
	v5 =	vadd.f32 v13, v8;
	v8 =	vld [tilespmem:s28+$0x0]  }
0x15d: {  	s29 =	sadd.s32 $0x80, s14;
	v13 =	vld [tilespmem:s28+$0x20];
	[tilespmem:s26+$0xFFFFFE80] =	vst v23  }
0x15e: {  	v11 =	vadd.f32 v11, v2;
	[tilespmem:s25+$0xFFFFFFB0] =	vst v1;
	v15 =	vld [tilespmem:s29+$0x30]  }
0x15f: {  	v3 =	vld [tilespmem:s31+$0xFFFFFFC0];
	v1 =	vadd.f32 v9, v10;
	[tilespmem:s25+$0xFFFFFFC0] =	vst v5  }
0x160: {  	v6 =	vadd.f32 v17, v12;
	v5 =	vld [tilespmem:s31+$0xFFFFFFE0];
	[tilespmem:s26+$0xFFFFFE30] =	vst v11  }
0x161: {  	v9 =	vld [tilespmem:s28+$0x10];
	[tilespmem:s25+$0xFFFFFFD0] =	vst v1;
	v1 =	vadd.f32 v18, v14  }
0x162: {  	v12 =	vadd.f32 v22, v21;
	[tilespmem:s25+$0xFFFFFFE0] =	vst v6;
	v6 =	vld [tilespmem:s31+$0xFFFFFFF0]  }
0x163: {  	[tilespmem:s25+$0xFFFFFFF0] =	vst v1;
	v1 =	vld [tilespmem:s31+$0xFFFFFF90];
	v10 =	vadd.f32 v15, v19  }
0x164: {  	[tilespmem:s26+$0xFFFFFE20] =	vst v12;
	v8 =	vadd.f32 v8, v4  }
0x165: {  	s30 =	sadd.s32 $0x80, s30;
	v11 =	vld [tilespmem:s29+$0xFFFFFFD0];
	[tilespmem:s26+$0xFFFFFF00] =	vst v10;
	v10 =	vadd.f32 v62, v3  }
0x166: {  	v9 =	vadd.f32 v9, v5;
	[tilespmem:s26+$0xFFFFFE50] =	vst v8;
	v12 =	vld [tilespmem:s30+$0x30]  }
0x167: {  	v13 =	vadd.f32 v13, v6;
	[tilespmem:s26+$0xFFFFFE40] =	vst v10;
	v10 =	vld [tilespmem:s29+$0xFFFFFFE0]  }
0x168: {  	[tilespmem:s26+$0xFFFFFE60] =	vst v9;
	v9 =	vadd.f32 v20, v1;
	v8 =	vld [tilespmem:s29+$0xFFFFFFF0]  }
0x169: {  	v14 =	vld [tilespmem:s29+$0x0];
	[tilespmem:s26+$0xFFFFFE70] =	vst v13  }
0x16a: {  	v15 =	vld [tilespmem:s29+$0x10];
	[tilespmem:s26+$0xFFFFFE10] =	vst v9;
	v9 =	vadd.f32 v11, v21  }
0x16b: {  	v11 =	vld [tilespmem:s29+$0x20];
	v12 =	vadd.f32 v12, v19  }
0x16c: {  	v13 =	vld [tilespmem:s29+$0xFFFFFFC0];
	[tilespmem:s26+$0xFFFFFEA0] =	vst v9;
	v10 =	vadd.f32 v10, v2  }
0x16d: {  	s31 =	sadd.s32 $0x80, s0;
	[tilespmem:s26+$0xFFFFFF80] =	vst v12;
	v8 =	vadd.f32 v8, v3;
	v12 =	vld [tilespmem:s30+$0xFFFFFFD0]  }
0x16e: {  	v9 =	vld [tilespmem:s31+$0x30];
	[tilespmem:s26+$0xFFFFFEB0] =	vst v10;
	v10 =	vadd.f32 v14, v4  }
0x16f: {  	v14 =	vld [tilespmem:s30+$0xFFFFFFE0];
	[tilespmem:s26+$0xFFFFFEC0] =	vst v8;
	v8 =	vadd.f32 v15, v5  }
0x170: {  	v15 =	vld [tilespmem:s30+$0xFFFFFFF0];
	[tilespmem:s26+$0xFFFFFED0] =	vst v10;
	v10 =	vadd.f32 v11, v6  }
0x171: {  	v11 =	vadd.f32 v13, v1;
	v13 =	vld [tilespmem:s30+$0x0];
	[tilespmem:s26+$0xFFFFFEE0] =	vst v8  }
0x172: {  	v8 =	vld [tilespmem:s30+$0x10];
	[tilespmem:s26+$0xFFFFFEF0] =	vst v10;
	v10 =	vadd.f32 v12, v21  }
0x173: {  	[tilespmem:s26+$0xFFFFFE90] =	vst v11;
	v9 =	vadd.f32 v9, v19;
	v12 =	vld [tilespmem:s30+$0x20]  }
0x174: {  	v63 =	vld [tilespmem:s30+$0xFFFFFFC0];
	v11 =	vadd.f32 v14, v2;
	[tilespmem:s26+$0xFFFFFF20] =	vst v10  }
0x175: {  	v14 =	vld [tilespmem:s0+$0xFFFFFFC0];
	[tilespmem:s26+$0x0] =	vst v9;
	v9 =	vadd.f32 v15, v3  }
0x176: {  	v15 =	vld [tilespmem:s31+$0xFFFFFFD0];
	[tilespmem:s26+$0xFFFFFF30] =	vst v11;
	v10 =	vadd.f32 v13, v4  }
0x177: {  	v11 =	vld [tilespmem:s31+$0xFFFFFFE0];
	[tilespmem:s26+$0xFFFFFF40] =	vst v9;
	v9 =	vadd.f32 v8, v5  }
0x178: {  	v8 =	vld [tilespmem:s31+$0xFFFFFFF0];
	[tilespmem:s26+$0xFFFFFF50] =	vst v10;
	v12 =	vadd.f32 v12, v6  }
0x179: {  	v16 =	vadd.f32 v63, v1;
	v10 =	vld [tilespmem:s31+$0x0];
	[tilespmem:s26+$0xFFFFFF60] =	vst v9  }
0x17a: {  	v13 =	vadd.f32 v14, v7;
	v9 =	vld [tilespmem:s31+$0x10];
	[tilespmem:s26+$0xFFFFFF70] =	vst v12  }
0x17b: {  	s14 =	simm.s32 $0xEB70;
	s1 =	smov.u32 s31;
	s0 =	simm.s32 $0x8;
	[tilespmem:s26+$0xFFFFFF10] =	vst v16;
	v7 =	vadd.f32 v15, v21;
	v12 =	vld [tilespmem:s31+$0x20]  }
.LBB2_7:
0x17c: {  	v14 =	vld [tilespmem:s14+$0x0];
	v2 =	vadd.f32 v11, v2;
	s28 =	sadd.s32 $0x80, s28;
	[tilespmem:s25+$0xFFFFFF90] =	vst v13;
	s25 =	smov.u32 s26  }
0x17d: {  	s0 =	sadd.s32 $0x8, s0;
	v11 =	vld [tilespmem:s28+$0x30];
	[tilespmem:s26+$0xFFFFFFA0] =	vst v7;
	v3 =	vadd.f32 v8, v3  }
0x17e: {  	p1 =	slt.u32 s0, $0x38;
	v8 =	vld [tilespmem:s28+$0xFFFFFFC0];
	[tilespmem:s26+$0xFFFFFFB0] =	vst v2;
	v2 =	vadd.f32 v10, v4  }
0x17f: {  	v7 =	vld [tilespmem:s14+$0xFFFFFFA0];
	[tilespmem:s26+$0xFFFFFFC0] =	vst v3;
	v3 =	vadd.f32 v9, v5  }
0x180: {  	v4 =	vld [tilespmem:s28+$0xFFFFFFD0];
	[tilespmem:s26+$0xFFFFFFD0] =	vst v2;
	v5 =	vadd.f32 v12, v6  }
0x181: {  	v2 =	vld [tilespmem:s14+$0xFFFFFFB0];
	[tilespmem:s26+$0xFFFFFFE0] =	vst v3  }
0x182: {  	v6 =	vld [tilespmem:s28+$0xFFFFFFE0];
	v9 =	vadd.f32 v11, v14;
	[tilespmem:s26+$0xFFFFFFF0] =	vst v5  }
0x183: {  	s26 =	sadd.s32 $0x200, s26;
	v3 =	vld [tilespmem:s14+$0xFFFFFFC0]  }
0x184: {  	s29 =	sadd.s32 $0x80, s29;
	v10 =	vld [tilespmem:s28+$0xFFFFFFF0];
	[tilespmem:s26+$0xFFFFFE80] =	vst v9  }
0x185: {  	v5 =	vadd.f32 v4, v7;
	v9 =	vld [tilespmem:s29+$0x30]  }
0x186: {  	v4 =	vld [tilespmem:s14+$0xFFFFFFD0]  }
0x187: {  	[tilespmem:s26+$0xFFFFFE20] =	vst v5;
	v6 =	vadd.f32 v6, v2;
	v11 =	vld [tilespmem:s28+$0x0]  }
0x188: {  	v5 =	vld [tilespmem:s14+$0xFFFFFFE0]  }
0x189: {  	[tilespmem:s26+$0xFFFFFE30] =	vst v6;
	v10 =	vadd.f32 v10, v3;
	v12 =	vld [tilespmem:s28+$0x10]  }
0x18a: {  	v6 =	vld [tilespmem:s14+$0xFFFFFFF0];
	v9 =	vadd.f32 v9, v14  }
0x18b: {  	[tilespmem:s26+$0xFFFFFE40] =	vst v10;
	v10 =	vld [tilespmem:s28+$0x20]  }
0x18c: {  	s30 =	sadd.s32 $0x80, s30;
	v15 =	vld [tilespmem:s14+$0xFFFFFF90];
	v11 =	vadd.f32 v11, v4;
	[tilespmem:s26+$0xFFFFFF00] =	vst v9  }
0x18d: {  	v9 =	vld [tilespmem:s30+$0x30]  }
0x18e: {  	v13 =	vld [tilespmem:s29+$0xFFFFFFD0];
	[tilespmem:s26+$0xFFFFFE50] =	vst v11;
	v11 =	vadd.f32 v12, v5  }
0x18f: {  	v12 =	vld [tilespmem:s29+$0xFFFFFFE0]  }
0x190: {  	v16 =	vld [tilespmem:s29+$0xFFFFFFF0];
	[tilespmem:s26+$0xFFFFFE60] =	vst v11;
	v10 =	vadd.f32 v10, v6  }
0x191: {  	v8 =	vadd.f32 v8, v15;
	v11 =	vld [tilespmem:s29+$0x0]  }
0x192: {  	v17 =	vld [tilespmem:s29+$0x10];
	[tilespmem:s26+$0xFFFFFE70] =	vst v10;
	v9 =	vadd.f32 v9, v14  }
0x193: {  	[tilespmem:s26+$0xFFFFFE10] =	vst v8;
	v8 =	vadd.f32 v13, v7;
	v10 =	vld [tilespmem:s29+$0x20]  }
0x194: {  	s31 =	sadd.s32 $0x80, s31;
	v13 =	vld [tilespmem:s29+$0xFFFFFFC0];
	v12 =	vadd.f32 v12, v2;
	[tilespmem:s26+$0xFFFFFF80] =	vst v9  }
0x195: {  	[tilespmem:s26+$0xFFFFFEA0] =	vst v8;
	v8 =	vadd.f32 v16, v3;
	v9 =	vld [tilespmem:s31+$0x30]  }
0x196: {  	v16 =	vld [tilespmem:s30+$0xFFFFFFD0];
	[tilespmem:s26+$0xFFFFFEB0] =	vst v12;
	v11 =	vadd.f32 v11, v4  }
0x197: {  	v12 =	vld [tilespmem:s30+$0xFFFFFFE0];
	[tilespmem:s26+$0xFFFFFEC0] =	vst v8;
	v8 =	vadd.f32 v17, v5  }
0x198: {  	v17 =	vld [tilespmem:s30+$0xFFFFFFF0];
	[tilespmem:s26+$0xFFFFFED0] =	vst v11;
	v10 =	vadd.f32 v10, v6  }
0x199: {  	v11 =	vadd.f32 v13, v15;
	v13 =	vld [tilespmem:s30+$0x0];
	[tilespmem:s26+$0xFFFFFEE0] =	vst v8  }
0x19a: {  	v8 =	vld [tilespmem:s30+$0x10];
	[tilespmem:s26+$0xFFFFFEF0] =	vst v10;
	v9 =	vadd.f32 v9, v14  }
0x19b: {  	[tilespmem:s26+$0xFFFFFE90] =	vst v11;
	v10 =	vadd.f32 v16, v7;
	v14 =	vld [tilespmem:s30+$0x20]  }
0x19c: {  	v16 =	vld [tilespmem:s30+$0xFFFFFFC0];
	v11 =	vadd.f32 v12, v2;
	[tilespmem:s26+$0x0] =	vst v9  }
0x19d: {  	[tilespmem:s26+$0xFFFFFF20] =	vst v10;
	v9 =	vadd.f32 v17, v3;
	v12 =	vld [tilespmem:s1+$0xFFFFFFC0];
	s1 =	smov.u32 s31  }
0x19e: {  	v17 =	vld [tilespmem:s31+$0xFFFFFFD0];
	[tilespmem:s26+$0xFFFFFF30] =	vst v11;
	v10 =	vadd.f32 v13, v4  }
.Ltmp4:
0x19f: {  	v11 =	vld [tilespmem:s31+$0xFFFFFFE0];
	[tilespmem:s26+$0xFFFFFF40] =	vst v9;
	v9 =	vadd.f32 v8, v5;
	(pc) =	sbr.rel @p1 .LBB2_7-.Ltmp4, $4  }
0x1a0: {  	v8 =	vld [tilespmem:s31+$0xFFFFFFF0];
	[tilespmem:s26+$0xFFFFFF50] =	vst v10;
	v13 =	vadd.f32 v14, v6  }
0x1a1: {  	v14 =	vadd.f32 v16, v15;
	v10 =	vld [tilespmem:s31+$0x0];
	[tilespmem:s26+$0xFFFFFF60] =	vst v9  }
0x1a2: {  	v9 =	vld [tilespmem:s31+$0x10];
	[tilespmem:s26+$0xFFFFFF70] =	vst v13;
	v13 =	vadd.f32 v12, v1;
	v1 =	vmov v15  }
0x1a3: {  	s14 =	sadd.s32 $0x200, s14;
	[tilespmem:s26+$0xFFFFFF10] =	vst v14;
	v7 =	vadd.f32 v17, v7;
	v12 =	vld [tilespmem:s31+$0x20]  }
0x1a4: {  	(v2sf) =	vpush v0, $0xC;
	v2 =	vadd.f32 v11, v2;
	[tilespmem:s25+$0xFFFFFF90] =	vst v13;
	v11 =	vld [tilespmem:s1+$0xFFFFFFC0]  }
0x1a5: {  	[tilespmem:s26+$0xFFFFFFA0] =	vst v7;
	v3 =	vadd.f32 v8, v3  }
0x1a6: {  	[tilespmem:s26+$0xFFFFFFB0] =	vst v2;
	v2 =	vadd.f32 v10, v4  }
0x1a7: {  	[tilespmem:s26+$0xFFFFFFC0] =	vst v3;
	v3 =	vadd.f32 v9, v5  }
0x1a8: {  	[tilespmem:s26+$0xFFFFFFD0] =	vst v2;
	v2 =	vadd.f32 v12, v6  }
0x1a9: {  	[tilespmem:s26+$0xFFFFFFE0] =	vst v3;
	v1 =	vadd.f32 v11, v1  }
0x1aa: {  	[tilespmem:s26+$0xFFFFFFF0] =	vst v2  }
0x1ab: {  	[tilespmem:s26+$0xFFFFFF90] =	vst v1;
	s26 =	simm.s32 $0xE7F0  }
0x1ac: {  	v1 =	vld [tilespmem:s26+$0x0]  }
0x1ad: {  	(v2sf) =	vpush v0, $0xD;
	v4 =	vld [tilespmem:s26+$0xFFFFFFA0]  }
0x1ae: {  	v7 =	vld [tilespmem:s26+$0xFFFFFFB0]  }
0x1af: {  	v8 =	vld [tilespmem:s26+$0xFFFFFFC0]  }
0x1b0: {  	v10 =	vld [tilespmem:s26+$0xFFFFFFD0]  }
0x1b1: {  	v12 =	vld [tilespmem:s26+$0xFFFFFFE0]  }
0x1b2: {  	s31 =	simm.s32 $0xE9F0;
	v14 =	vld [tilespmem:s26+$0xFFFFFFF0]  }
0x1b3: {  	v17 =	vld [tilespmem:s31+$0x0];
	s0 =	spop (v2sf)  }
0x1b4: {  	v19 =	vld [tilespmem:s31+$0xFFFFFFA0];
	s1 =	sor.u32 $0x240, s0  }
0x1b5: {  	v2 =	vld [tilespmem:s1+$0x30]  }
0x1b6: {  	v3 =	vld [tilespmem:s1+$0xFFFFFFC0]  }
0x1b7: {  	(v2sf) =	vpush v0, $0xE;
	v5 =	vld [tilespmem:s1+$0xFFFFFFD0]  }
0x1b8: {  	v6 =	vld [tilespmem:s1+$0xFFFFFFE0]  }
0x1b9: {  	v9 =	vld [tilespmem:s1+$0xFFFFFFF0]  }
0x1ba: {  	v11 =	vld [tilespmem:s1+$0x0]  }
0x1bb: {  	v13 =	vld [tilespmem:s1+$0x10];
	s28 =	sadd.s32 $0x80, s1  }
0x1bc: {  	s14 =	spop (v2sf);
	(v2sf) =	vpush v0, $0xF;
	v18 =	vld [tilespmem:s28+$0xFFFFFFC0];
	v2 =	vadd.f32 v2, v1  }
0x1bd: {  	s25 =	simm.s32 $0x97F0;
	v0 =	vadd.f32 v5, v4;
	v15 =	vadd.f32 v6, v7;
	v6 =	vld [tilespmem:s26+$0xFFFFFF90]  }
0x1be: {  	s14 =	sor.u32 $0x240, s14;
	[tilespmem:s25+$0xFFFFFE80] =	vst v2;
	v2 =	vld [tilespmem:s1+$0x20]  }
0x1bf: {  	[tilespmem:s25+$0xFFFFFE20] =	vst v0;
	v0 =	vadd.f32 v9, v8;
	v5 =	vld [tilespmem:s14+$0x30]  }
0x1c0: {  	v20 =	vld [tilespmem:s28+$0xFFFFFFD0];
	[tilespmem:s25+$0xFFFFFE30] =	vst v15;
	v9 =	vadd.f32 v11, v10  }
0x1c1: {  	v11 =	vld [tilespmem:s14+$0xFFFFFFD0];
	[tilespmem:s25+$0xFFFFFE40] =	vst v0;
	v0 =	vadd.f32 v13, v12  }
0x1c2: {  	v13 =	vld [tilespmem:s14+$0xFFFFFFE0];
	[tilespmem:s25+$0xFFFFFE50] =	vst v9;
	v3 =	vadd.f32 v3, v6  }
0x1c3: {  	v9 =	vld [tilespmem:s14+$0xFFFFFFF0];
	[tilespmem:s25+$0xFFFFFE60] =	vst v0;
	v2 =	vadd.f32 v2, v14  }
0x1c4: {  	v0 =	vld [tilespmem:s14+$0x0];
	[tilespmem:s25+$0xFFFFFE10] =	vst v3;
	v5 =	vadd.f32 v5, v1  }
0x1c5: {  	v15 =	vld [tilespmem:s14+$0x10];
	[tilespmem:s25+$0xFFFFFE70] =	vst v2  }
0x1c6: {  	s26 =	spop (v2sf);
	v2 =	vadd.f32 v11, v4;
	[tilespmem:s25+$0xFFFFFF00] =	vst v5;
	v5 =	vld [tilespmem:s14+$0x20]  }
0x1c7: {  	s30 =	sor.u32 $0x240, s26;
	v3 =	vadd.f32 v13, v7;
	v13 =	vld [tilespmem:s14+$0xFFFFFFC0]  }
0x1c8: {  	v11 =	vld [tilespmem:s30+$0x30];
	[tilespmem:s25+$0xFFFFFEA0] =	vst v2;
	v2 =	vadd.f32 v9, v8  }
0x1c9: {  	v21 =	vld [tilespmem:s28+$0xFFFFFFE0];
	[tilespmem:s25+$0xFFFFFEB0] =	vst v3;
	v0 =	vadd.f32 v0, v10  }
0x1ca: {  	v9 =	vld [tilespmem:s30+$0xFFFFFFD0];
	[tilespmem:s25+$0xFFFFFEC0] =	vst v2;
	v2 =	vadd.f32 v15, v12  }
0x1cb: {  	v3 =	vld [tilespmem:s30+$0xFFFFFFE0];
	[tilespmem:s25+$0xFFFFFED0] =	vst v0;
	v0 =	vadd.f32 v5, v14  }
0x1cc: {  	v15 =	vld [tilespmem:s30+$0xFFFFFFF0];
	[tilespmem:s25+$0xFFFFFEE0] =	vst v2;
	v2 =	vadd.f32 v13, v6  }
0x1cd: {  	v5 =	vadd.f32 v11, v1;
	v11 =	vld [tilespmem:s30+$0x0];
	[tilespmem:s25+$0xFFFFFEF0] =	vst v0  }
0x1ce: {  	v13 =	vld [tilespmem:s30+$0x10];
	[tilespmem:s25+$0xFFFFFE90] =	vst v2  }
0x1cf: {  	s26 =	spop (v2sf);
	v0 =	vadd.f32 v9, v4;
	[tilespmem:s25+$0xFFFFFF80] =	vst v5;
	v5 =	vld [tilespmem:s30+$0x20]  }
0x1d0: {  	s0 =	sor.u32 $0x240, s26;
	v2 =	vadd.f32 v3, v7;
	v3 =	vld [tilespmem:s30+$0xFFFFFFC0]  }
0x1d1: {  	v9 =	vld [tilespmem:s0+$0x30];
	[tilespmem:s25+$0xFFFFFF20] =	vst v0;
	v0 =	vadd.f32 v15, v8  }
0x1d2: {  	[tilespmem:s25+$0xFFFFFF30] =	vst v2;
	v15 =	vld [tilespmem:s0+$0xFFFFFFD0];
	v2 =	vadd.f32 v11, v10  }
0x1d3: {  	v11 =	vld [tilespmem:s0+$0xFFFFFFE0];
	[tilespmem:s25+$0xFFFFFF40] =	vst v0;
	v0 =	vadd.f32 v13, v12  }
0x1d4: {  	v13 =	vld [tilespmem:s0+$0xFFFFFFF0];
	[tilespmem:s25+$0xFFFFFF50] =	vst v2;
	v2 =	vadd.f32 v5, v14  }
0x1d5: {  	[tilespmem:s25+$0xFFFFFF60] =	vst v0;
	v5 =	vld [tilespmem:s0+$0x0]  }
0x1d6: {  	v3 =	vadd.f32 v3, v6;
	[tilespmem:s25+$0xFFFFFF70] =	vst v2;
	v2 =	vld [tilespmem:s28+$0x30]  }
0x1d7: {  	v0 =	vld [tilespmem:s0+$0x10];
	v9 =	vadd.f32 v9, v1  }
0x1d8: {  	v1 =	vld [tilespmem:s31+$0xFFFFFFB0];
	v4 =	vadd.f32 v15, v4;
	[tilespmem:s25+$0xFFFFFF10] =	vst v3  }
0x1d9: {  	v3 =	vld [tilespmem:s31+$0xFFFFFFD0];
	[tilespmem:s25+$0x0] =	vst v9;
	v7 =	vadd.f32 v11, v7  }
0x1da: {  	v16 =	vld [tilespmem:s0+$0x20];
	[tilespmem:s25+$0xFFFFFFA0] =	vst v4;
	v4 =	vadd.f32 v13, v8  }
0x1db: {  	v9 =	vld [tilespmem:s28+$0xFFFFFFF0];
	[tilespmem:s25+$0xFFFFFFB0] =	vst v7;
	v22 =	vadd.f32 v2, v17  }
0x1dc: {  	s26 =	simm.s32 $0x99F0;
	v7 =	vld [tilespmem:s28+$0x0];
	[tilespmem:s25+$0xFFFFFFC0] =	vst v4  }
0x1dd: {  	s29 =	sadd.s32 $0x80, s14;
	v4 =	vld [tilespmem:s31+$0xFFFFFFE0];
	[tilespmem:s26+$0xFFFFFE80] =	vst v22  }
0x1de: {  	v5 =	vadd.f32 v5, v10;
	v11 =	vld [tilespmem:s29+$0x30]  }
0x1df: {  	v0 =	vadd.f32 v0, v12;
	v2 =	vld [tilespmem:s31+$0xFFFFFFC0]  }
0x1e0: {  	v10 =	vld [tilespmem:s28+$0x10];
	[tilespmem:s25+$0xFFFFFFD0] =	vst v5;
	v8 =	vadd.f32 v16, v14  }
0x1e1: {  	v12 =	vld [tilespmem:s28+$0x20];
	v13 =	vadd.f32 v21, v1;
	[tilespmem:s25+$0xFFFFFFE0] =	vst v0  }
0x1e2: {  	v5 =	vld [tilespmem:s31+$0xFFFFFFF0];
	[tilespmem:s25+$0xFFFFFFF0] =	vst v8;
	v8 =	vadd.f32 v20, v19  }
0x1e3: {  	v0 =	vld [tilespmem:s31+$0xFFFFFF90];
	[tilespmem:s26+$0xFFFFFE30] =	vst v13;
	v11 =	vadd.f32 v11, v17  }
0x1e4: {  	[tilespmem:s26+$0xFFFFFE20] =	vst v8;
	v8 =	vadd.f32 v9, v2  }
0x1e5: {  	s30 =	sadd.s32 $0x80, s30;
	v7 =	vadd.f32 v7, v3;
	[tilespmem:s26+$0xFFFFFF00] =	vst v11;
	v11 =	vld [tilespmem:s29+$0xFFFFFFD0]  }
0x1e6: {  	[tilespmem:s26+$0xFFFFFE40] =	vst v8;
	v8 =	vadd.f32 v10, v4;
	v9 =	vld [tilespmem:s30+$0x30]  }
0x1e7: {  	[tilespmem:s26+$0xFFFFFE50] =	vst v7;
	v12 =	vadd.f32 v12, v5;
	v10 =	vld [tilespmem:s29+$0xFFFFFFE0]  }
0x1e8: {  	v7 =	vld [tilespmem:s29+$0xFFFFFFF0];
	[tilespmem:s26+$0xFFFFFE60] =	vst v8;
	v8 =	vadd.f32 v18, v0  }
0x1e9: {  	v13 =	vld [tilespmem:s29+$0x0];
	[tilespmem:s26+$0xFFFFFE70] =	vst v12  }
0x1ea: {  	v14 =	vld [tilespmem:s29+$0x10];
	[tilespmem:s26+$0xFFFFFE10] =	vst v8;
	v8 =	vadd.f32 v11, v19  }
0x1eb: {  	v11 =	vld [tilespmem:s29+$0x20];
	v9 =	vadd.f32 v9, v17  }
0x1ec: {  	v12 =	vld [tilespmem:s29+$0xFFFFFFC0];
	v10 =	vadd.f32 v10, v1;
	[tilespmem:s26+$0xFFFFFEA0] =	vst v8  }
0x1ed: {  	s31 =	sadd.s32 $0x80, s0;
	v7 =	vadd.f32 v7, v2;
	[tilespmem:s26+$0xFFFFFF80] =	vst v9;
	v9 =	vld [tilespmem:s30+$0xFFFFFFD0]  }
0x1ee: {  	[tilespmem:s26+$0xFFFFFEB0] =	vst v10;
	v10 =	vadd.f32 v13, v3;
	v8 =	vld [tilespmem:s31+$0x30]  }
0x1ef: {  	v13 =	vld [tilespmem:s30+$0xFFFFFFE0];
	[tilespmem:s26+$0xFFFFFEC0] =	vst v7;
	v7 =	vadd.f32 v14, v4  }
0x1f0: {  	v14 =	vld [tilespmem:s30+$0xFFFFFFF0];
	[tilespmem:s26+$0xFFFFFED0] =	vst v10;
	v10 =	vadd.f32 v11, v5  }
0x1f1: {  	[tilespmem:s26+$0xFFFFFEE0] =	vst v7;
	v11 =	vadd.f32 v12, v0;
	v12 =	vld [tilespmem:s30+$0x0]  }
0x1f2: {  	v7 =	vld [tilespmem:s30+$0x10];
	[tilespmem:s26+$0xFFFFFEF0] =	vst v10;
	v9 =	vadd.f32 v9, v19  }
0x1f3: {  	[tilespmem:s26+$0xFFFFFE90] =	vst v11;
	v11 =	vld [tilespmem:s30+$0x20];
	v8 =	vadd.f32 v8, v17  }
0x1f4: {  	v10 =	vadd.f32 v13, v1;
	v15 =	vld [tilespmem:s30+$0xFFFFFFC0];
	[tilespmem:s26+$0xFFFFFF20] =	vst v9  }
0x1f5: {  	v13 =	vld [tilespmem:s0+$0xFFFFFFC0];
	[tilespmem:s26+$0x0] =	vst v8;
	v8 =	vadd.f32 v14, v2  }
0x1f6: {  	[tilespmem:s26+$0xFFFFFF30] =	vst v10;
	v9 =	vadd.f32 v12, v3;
	v14 =	vld [tilespmem:s31+$0xFFFFFFD0]  }
0x1f7: {  	v10 =	vld [tilespmem:s31+$0xFFFFFFE0];
	[tilespmem:s26+$0xFFFFFF40] =	vst v8;
	v8 =	vadd.f32 v7, v4  }
0x1f8: {  	[tilespmem:s26+$0xFFFFFF50] =	vst v9;
	v11 =	vadd.f32 v11, v5;
	v7 =	vld [tilespmem:s31+$0xFFFFFFF0]  }
0x1f9: {  	v15 =	vadd.f32 v15, v0;
	v9 =	vld [tilespmem:s31+$0x0];
	[tilespmem:s26+$0xFFFFFF60] =	vst v8  }
0x1fa: {  	v12 =	vadd.f32 v13, v6;
	[tilespmem:s26+$0xFFFFFF70] =	vst v11;
	v8 =	vld [tilespmem:s31+$0x10]  }
0x1fb: {  	s14 =	simm.s32 $0xEBF0;
	s1 =	smov.u32 s31;
	s0 =	simm.s32 $0x8;
	[tilespmem:s26+$0xFFFFFF10] =	vst v15;
	v6 =	vadd.f32 v14, v19;
	v11 =	vld [tilespmem:s31+$0x20]  }
.LBB2_9:
0x1fc: {  	v13 =	vld [tilespmem:s14+$0x0];
	v1 =	vadd.f32 v10, v1;
	s28 =	sadd.s32 $0x80, s28;
	[tilespmem:s25+$0xFFFFFF90] =	vst v12;
	s25 =	smov.u32 s26  }
0x1fd: {  	s0 =	sadd.s32 $0x8, s0;
	v10 =	vld [tilespmem:s28+$0x30];
	[tilespmem:s26+$0xFFFFFFA0] =	vst v6;
	v2 =	vadd.f32 v7, v2  }
0x1fe: {  	p1 =	slt.u32 s0, $0x38;
	v7 =	vld [tilespmem:s28+$0xFFFFFFC0];
	[tilespmem:s26+$0xFFFFFFB0] =	vst v1;
	v1 =	vadd.f32 v9, v3  }
0x1ff: {  	v6 =	vld [tilespmem:s14+$0xFFFFFFA0];
	[tilespmem:s26+$0xFFFFFFC0] =	vst v2;
	v2 =	vadd.f32 v8, v4  }
0x200: {  	v3 =	vld [tilespmem:s28+$0xFFFFFFD0];
	[tilespmem:s26+$0xFFFFFFD0] =	vst v1;
	v4 =	vadd.f32 v11, v5  }
0x201: {  	v1 =	vld [tilespmem:s14+$0xFFFFFFB0];
	[tilespmem:s26+$0xFFFFFFE0] =	vst v2  }
0x202: {  	v5 =	vld [tilespmem:s28+$0xFFFFFFE0];
	v8 =	vadd.f32 v10, v13;
	[tilespmem:s26+$0xFFFFFFF0] =	vst v4  }
0x203: {  	s26 =	sadd.s32 $0x200, s26;
	v2 =	vld [tilespmem:s14+$0xFFFFFFC0]  }
0x204: {  	s29 =	sadd.s32 $0x80, s29;
	v9 =	vld [tilespmem:s28+$0xFFFFFFF0];
	[tilespmem:s26+$0xFFFFFE80] =	vst v8  }
0x205: {  	v4 =	vadd.f32 v3, v6;
	v8 =	vld [tilespmem:s29+$0x30]  }
0x206: {  	v3 =	vld [tilespmem:s14+$0xFFFFFFD0]  }
0x207: {  	[tilespmem:s26+$0xFFFFFE20] =	vst v4;
	v5 =	vadd.f32 v5, v1;
	v10 =	vld [tilespmem:s28+$0x0]  }
0x208: {  	v4 =	vld [tilespmem:s14+$0xFFFFFFE0]  }
0x209: {  	[tilespmem:s26+$0xFFFFFE30] =	vst v5;
	v9 =	vadd.f32 v9, v2;
	v11 =	vld [tilespmem:s28+$0x10]  }
0x20a: {  	v5 =	vld [tilespmem:s14+$0xFFFFFFF0];
	v8 =	vadd.f32 v8, v13  }
0x20b: {  	[tilespmem:s26+$0xFFFFFE40] =	vst v9;
	v9 =	vld [tilespmem:s28+$0x20]  }
0x20c: {  	s30 =	sadd.s32 $0x80, s30;
	v14 =	vld [tilespmem:s14+$0xFFFFFF90];
	v10 =	vadd.f32 v10, v3;
	[tilespmem:s26+$0xFFFFFF00] =	vst v8  }
0x20d: {  	v8 =	vld [tilespmem:s30+$0x30]  }
0x20e: {  	v12 =	vld [tilespmem:s29+$0xFFFFFFD0];
	[tilespmem:s26+$0xFFFFFE50] =	vst v10;
	v10 =	vadd.f32 v11, v4  }
0x20f: {  	v11 =	vld [tilespmem:s29+$0xFFFFFFE0]  }
0x210: {  	v15 =	vld [tilespmem:s29+$0xFFFFFFF0];
	[tilespmem:s26+$0xFFFFFE60] =	vst v10;
	v9 =	vadd.f32 v9, v5  }
0x211: {  	v7 =	vadd.f32 v7, v14;
	v10 =	vld [tilespmem:s29+$0x0]  }
0x212: {  	v16 =	vld [tilespmem:s29+$0x10];
	[tilespmem:s26+$0xFFFFFE70] =	vst v9;
	v8 =	vadd.f32 v8, v13  }
0x213: {  	[tilespmem:s26+$0xFFFFFE10] =	vst v7;
	v7 =	vadd.f32 v12, v6;
	v9 =	vld [tilespmem:s29+$0x20]  }
0x214: {  	s31 =	sadd.s32 $0x80, s31;
	v12 =	vld [tilespmem:s29+$0xFFFFFFC0];
	v11 =	vadd.f32 v11, v1;
	[tilespmem:s26+$0xFFFFFF80] =	vst v8  }
0x215: {  	[tilespmem:s26+$0xFFFFFEA0] =	vst v7;
	v7 =	vadd.f32 v15, v2;
	v8 =	vld [tilespmem:s31+$0x30]  }
0x216: {  	v15 =	vld [tilespmem:s30+$0xFFFFFFD0];
	[tilespmem:s26+$0xFFFFFEB0] =	vst v11;
	v10 =	vadd.f32 v10, v3  }
0x217: {  	v11 =	vld [tilespmem:s30+$0xFFFFFFE0];
	[tilespmem:s26+$0xFFFFFEC0] =	vst v7;
	v7 =	vadd.f32 v16, v4  }
0x218: {  	v16 =	vld [tilespmem:s30+$0xFFFFFFF0];
	[tilespmem:s26+$0xFFFFFED0] =	vst v10;
	v9 =	vadd.f32 v9, v5  }
0x219: {  	v10 =	vadd.f32 v12, v14;
	v12 =	vld [tilespmem:s30+$0x0];
	[tilespmem:s26+$0xFFFFFEE0] =	vst v7  }
0x21a: {  	v7 =	vld [tilespmem:s30+$0x10];
	[tilespmem:s26+$0xFFFFFEF0] =	vst v9;
	v8 =	vadd.f32 v8, v13  }
0x21b: {  	[tilespmem:s26+$0xFFFFFE90] =	vst v10;
	v9 =	vadd.f32 v15, v6;
	v13 =	vld [tilespmem:s30+$0x20]  }
0x21c: {  	v15 =	vld [tilespmem:s30+$0xFFFFFFC0];
	v10 =	vadd.f32 v11, v1;
	[tilespmem:s26+$0x0] =	vst v8  }
0x21d: {  	[tilespmem:s26+$0xFFFFFF20] =	vst v9;
	v8 =	vadd.f32 v16, v2;
	v11 =	vld [tilespmem:s1+$0xFFFFFFC0];
	s1 =	smov.u32 s31  }
0x21e: {  	v16 =	vld [tilespmem:s31+$0xFFFFFFD0];
	[tilespmem:s26+$0xFFFFFF30] =	vst v10;
	v9 =	vadd.f32 v12, v3  }
.Ltmp5:
0x21f: {  	v10 =	vld [tilespmem:s31+$0xFFFFFFE0];
	[tilespmem:s26+$0xFFFFFF40] =	vst v8;
	v8 =	vadd.f32 v7, v4;
	(pc) =	sbr.rel @p1 .LBB2_9-.Ltmp5, $4  }
0x220: {  	v7 =	vld [tilespmem:s31+$0xFFFFFFF0];
	[tilespmem:s26+$0xFFFFFF50] =	vst v9;
	v12 =	vadd.f32 v13, v5  }
0x221: {  	v13 =	vadd.f32 v15, v14;
	v9 =	vld [tilespmem:s31+$0x0];
	[tilespmem:s26+$0xFFFFFF60] =	vst v8  }
0x222: {  	v8 =	vld [tilespmem:s31+$0x10];
	[tilespmem:s26+$0xFFFFFF70] =	vst v12;
	v12 =	vadd.f32 v11, v0;
	v0 =	vmov v14  }
0x223: {  	s14 =	sadd.s32 $0x200, s14;
	[tilespmem:s26+$0xFFFFFF10] =	vst v13;
	v6 =	vadd.f32 v16, v6;
	v11 =	vld [tilespmem:s31+$0x20]  }
0x224: {  	v1 =	vadd.f32 v10, v1;
	[tilespmem:s25+$0xFFFFFF90] =	vst v12;
	v10 =	vld [tilespmem:s1+$0xFFFFFFC0]  }
0x225: {  	[tilespmem:s26+$0xFFFFFFA0] =	vst v6;
	v2 =	vadd.f32 v7, v2  }
0x226: {  	[tilespmem:s26+$0xFFFFFFB0] =	vst v1;
	v1 =	vadd.f32 v9, v3  }
0x227: {  	[tilespmem:s26+$0xFFFFFFC0] =	vst v2;
	v2 =	vadd.f32 v8, v4  }
0x228: {  	[tilespmem:s26+$0xFFFFFFD0] =	vst v1;
	v1 =	vadd.f32 v11, v5  }
0x229: {  	[tilespmem:s26+$0xFFFFFFE0] =	vst v2;
	v0 =	vadd.f32 v10, v0  }
0x22a: {  	s0 =	sshll.u32 s23, $0xC;
	[tilespmem:s26+$0xFFFFFFF0] =	vst v1  }
0x22b: {  	p1 =	seq.s32 s23, $0xF;
	s0 =	sadd.s32 s0, s7;
	[tilespmem:s26+$0xFFFFFF90] =	vst v0  }
0x22c: {  	[hbm4b:s0+s2] =	stream.linear.scatter [tilespmem:s17], [sflag:$0x3], $0x4000, $0x38;
	[tilespmem:$0x10600] =	vst v63  }
0x22d: {  	s1 =	simm.s32 @!p1 $0x200;
	s0 =	sshll.u32 @!p1 s23, $0xA  }
0x22e: {  	s14 =	simm.s32 @!p1 $0x400;
	s25 =	simm.s32 @!p1 $0xE600;
	s0 =	sadd.s32 @!p1 s0, s8  }
0x22f: {  	[tilespmem:s25], [sflag:$0x1] =	stream.strided.gather @!p1 [hbm4b:s0+s1], $0x1000, s14, s1, $0x38;
	[tilespmem:$0x10600] =	vst v63  }
0x230: {  	_ =	swait.ge [sflag:s18], $0x1000  }
0x231: {  	[sflag:s18] =	ssyncset.done $0x0  }
0x232: {  	s0 =	simm.s32 @!p0 $0x4;
	[sflag:s18] =	ssyncadd.s32 $0xFFFFF000  }
0x233: {  	s24 =	sor.u32 $0x1, s24;
	_ =	swait.ge @!p0 [sflag:s0], $0x4000  }
0x234: {  	s25 =	sshll.u32 s24, $0x4;
	[sflag:s0] =	ssyncset.done @!p0 $0x0  }
0x235: {  	s26 =	sand.u32 $0x3FFFFFF0, s25;
	[sflag:s0] =	ssyncadd.s32 @!p0 $0xFFFFC000  }
0x236: {  	v0 =	vld [tilespmem:s26+$0x0];
	_ =	sdelay $0x4  }
0x237: {  	v0 =	vshll.u32 v0, $0xC  }
0x238: {  	v0 =	vshra.s32 v0, $0x2  }
0x239: {  	(v2sf) =	vpush v0, $0x0;
	_ =	sdelay $0x6  }
0x23a: {  	s31 =	simm.s32 $0xF840  }
0x23b: {  	v19 =	vld [tilespmem:s31+$0x30]  }
0x23c: {  	s26 =	simm.s32 $0xF640;
	v21 =	vld [tilespmem:s31+$0xFFFFFFD0]  }
0x23d: {  	v1 =	vld [tilespmem:s26+$0x30]  }
0x23e: {  	v4 =	vld [tilespmem:s26+$0xFFFFFFD0];
	(v2sf) =	vpush v0, $0x1  }
0x23f: {  	v6 =	vld [tilespmem:s26+$0xFFFFFFE0]  }
0x240: {  	v8 =	vld [tilespmem:s26+$0xFFFFFFF0]  }
0x241: {  	v10 =	vld [tilespmem:s26+$0x0]  }
0x242: {  	v12 =	vld [tilespmem:s26+$0x10];
	s1 =	spop (v2sf)  }
0x243: {  	v14 =	vld [tilespmem:s26+$0x20];
	s1 =	sor.u32 $0x240, s1  }
0x244: {  	v2 =	vld [tilespmem:s1+$0x30]  }
0x245: {  	v3 =	vld [tilespmem:s1+$0xFFFFFFC0]  }
0x246: {  	(v2sf) =	vpush v0, $0x2;
	v5 =	vld [tilespmem:s1+$0xFFFFFFD0]  }
0x247: {  	v7 =	vld [tilespmem:s1+$0xFFFFFFE0]  }
0x248: {  	v9 =	vld [tilespmem:s1+$0xFFFFFFF0]  }
0x249: {  	v11 =	vld [tilespmem:s1+$0x0]  }
0x24a: {  	v13 =	vld [tilespmem:s1+$0x10];
	s28 =	sadd.s32 $0x80, s1  }
0x24b: {  	v20 =	vld [tilespmem:s28+$0xFFFFFFC0]  }
0x24c: {  	v22 =	vld [tilespmem:s28+$0xFFFFFFD0];
	v2 =	vadd.f32 v2, v1  }
0x24d: {  	s25 =	simm.s32 $0xA700;
	s14 =	spop (v2sf);
	v62 =	vld [tilespmem:s28+$0xFFFFFFF0]  }
0x24e: {  	(v2sf) =	vpush v0, $0x3;
	s14 =	sor.u32 $0x240, s14;
	[tilespmem:s25+$0xFFFFFF70] =	vst v2;
	v2 =	vadd.f32 v5, v4;
	v5 =	vld [tilespmem:s1+$0x20]  }
0x24f: {  	v16 =	vadd.f32 v7, v6;
	v15 =	vld [tilespmem:s14+$0x30]  }
0x250: {  	v7 =	vld [tilespmem:s26+$0xFFFFFFC0];
	[tilespmem:s25+$0xFFFFFF10] =	vst v2;
	v2 =	vadd.f32 v9, v8  }
0x251: {  	[tilespmem:s25+$0xFFFFFF20] =	vst v16;
	v9 =	vadd.f32 v11, v10;
	v11 =	vld [tilespmem:s14+$0xFFFFFFD0]  }
0x252: {  	[tilespmem:s25+$0xFFFFFF30] =	vst v2;
	v2 =	vadd.f32 v13, v12;
	v13 =	vld [tilespmem:s14+$0xFFFFFFE0]  }
0x253: {  	[tilespmem:s25+$0xFFFFFF40] =	vst v9;
	v9 =	vld [tilespmem:s14+$0xFFFFFFF0];
	v5 =	vadd.f32 v5, v14  }
0x254: {  	v15 =	vadd.f32 v15, v1;
	[tilespmem:s25+$0xFFFFFF50] =	vst v2;
	v2 =	vld [tilespmem:s14+$0x0]  }
0x255: {  	v3 =	vadd.f32 v3, v7;
	s26 =	spop (v2sf);
	v59 =	vld [tilespmem:s14+$0x10];
	[tilespmem:s25+$0xFFFFFF60] =	vst v5  }
0x256: {  	s30 =	sor.u32 $0x240, s26;
	[tilespmem:s25+$0xFFFFFFF0] =	vst v15;
	v5 =	vadd.f32 v11, v4;
	v11 =	vld [tilespmem:s14+$0x20]  }
0x257: {  	[tilespmem:s25+$0xFFFFFF00] =	vst v3;
	v15 =	vld [tilespmem:s30+$0x30];
	v3 =	vadd.f32 v13, v6  }
0x258: {  	v13 =	vld [tilespmem:s14+$0xFFFFFFC0];
	[tilespmem:s25+$0xFFFFFF90] =	vst v5;
	v5 =	vadd.f32 v9, v8  }
0x259: {  	v9 =	vld [tilespmem:s30+$0xFFFFFFD0];
	[tilespmem:s25+$0xFFFFFFA0] =	vst v3;
	v2 =	vadd.f32 v2, v10  }
0x25a: {  	v3 =	vld [tilespmem:s30+$0xFFFFFFE0];
	[tilespmem:s25+$0xFFFFFFB0] =	vst v5;
	v5 =	vadd.f32 v59, v12  }
0x25b: {  	v60 =	vld [tilespmem:s30+$0xFFFFFFF0];
	[tilespmem:s25+$0xFFFFFFC0] =	vst v2;
	v2 =	vadd.f32 v11, v14  }
0x25c: {  	v11 =	vadd.f32 v15, v1;
	v15 =	vld [tilespmem:s30+$0x0];
	[tilespmem:s25+$0xFFFFFFD0] =	vst v5  }
0x25d: {  	s26 =	spop (v2sf);
	v5 =	vadd.f32 v13, v7;
	v13 =	vld [tilespmem:s30+$0x10];
	[tilespmem:s25+$0xFFFFFFE0] =	vst v2  }
0x25e: {  	s0 =	sor.u32 $0x240, s26;
	[tilespmem:s25+$0x70] =	vst v11;
	v2 =	vadd.f32 v9, v4;
	v9 =	vld [tilespmem:s30+$0x20]  }
0x25f: {  	[tilespmem:s25+$0xFFFFFF80] =	vst v5;
	v11 =	vld [tilespmem:s0+$0x30];
	v3 =	vadd.f32 v3, v6  }
0x260: {  	v5 =	vld [tilespmem:s30+$0xFFFFFFC0];
	[tilespmem:s25+$0x10] =	vst v2;
	v2 =	vadd.f32 v60, v8  }
0x261: {  	v61 =	vld [tilespmem:s0+$0xFFFFFFD0];
	[tilespmem:s25+$0x20] =	vst v3;
	v3 =	vadd.f32 v15, v10  }
0x262: {  	v15 =	vld [tilespmem:s0+$0xFFFFFFE0];
	[tilespmem:s25+$0x30] =	vst v2  }
0x263: {  	v2 =	vadd.f32 v13, v12;
	v13 =	vld [tilespmem:s0+$0xFFFFFFF0];
	[tilespmem:s25+$0x40] =	vst v3;
	v3 =	vadd.f32 v9, v14  }
0x264: {  	v9 =	vld [tilespmem:s0+$0x0]  }
0x265: {  	[tilespmem:s25+$0x60] =	vst v3;
	v3 =	vld [tilespmem:s28+$0x30]  }
0x266: {  	[tilespmem:s25+$0x50] =	vst v2;
	v2 =	vld [tilespmem:s31+$0xFFFFFFE0]  }
0x267: {  	v1 =	vadd.f32 v11, v1;
	v11 =	vld [tilespmem:s28+$0xFFFFFFE0]  }
0x268: {  	v17 =	vld [tilespmem:s0+$0x10];
	v4 =	vadd.f32 v61, v4  }
0x269: {  	v18 =	vld [tilespmem:s0+$0x20];
	[tilespmem:s25+$0xF0] =	vst v1;
	v1 =	vadd.f32 v5, v7  }
0x26a: {  	[tilespmem:s25+$0x90] =	vst v4;
	v4 =	vld [tilespmem:s31+$0x0];
	v23 =	vadd.f32 v3, v19  }
0x26b: {  	s26 =	simm.s32 $0xA900;
	[tilespmem:s25+$0x0] =	vst v1;
	v1 =	vadd.f32 v15, v6;
	v5 =	vadd.f32 v13, v8;
	v8 =	vld [tilespmem:s28+$0x0]  }
0x26c: {  	s29 =	sadd.s32 $0x80, s14;
	v13 =	vld [tilespmem:s28+$0x20];
	[tilespmem:s26+$0xFFFFFF70] =	vst v23  }
0x26d: {  	v11 =	vadd.f32 v11, v2;
	[tilespmem:s25+$0xA0] =	vst v1;
	v15 =	vld [tilespmem:s29+$0x30]  }
0x26e: {  	v3 =	vld [tilespmem:s31+$0xFFFFFFF0];
	v1 =	vadd.f32 v9, v10;
	[tilespmem:s25+$0xB0] =	vst v5  }
0x26f: {  	v6 =	vadd.f32 v17, v12;
	v5 =	vld [tilespmem:s31+$0x10];
	[tilespmem:s26+$0xFFFFFF20] =	vst v11  }
0x270: {  	v9 =	vld [tilespmem:s28+$0x10];
	[tilespmem:s25+$0xC0] =	vst v1;
	v1 =	vadd.f32 v18, v14  }
0x271: {  	v12 =	vadd.f32 v22, v21;
	[tilespmem:s25+$0xD0] =	vst v6;
	v6 =	vld [tilespmem:s31+$0x20]  }
0x272: {  	[tilespmem:s25+$0xE0] =	vst v1;
	v1 =	vld [tilespmem:s31+$0xFFFFFFC0];
	v10 =	vadd.f32 v15, v19  }
0x273: {  	[tilespmem:s26+$0xFFFFFF10] =	vst v12;
	v8 =	vadd.f32 v8, v4  }
0x274: {  	s30 =	sadd.s32 $0x80, s30;
	v11 =	vld [tilespmem:s29+$0xFFFFFFD0];
	[tilespmem:s26+$0xFFFFFFF0] =	vst v10;
	v10 =	vadd.f32 v62, v3  }
0x275: {  	v9 =	vadd.f32 v9, v5;
	[tilespmem:s26+$0xFFFFFF40] =	vst v8;
	v12 =	vld [tilespmem:s30+$0x30]  }
0x276: {  	v13 =	vadd.f32 v13, v6;
	[tilespmem:s26+$0xFFFFFF30] =	vst v10;
	v10 =	vld [tilespmem:s29+$0xFFFFFFE0]  }
0x277: {  	[tilespmem:s26+$0xFFFFFF50] =	vst v9;
	v9 =	vadd.f32 v20, v1;
	v8 =	vld [tilespmem:s29+$0xFFFFFFF0]  }
0x278: {  	v14 =	vld [tilespmem:s29+$0x0];
	[tilespmem:s26+$0xFFFFFF60] =	vst v13  }
0x279: {  	v15 =	vld [tilespmem:s29+$0x10];
	[tilespmem:s26+$0xFFFFFF00] =	vst v9;
	v9 =	vadd.f32 v11, v21  }
0x27a: {  	v11 =	vld [tilespmem:s29+$0x20];
	v12 =	vadd.f32 v12, v19  }
0x27b: {  	v13 =	vld [tilespmem:s29+$0xFFFFFFC0];
	[tilespmem:s26+$0xFFFFFF90] =	vst v9;
	v10 =	vadd.f32 v10, v2  }
0x27c: {  	s31 =	sadd.s32 $0x80, s0;
	[tilespmem:s26+$0x70] =	vst v12;
	v8 =	vadd.f32 v8, v3;
	v12 =	vld [tilespmem:s30+$0xFFFFFFD0]  }
0x27d: {  	v9 =	vld [tilespmem:s31+$0x30];
	[tilespmem:s26+$0xFFFFFFA0] =	vst v10;
	v10 =	vadd.f32 v14, v4  }
0x27e: {  	v14 =	vld [tilespmem:s30+$0xFFFFFFE0];
	[tilespmem:s26+$0xFFFFFFB0] =	vst v8;
	v8 =	vadd.f32 v15, v5  }
0x27f: {  	v15 =	vld [tilespmem:s30+$0xFFFFFFF0];
	[tilespmem:s26+$0xFFFFFFC0] =	vst v10;
	v10 =	vadd.f32 v11, v6  }
0x280: {  	v11 =	vadd.f32 v13, v1;
	v13 =	vld [tilespmem:s30+$0x0];
	[tilespmem:s26+$0xFFFFFFD0] =	vst v8  }
0x281: {  	v8 =	vld [tilespmem:s30+$0x10];
	[tilespmem:s26+$0xFFFFFFE0] =	vst v10;
	v10 =	vadd.f32 v12, v21  }
0x282: {  	[tilespmem:s26+$0xFFFFFF80] =	vst v11;
	v9 =	vadd.f32 v9, v19;
	v12 =	vld [tilespmem:s30+$0x20]  }
0x283: {  	v63 =	vld [tilespmem:s30+$0xFFFFFFC0];
	v11 =	vadd.f32 v14, v2;
	[tilespmem:s26+$0x10] =	vst v10  }
0x284: {  	v14 =	vld [tilespmem:s0+$0xFFFFFFC0];
	[tilespmem:s26+$0xF0] =	vst v9;
	v9 =	vadd.f32 v15, v3  }
0x285: {  	v15 =	vld [tilespmem:s31+$0xFFFFFFD0];
	[tilespmem:s26+$0x20] =	vst v11;
	v10 =	vadd.f32 v13, v4  }
0x286: {  	v11 =	vld [tilespmem:s31+$0xFFFFFFE0];
	[tilespmem:s26+$0x30] =	vst v9;
	v9 =	vadd.f32 v8, v5  }
0x287: {  	v8 =	vld [tilespmem:s31+$0xFFFFFFF0];
	[tilespmem:s26+$0x40] =	vst v10;
	v12 =	vadd.f32 v12, v6  }
0x288: {  	v16 =	vadd.f32 v63, v1;
	v10 =	vld [tilespmem:s31+$0x0];
	[tilespmem:s26+$0x50] =	vst v9  }
0x289: {  	v13 =	vadd.f32 v14, v7;
	v9 =	vld [tilespmem:s31+$0x10];
	[tilespmem:s26+$0x60] =	vst v12  }
0x28a: {  	s14 =	simm.s32 $0xFA40;
	s1 =	smov.u32 s31;
	s0 =	simm.s32 $0x8;
	[tilespmem:s26+$0x0] =	vst v16;
	v7 =	vadd.f32 v15, v21;
	v12 =	vld [tilespmem:s31+$0x20]  }
.LBB2_11:
0x28b: {  	v14 =	vld [tilespmem:s14+$0x30];
	v2 =	vadd.f32 v11, v2;
	s28 =	sadd.s32 $0x80, s28;
	[tilespmem:s25+$0x80] =	vst v13;
	s25 =	smov.u32 s26  }
0x28c: {  	s0 =	sadd.s32 $0x8, s0;
	v11 =	vld [tilespmem:s28+$0x30];
	[tilespmem:s26+$0x90] =	vst v7;
	v3 =	vadd.f32 v8, v3  }
0x28d: {  	p0 =	slt.u32 s0, $0x38;
	v8 =	vld [tilespmem:s28+$0xFFFFFFC0];
	[tilespmem:s26+$0xA0] =	vst v2;
	v2 =	vadd.f32 v10, v4  }
0x28e: {  	v7 =	vld [tilespmem:s14+$0xFFFFFFD0];
	[tilespmem:s26+$0xB0] =	vst v3;
	v3 =	vadd.f32 v9, v5  }
0x28f: {  	v4 =	vld [tilespmem:s28+$0xFFFFFFD0];
	[tilespmem:s26+$0xC0] =	vst v2;
	v5 =	vadd.f32 v12, v6  }
0x290: {  	v2 =	vld [tilespmem:s14+$0xFFFFFFE0];
	[tilespmem:s26+$0xD0] =	vst v3  }
0x291: {  	v6 =	vld [tilespmem:s28+$0xFFFFFFE0];
	v9 =	vadd.f32 v11, v14;
	[tilespmem:s26+$0xE0] =	vst v5  }
0x292: {  	s26 =	sadd.s32 $0x200, s26;
	v3 =	vld [tilespmem:s14+$0xFFFFFFF0]  }
0x293: {  	s29 =	sadd.s32 $0x80, s29;
	v10 =	vld [tilespmem:s28+$0xFFFFFFF0];
	[tilespmem:s26+$0xFFFFFF70] =	vst v9  }
0x294: {  	v5 =	vadd.f32 v4, v7;
	v9 =	vld [tilespmem:s29+$0x30]  }
0x295: {  	v4 =	vld [tilespmem:s14+$0x0]  }
0x296: {  	[tilespmem:s26+$0xFFFFFF10] =	vst v5;
	v6 =	vadd.f32 v6, v2;
	v11 =	vld [tilespmem:s28+$0x0]  }
0x297: {  	v5 =	vld [tilespmem:s14+$0x10]  }
0x298: {  	[tilespmem:s26+$0xFFFFFF20] =	vst v6;
	v10 =	vadd.f32 v10, v3;
	v12 =	vld [tilespmem:s28+$0x10]  }
0x299: {  	v6 =	vld [tilespmem:s14+$0x20];
	v9 =	vadd.f32 v9, v14  }
0x29a: {  	[tilespmem:s26+$0xFFFFFF30] =	vst v10;
	v10 =	vld [tilespmem:s28+$0x20]  }
0x29b: {  	s30 =	sadd.s32 $0x80, s30;
	v15 =	vld [tilespmem:s14+$0xFFFFFFC0];
	v11 =	vadd.f32 v11, v4;
	[tilespmem:s26+$0xFFFFFFF0] =	vst v9  }
0x29c: {  	v9 =	vld [tilespmem:s30+$0x30]  }
0x29d: {  	v13 =	vld [tilespmem:s29+$0xFFFFFFD0];
	[tilespmem:s26+$0xFFFFFF40] =	vst v11;
	v11 =	vadd.f32 v12, v5  }
0x29e: {  	v12 =	vld [tilespmem:s29+$0xFFFFFFE0]  }
0x29f: {  	v16 =	vld [tilespmem:s29+$0xFFFFFFF0];
	[tilespmem:s26+$0xFFFFFF50] =	vst v11;
	v10 =	vadd.f32 v10, v6  }
0x2a0: {  	v8 =	vadd.f32 v8, v15;
	v11 =	vld [tilespmem:s29+$0x0]  }
0x2a1: {  	v17 =	vld [tilespmem:s29+$0x10];
	[tilespmem:s26+$0xFFFFFF60] =	vst v10;
	v9 =	vadd.f32 v9, v14  }
0x2a2: {  	[tilespmem:s26+$0xFFFFFF00] =	vst v8;
	v8 =	vadd.f32 v13, v7;
	v10 =	vld [tilespmem:s29+$0x20]  }
0x2a3: {  	s31 =	sadd.s32 $0x80, s31;
	v13 =	vld [tilespmem:s29+$0xFFFFFFC0];
	v12 =	vadd.f32 v12, v2;
	[tilespmem:s26+$0x70] =	vst v9  }
0x2a4: {  	[tilespmem:s26+$0xFFFFFF90] =	vst v8;
	v8 =	vadd.f32 v16, v3;
	v9 =	vld [tilespmem:s31+$0x30]  }
0x2a5: {  	v16 =	vld [tilespmem:s30+$0xFFFFFFD0];
	[tilespmem:s26+$0xFFFFFFA0] =	vst v12;
	v11 =	vadd.f32 v11, v4  }
0x2a6: {  	v12 =	vld [tilespmem:s30+$0xFFFFFFE0];
	[tilespmem:s26+$0xFFFFFFB0] =	vst v8;
	v8 =	vadd.f32 v17, v5  }
0x2a7: {  	v17 =	vld [tilespmem:s30+$0xFFFFFFF0];
	[tilespmem:s26+$0xFFFFFFC0] =	vst v11;
	v10 =	vadd.f32 v10, v6  }
0x2a8: {  	v11 =	vadd.f32 v13, v15;
	v13 =	vld [tilespmem:s30+$0x0];
	[tilespmem:s26+$0xFFFFFFD0] =	vst v8  }
0x2a9: {  	v8 =	vld [tilespmem:s30+$0x10];
	[tilespmem:s26+$0xFFFFFFE0] =	vst v10;
	v9 =	vadd.f32 v9, v14  }
0x2aa: {  	[tilespmem:s26+$0xFFFFFF80] =	vst v11;
	v10 =	vadd.f32 v16, v7;
	v14 =	vld [tilespmem:s30+$0x20]  }
0x2ab: {  	v16 =	vld [tilespmem:s30+$0xFFFFFFC0];
	v11 =	vadd.f32 v12, v2;
	[tilespmem:s26+$0xF0] =	vst v9  }
0x2ac: {  	[tilespmem:s26+$0x10] =	vst v10;
	v9 =	vadd.f32 v17, v3;
	v12 =	vld [tilespmem:s1+$0xFFFFFFC0];
	s1 =	smov.u32 s31  }
0x2ad: {  	v17 =	vld [tilespmem:s31+$0xFFFFFFD0];
	[tilespmem:s26+$0x20] =	vst v11;
	v10 =	vadd.f32 v13, v4  }
.Ltmp6:
0x2ae: {  	v11 =	vld [tilespmem:s31+$0xFFFFFFE0];
	[tilespmem:s26+$0x30] =	vst v9;
	v9 =	vadd.f32 v8, v5;
	(pc) =	sbr.rel @p0 .LBB2_11-.Ltmp6, $4  }
0x2af: {  	v8 =	vld [tilespmem:s31+$0xFFFFFFF0];
	[tilespmem:s26+$0x40] =	vst v10;
	v13 =	vadd.f32 v14, v6  }
0x2b0: {  	v14 =	vadd.f32 v16, v15;
	v10 =	vld [tilespmem:s31+$0x0];
	[tilespmem:s26+$0x50] =	vst v9  }
0x2b1: {  	v9 =	vld [tilespmem:s31+$0x10];
	[tilespmem:s26+$0x60] =	vst v13;
	v13 =	vadd.f32 v12, v1;
	v1 =	vmov v15  }
0x2b2: {  	s14 =	sadd.s32 $0x200, s14;
	[tilespmem:s26+$0x0] =	vst v14;
	v7 =	vadd.f32 v17, v7;
	v12 =	vld [tilespmem:s31+$0x20]  }
0x2b3: {  	(v2sf) =	vpush v0, $0x4;
	v2 =	vadd.f32 v11, v2;
	[tilespmem:s25+$0x80] =	vst v13;
	v11 =	vld [tilespmem:s1+$0xFFFFFFC0]  }
0x2b4: {  	[tilespmem:s26+$0x90] =	vst v7;
	v3 =	vadd.f32 v8, v3  }
0x2b5: {  	[tilespmem:s26+$0xA0] =	vst v2;
	v2 =	vadd.f32 v10, v4  }
0x2b6: {  	[tilespmem:s26+$0xB0] =	vst v3;
	v3 =	vadd.f32 v9, v5  }
0x2b7: {  	[tilespmem:s26+$0xC0] =	vst v2;
	v2 =	vadd.f32 v12, v6  }
0x2b8: {  	[tilespmem:s26+$0xD0] =	vst v3;
	v1 =	vadd.f32 v11, v1  }
0x2b9: {  	[tilespmem:s26+$0xE0] =	vst v2  }
0x2ba: {  	[tilespmem:s26+$0x80] =	vst v1;
	s26 =	simm.s32 $0xF6F0  }
0x2bb: {  	v1 =	vld [tilespmem:s26+$0x0]  }
0x2bc: {  	v4 =	vld [tilespmem:s26+$0xFFFFFFA0]  }
0x2bd: {  	v6 =	vld [tilespmem:s26+$0xFFFFFFB0]  }
0x2be: {  	(v2sf) =	vpush v0, $0x5;
	v8 =	vld [tilespmem:s26+$0xFFFFFFC0]  }
0x2bf: {  	v10 =	vld [tilespmem:s26+$0xFFFFFFD0]  }
0x2c0: {  	v12 =	vld [tilespmem:s26+$0xFFFFFFE0]  }
0x2c1: {  	s31 =	simm.s32 $0xF8F0;
	v14 =	vld [tilespmem:s26+$0xFFFFFFF0]  }
0x2c2: {  	v19 =	vld [tilespmem:s31+$0x0];
	s0 =	spop (v2sf)  }
0x2c3: {  	v21 =	vld [tilespmem:s31+$0xFFFFFFA0];
	s1 =	sor.u32 $0x240, s0  }
0x2c4: {  	v2 =	vld [tilespmem:s1+$0x30]  }
0x2c5: {  	v3 =	vld [tilespmem:s1+$0xFFFFFFC0]  }
0x2c6: {  	(v2sf) =	vpush v0, $0x6;
	v5 =	vld [tilespmem:s1+$0xFFFFFFD0]  }
0x2c7: {  	v7 =	vld [tilespmem:s1+$0xFFFFFFE0]  }
0x2c8: {  	v9 =	vld [tilespmem:s1+$0xFFFFFFF0]  }
0x2c9: {  	v11 =	vld [tilespmem:s1+$0x0]  }
0x2ca: {  	v13 =	vld [tilespmem:s1+$0x10];
	s28 =	sadd.s32 $0x80, s1  }
0x2cb: {  	v20 =	vld [tilespmem:s28+$0xFFFFFFC0]  }
0x2cc: {  	v22 =	vld [tilespmem:s28+$0xFFFFFFD0];
	v2 =	vadd.f32 v2, v1  }
0x2cd: {  	s25 =	simm.s32 $0xB7F0;
	s14 =	spop (v2sf);
	v62 =	vld [tilespmem:s28+$0xFFFFFFF0]  }
0x2ce: {  	(v2sf) =	vpush v0, $0x7;
	s14 =	sor.u32 $0x240, s14;
	[tilespmem:s25+$0xFFFFFE80] =	vst v2;
	v2 =	vadd.f32 v5, v4;
	v5 =	vld [tilespmem:s1+$0x20]  }
0x2cf: {  	v16 =	vadd.f32 v7, v6;
	v15 =	vld [tilespmem:s14+$0x30]  }
0x2d0: {  	v7 =	vld [tilespmem:s26+$0xFFFFFF90];
	[tilespmem:s25+$0xFFFFFE20] =	vst v2;
	v2 =	vadd.f32 v9, v8  }
0x2d1: {  	[tilespmem:s25+$0xFFFFFE30] =	vst v16;
	v9 =	vadd.f32 v11, v10;
	v11 =	vld [tilespmem:s14+$0xFFFFFFD0]  }
0x2d2: {  	[tilespmem:s25+$0xFFFFFE40] =	vst v2;
	v2 =	vadd.f32 v13, v12;
	v13 =	vld [tilespmem:s14+$0xFFFFFFE0]  }
0x2d3: {  	[tilespmem:s25+$0xFFFFFE50] =	vst v9;
	v9 =	vld [tilespmem:s14+$0xFFFFFFF0];
	v5 =	vadd.f32 v5, v14  }
0x2d4: {  	v15 =	vadd.f32 v15, v1;
	[tilespmem:s25+$0xFFFFFE60] =	vst v2;
	v2 =	vld [tilespmem:s14+$0x0]  }
0x2d5: {  	v3 =	vadd.f32 v3, v7;
	s26 =	spop (v2sf);
	v59 =	vld [tilespmem:s14+$0x10];
	[tilespmem:s25+$0xFFFFFE70] =	vst v5  }
0x2d6: {  	s30 =	sor.u32 $0x240, s26;
	[tilespmem:s25+$0xFFFFFF00] =	vst v15;
	v5 =	vadd.f32 v11, v4;
	v11 =	vld [tilespmem:s14+$0x20]  }
0x2d7: {  	[tilespmem:s25+$0xFFFFFE10] =	vst v3;
	v15 =	vld [tilespmem:s30+$0x30];
	v3 =	vadd.f32 v13, v6  }
0x2d8: {  	v13 =	vld [tilespmem:s14+$0xFFFFFFC0];
	[tilespmem:s25+$0xFFFFFEA0] =	vst v5;
	v5 =	vadd.f32 v9, v8  }
0x2d9: {  	v9 =	vld [tilespmem:s30+$0xFFFFFFD0];
	[tilespmem:s25+$0xFFFFFEB0] =	vst v3;
	v2 =	vadd.f32 v2, v10  }
0x2da: {  	v3 =	vld [tilespmem:s30+$0xFFFFFFE0];
	[tilespmem:s25+$0xFFFFFEC0] =	vst v5;
	v5 =	vadd.f32 v59, v12  }
0x2db: {  	v60 =	vld [tilespmem:s30+$0xFFFFFFF0];
	[tilespmem:s25+$0xFFFFFED0] =	vst v2;
	v2 =	vadd.f32 v11, v14  }
0x2dc: {  	v11 =	vadd.f32 v15, v1;
	v15 =	vld [tilespmem:s30+$0x0];
	[tilespmem:s25+$0xFFFFFEE0] =	vst v5  }
0x2dd: {  	s26 =	spop (v2sf);
	v5 =	vadd.f32 v13, v7;
	v13 =	vld [tilespmem:s30+$0x10];
	[tilespmem:s25+$0xFFFFFEF0] =	vst v2  }
0x2de: {  	s0 =	sor.u32 $0x240, s26;
	[tilespmem:s25+$0xFFFFFF80] =	vst v11;
	v2 =	vadd.f32 v9, v4;
	v9 =	vld [tilespmem:s30+$0x20]  }
0x2df: {  	[tilespmem:s25+$0xFFFFFE90] =	vst v5;
	v11 =	vld [tilespmem:s0+$0x30];
	v3 =	vadd.f32 v3, v6  }
0x2e0: {  	v5 =	vld [tilespmem:s30+$0xFFFFFFC0];
	[tilespmem:s25+$0xFFFFFF20] =	vst v2;
	v2 =	vadd.f32 v60, v8  }
0x2e1: {  	v61 =	vld [tilespmem:s0+$0xFFFFFFD0];
	[tilespmem:s25+$0xFFFFFF30] =	vst v3;
	v3 =	vadd.f32 v15, v10  }
0x2e2: {  	v15 =	vld [tilespmem:s0+$0xFFFFFFE0];
	[tilespmem:s25+$0xFFFFFF40] =	vst v2  }
0x2e3: {  	v2 =	vadd.f32 v13, v12;
	v13 =	vld [tilespmem:s0+$0xFFFFFFF0];
	[tilespmem:s25+$0xFFFFFF50] =	vst v3;
	v3 =	vadd.f32 v9, v14  }
0x2e4: {  	v9 =	vld [tilespmem:s0+$0x0]  }
0x2e5: {  	[tilespmem:s25+$0xFFFFFF70] =	vst v3;
	v3 =	vld [tilespmem:s28+$0x30]  }
0x2e6: {  	[tilespmem:s25+$0xFFFFFF60] =	vst v2;
	v2 =	vld [tilespmem:s31+$0xFFFFFFB0]  }
0x2e7: {  	v1 =	vadd.f32 v11, v1;
	v11 =	vld [tilespmem:s28+$0xFFFFFFE0]  }
0x2e8: {  	v17 =	vld [tilespmem:s0+$0x10];
	v4 =	vadd.f32 v61, v4  }
0x2e9: {  	v18 =	vld [tilespmem:s0+$0x20];
	[tilespmem:s25+$0x0] =	vst v1;
	v1 =	vadd.f32 v5, v7  }
0x2ea: {  	[tilespmem:s25+$0xFFFFFFA0] =	vst v4;
	v4 =	vld [tilespmem:s31+$0xFFFFFFD0];
	v23 =	vadd.f32 v3, v19  }
0x2eb: {  	s26 =	simm.s32 $0xB9F0;
	[tilespmem:s25+$0xFFFFFF10] =	vst v1;
	v1 =	vadd.f32 v15, v6;
	v5 =	vadd.f32 v13, v8;
	v8 =	vld [tilespmem:s28+$0x0]  }
0x2ec: {  	s29 =	sadd.s32 $0x80, s14;
	v13 =	vld [tilespmem:s28+$0x20];
	[tilespmem:s26+$0xFFFFFE80] =	vst v23  }
0x2ed: {  	v11 =	vadd.f32 v11, v2;
	[tilespmem:s25+$0xFFFFFFB0] =	vst v1;
	v15 =	vld [tilespmem:s29+$0x30]  }
0x2ee: {  	v3 =	vld [tilespmem:s31+$0xFFFFFFC0];
	v1 =	vadd.f32 v9, v10;
	[tilespmem:s25+$0xFFFFFFC0] =	vst v5  }
0x2ef: {  	v6 =	vadd.f32 v17, v12;
	v5 =	vld [tilespmem:s31+$0xFFFFFFE0];
	[tilespmem:s26+$0xFFFFFE30] =	vst v11  }
0x2f0: {  	v9 =	vld [tilespmem:s28+$0x10];
	[tilespmem:s25+$0xFFFFFFD0] =	vst v1;
	v1 =	vadd.f32 v18, v14  }
0x2f1: {  	v12 =	vadd.f32 v22, v21;
	[tilespmem:s25+$0xFFFFFFE0] =	vst v6;
	v6 =	vld [tilespmem:s31+$0xFFFFFFF0]  }
0x2f2: {  	[tilespmem:s25+$0xFFFFFFF0] =	vst v1;
	v1 =	vld [tilespmem:s31+$0xFFFFFF90];
	v10 =	vadd.f32 v15, v19  }
0x2f3: {  	[tilespmem:s26+$0xFFFFFE20] =	vst v12;
	v8 =	vadd.f32 v8, v4  }
0x2f4: {  	s30 =	sadd.s32 $0x80, s30;
	v11 =	vld [tilespmem:s29+$0xFFFFFFD0];
	[tilespmem:s26+$0xFFFFFF00] =	vst v10;
	v10 =	vadd.f32 v62, v3  }
0x2f5: {  	v9 =	vadd.f32 v9, v5;
	[tilespmem:s26+$0xFFFFFE50] =	vst v8;
	v12 =	vld [tilespmem:s30+$0x30]  }
0x2f6: {  	v13 =	vadd.f32 v13, v6;
	[tilespmem:s26+$0xFFFFFE40] =	vst v10;
	v10 =	vld [tilespmem:s29+$0xFFFFFFE0]  }
0x2f7: {  	[tilespmem:s26+$0xFFFFFE60] =	vst v9;
	v9 =	vadd.f32 v20, v1;
	v8 =	vld [tilespmem:s29+$0xFFFFFFF0]  }
0x2f8: {  	v14 =	vld [tilespmem:s29+$0x0];
	[tilespmem:s26+$0xFFFFFE70] =	vst v13  }
0x2f9: {  	v15 =	vld [tilespmem:s29+$0x10];
	[tilespmem:s26+$0xFFFFFE10] =	vst v9;
	v9 =	vadd.f32 v11, v21  }
0x2fa: {  	v11 =	vld [tilespmem:s29+$0x20];
	v12 =	vadd.f32 v12, v19  }
0x2fb: {  	v13 =	vld [tilespmem:s29+$0xFFFFFFC0];
	[tilespmem:s26+$0xFFFFFEA0] =	vst v9;
	v10 =	vadd.f32 v10, v2  }
0x2fc: {  	s31 =	sadd.s32 $0x80, s0;
	[tilespmem:s26+$0xFFFFFF80] =	vst v12;
	v8 =	vadd.f32 v8, v3;
	v12 =	vld [tilespmem:s30+$0xFFFFFFD0]  }
0x2fd: {  	v9 =	vld [tilespmem:s31+$0x30];
	[tilespmem:s26+$0xFFFFFEB0] =	vst v10;
	v10 =	vadd.f32 v14, v4  }
0x2fe: {  	v14 =	vld [tilespmem:s30+$0xFFFFFFE0];
	[tilespmem:s26+$0xFFFFFEC0] =	vst v8;
	v8 =	vadd.f32 v15, v5  }
0x2ff: {  	v15 =	vld [tilespmem:s30+$0xFFFFFFF0];
	[tilespmem:s26+$0xFFFFFED0] =	vst v10;
	v10 =	vadd.f32 v11, v6  }
0x300: {  	v11 =	vadd.f32 v13, v1;
	v13 =	vld [tilespmem:s30+$0x0];
	[tilespmem:s26+$0xFFFFFEE0] =	vst v8  }
0x301: {  	v8 =	vld [tilespmem:s30+$0x10];
	[tilespmem:s26+$0xFFFFFEF0] =	vst v10;
	v10 =	vadd.f32 v12, v21  }
0x302: {  	[tilespmem:s26+$0xFFFFFE90] =	vst v11;
	v9 =	vadd.f32 v9, v19;
	v12 =	vld [tilespmem:s30+$0x20]  }
0x303: {  	v63 =	vld [tilespmem:s30+$0xFFFFFFC0];
	v11 =	vadd.f32 v14, v2;
	[tilespmem:s26+$0xFFFFFF20] =	vst v10  }
0x304: {  	v14 =	vld [tilespmem:s0+$0xFFFFFFC0];
	[tilespmem:s26+$0x0] =	vst v9;
	v9 =	vadd.f32 v15, v3  }
0x305: {  	v15 =	vld [tilespmem:s31+$0xFFFFFFD0];
	[tilespmem:s26+$0xFFFFFF30] =	vst v11;
	v10 =	vadd.f32 v13, v4  }
0x306: {  	v11 =	vld [tilespmem:s31+$0xFFFFFFE0];
	[tilespmem:s26+$0xFFFFFF40] =	vst v9;
	v9 =	vadd.f32 v8, v5  }
0x307: {  	v8 =	vld [tilespmem:s31+$0xFFFFFFF0];
	[tilespmem:s26+$0xFFFFFF50] =	vst v10;
	v12 =	vadd.f32 v12, v6  }
0x308: {  	v16 =	vadd.f32 v63, v1;
	v10 =	vld [tilespmem:s31+$0x0];
	[tilespmem:s26+$0xFFFFFF60] =	vst v9  }
0x309: {  	v13 =	vadd.f32 v14, v7;
	v9 =	vld [tilespmem:s31+$0x10];
	[tilespmem:s26+$0xFFFFFF70] =	vst v12  }
0x30a: {  	s14 =	simm.s32 $0xFAF0;
	s1 =	smov.u32 s31;
	s0 =	simm.s32 $0x8;
	[tilespmem:s26+$0xFFFFFF10] =	vst v16;
	v7 =	vadd.f32 v15, v21;
	v12 =	vld [tilespmem:s31+$0x20]  }
.LBB2_13:
0x30b: {  	v14 =	vld [tilespmem:s14+$0x0];
	v2 =	vadd.f32 v11, v2;
	s28 =	sadd.s32 $0x80, s28;
	[tilespmem:s25+$0xFFFFFF90] =	vst v13;
	s25 =	smov.u32 s26  }
0x30c: {  	s0 =	sadd.s32 $0x8, s0;
	v11 =	vld [tilespmem:s28+$0x30];
	[tilespmem:s26+$0xFFFFFFA0] =	vst v7;
	v3 =	vadd.f32 v8, v3  }
0x30d: {  	p0 =	slt.u32 s0, $0x38;
	v8 =	vld [tilespmem:s28+$0xFFFFFFC0];
	[tilespmem:s26+$0xFFFFFFB0] =	vst v2;
	v2 =	vadd.f32 v10, v4  }
0x30e: {  	v7 =	vld [tilespmem:s14+$0xFFFFFFA0];
	[tilespmem:s26+$0xFFFFFFC0] =	vst v3;
	v3 =	vadd.f32 v9, v5  }
0x30f: {  	v4 =	vld [tilespmem:s28+$0xFFFFFFD0];
	[tilespmem:s26+$0xFFFFFFD0] =	vst v2;
	v5 =	vadd.f32 v12, v6  }
0x310: {  	v2 =	vld [tilespmem:s14+$0xFFFFFFB0];
	[tilespmem:s26+$0xFFFFFFE0] =	vst v3  }
0x311: {  	v6 =	vld [tilespmem:s28+$0xFFFFFFE0];
	v9 =	vadd.f32 v11, v14;
	[tilespmem:s26+$0xFFFFFFF0] =	vst v5  }
0x312: {  	s26 =	sadd.s32 $0x200, s26;
	v3 =	vld [tilespmem:s14+$0xFFFFFFC0]  }
0x313: {  	s29 =	sadd.s32 $0x80, s29;
	v10 =	vld [tilespmem:s28+$0xFFFFFFF0];
	[tilespmem:s26+$0xFFFFFE80] =	vst v9  }
0x314: {  	v5 =	vadd.f32 v4, v7;
	v9 =	vld [tilespmem:s29+$0x30]  }
0x315: {  	v4 =	vld [tilespmem:s14+$0xFFFFFFD0]  }
0x316: {  	[tilespmem:s26+$0xFFFFFE20] =	vst v5;
	v6 =	vadd.f32 v6, v2;
	v11 =	vld [tilespmem:s28+$0x0]  }
0x317: {  	v5 =	vld [tilespmem:s14+$0xFFFFFFE0]  }
0x318: {  	[tilespmem:s26+$0xFFFFFE30] =	vst v6;
	v10 =	vadd.f32 v10, v3;
	v12 =	vld [tilespmem:s28+$0x10]  }
0x319: {  	v6 =	vld [tilespmem:s14+$0xFFFFFFF0];
	v9 =	vadd.f32 v9, v14  }
0x31a: {  	[tilespmem:s26+$0xFFFFFE40] =	vst v10;
	v10 =	vld [tilespmem:s28+$0x20]  }
0x31b: {  	s30 =	sadd.s32 $0x80, s30;
	v15 =	vld [tilespmem:s14+$0xFFFFFF90];
	v11 =	vadd.f32 v11, v4;
	[tilespmem:s26+$0xFFFFFF00] =	vst v9  }
0x31c: {  	v9 =	vld [tilespmem:s30+$0x30]  }
0x31d: {  	v13 =	vld [tilespmem:s29+$0xFFFFFFD0];
	[tilespmem:s26+$0xFFFFFE50] =	vst v11;
	v11 =	vadd.f32 v12, v5  }
0x31e: {  	v12 =	vld [tilespmem:s29+$0xFFFFFFE0]  }
0x31f: {  	v16 =	vld [tilespmem:s29+$0xFFFFFFF0];
	[tilespmem:s26+$0xFFFFFE60] =	vst v11;
	v10 =	vadd.f32 v10, v6  }
0x320: {  	v8 =	vadd.f32 v8, v15;
	v11 =	vld [tilespmem:s29+$0x0]  }
0x321: {  	v17 =	vld [tilespmem:s29+$0x10];
	[tilespmem:s26+$0xFFFFFE70] =	vst v10;
	v9 =	vadd.f32 v9, v14  }
0x322: {  	[tilespmem:s26+$0xFFFFFE10] =	vst v8;
	v8 =	vadd.f32 v13, v7;
	v10 =	vld [tilespmem:s29+$0x20]  }
0x323: {  	s31 =	sadd.s32 $0x80, s31;
	v13 =	vld [tilespmem:s29+$0xFFFFFFC0];
	v12 =	vadd.f32 v12, v2;
	[tilespmem:s26+$0xFFFFFF80] =	vst v9  }
0x324: {  	[tilespmem:s26+$0xFFFFFEA0] =	vst v8;
	v8 =	vadd.f32 v16, v3;
	v9 =	vld [tilespmem:s31+$0x30]  }
0x325: {  	v16 =	vld [tilespmem:s30+$0xFFFFFFD0];
	[tilespmem:s26+$0xFFFFFEB0] =	vst v12;
	v11 =	vadd.f32 v11, v4  }
0x326: {  	v12 =	vld [tilespmem:s30+$0xFFFFFFE0];
	[tilespmem:s26+$0xFFFFFEC0] =	vst v8;
	v8 =	vadd.f32 v17, v5  }
0x327: {  	v17 =	vld [tilespmem:s30+$0xFFFFFFF0];
	[tilespmem:s26+$0xFFFFFED0] =	vst v11;
	v10 =	vadd.f32 v10, v6  }
0x328: {  	v11 =	vadd.f32 v13, v15;
	v13 =	vld [tilespmem:s30+$0x0];
	[tilespmem:s26+$0xFFFFFEE0] =	vst v8  }
0x329: {  	v8 =	vld [tilespmem:s30+$0x10];
	[tilespmem:s26+$0xFFFFFEF0] =	vst v10;
	v9 =	vadd.f32 v9, v14  }
0x32a: {  	[tilespmem:s26+$0xFFFFFE90] =	vst v11;
	v10 =	vadd.f32 v16, v7;
	v14 =	vld [tilespmem:s30+$0x20]  }
0x32b: {  	v16 =	vld [tilespmem:s30+$0xFFFFFFC0];
	v11 =	vadd.f32 v12, v2;
	[tilespmem:s26+$0x0] =	vst v9  }
0x32c: {  	[tilespmem:s26+$0xFFFFFF20] =	vst v10;
	v9 =	vadd.f32 v17, v3;
	v12 =	vld [tilespmem:s1+$0xFFFFFFC0];
	s1 =	smov.u32 s31  }
0x32d: {  	v17 =	vld [tilespmem:s31+$0xFFFFFFD0];
	[tilespmem:s26+$0xFFFFFF30] =	vst v11;
	v10 =	vadd.f32 v13, v4  }
.Ltmp7:
0x32e: {  	v11 =	vld [tilespmem:s31+$0xFFFFFFE0];
	[tilespmem:s26+$0xFFFFFF40] =	vst v9;
	v9 =	vadd.f32 v8, v5;
	(pc) =	sbr.rel @p0 .LBB2_13-.Ltmp7, $4  }
0x32f: {  	v8 =	vld [tilespmem:s31+$0xFFFFFFF0];
	[tilespmem:s26+$0xFFFFFF50] =	vst v10;
	v13 =	vadd.f32 v14, v6  }
0x330: {  	v14 =	vadd.f32 v16, v15;
	v10 =	vld [tilespmem:s31+$0x0];
	[tilespmem:s26+$0xFFFFFF60] =	vst v9  }
0x331: {  	v9 =	vld [tilespmem:s31+$0x10];
	[tilespmem:s26+$0xFFFFFF70] =	vst v13;
	v13 =	vadd.f32 v12, v1;
	v1 =	vmov v15  }
0x332: {  	s14 =	sadd.s32 $0x200, s14;
	[tilespmem:s26+$0xFFFFFF10] =	vst v14;
	v7 =	vadd.f32 v17, v7;
	v12 =	vld [tilespmem:s31+$0x20]  }
0x333: {  	(v2sf) =	vpush v0, $0x8;
	v2 =	vadd.f32 v11, v2;
	[tilespmem:s25+$0xFFFFFF90] =	vst v13;
	v11 =	vld [tilespmem:s1+$0xFFFFFFC0]  }
0x334: {  	[tilespmem:s26+$0xFFFFFFA0] =	vst v7;
	v3 =	vadd.f32 v8, v3  }
0x335: {  	[tilespmem:s26+$0xFFFFFFB0] =	vst v2;
	v2 =	vadd.f32 v10, v4  }
0x336: {  	[tilespmem:s26+$0xFFFFFFC0] =	vst v3;
	v3 =	vadd.f32 v9, v5  }
0x337: {  	[tilespmem:s26+$0xFFFFFFD0] =	vst v2;
	v2 =	vadd.f32 v12, v6  }
0x338: {  	[tilespmem:s26+$0xFFFFFFE0] =	vst v3;
	v1 =	vadd.f32 v11, v1  }
0x339: {  	[tilespmem:s26+$0xFFFFFFF0] =	vst v2  }
0x33a: {  	[tilespmem:s26+$0xFFFFFF90] =	vst v1;
	s26 =	simm.s32 $0xF770  }
0x33b: {  	v1 =	vld [tilespmem:s26+$0x0]  }
0x33c: {  	v4 =	vld [tilespmem:s26+$0xFFFFFFA0]  }
0x33d: {  	v6 =	vld [tilespmem:s26+$0xFFFFFFB0]  }
0x33e: {  	(v2sf) =	vpush v0, $0x9;
	v8 =	vld [tilespmem:s26+$0xFFFFFFC0]  }
0x33f: {  	v10 =	vld [tilespmem:s26+$0xFFFFFFD0]  }
0x340: {  	v12 =	vld [tilespmem:s26+$0xFFFFFFE0]  }
0x341: {  	s31 =	simm.s32 $0xF970;
	v14 =	vld [tilespmem:s26+$0xFFFFFFF0]  }
0x342: {  	v19 =	vld [tilespmem:s31+$0x0];
	s0 =	spop (v2sf)  }
0x343: {  	v21 =	vld [tilespmem:s31+$0xFFFFFFA0];
	s1 =	sor.u32 $0x240, s0  }
0x344: {  	v2 =	vld [tilespmem:s1+$0x30]  }
0x345: {  	v3 =	vld [tilespmem:s1+$0xFFFFFFC0]  }
0x346: {  	(v2sf) =	vpush v0, $0xA;
	v5 =	vld [tilespmem:s1+$0xFFFFFFD0]  }
0x347: {  	v7 =	vld [tilespmem:s1+$0xFFFFFFE0]  }
0x348: {  	v9 =	vld [tilespmem:s1+$0xFFFFFFF0]  }
0x349: {  	v11 =	vld [tilespmem:s1+$0x0]  }
0x34a: {  	v13 =	vld [tilespmem:s1+$0x10];
	s28 =	sadd.s32 $0x80, s1  }
0x34b: {  	v20 =	vld [tilespmem:s28+$0xFFFFFFC0]  }
0x34c: {  	v22 =	vld [tilespmem:s28+$0xFFFFFFD0];
	v2 =	vadd.f32 v2, v1  }
0x34d: {  	s25 =	simm.s32 $0xC7F0;
	s14 =	spop (v2sf);
	v62 =	vld [tilespmem:s28+$0xFFFFFFF0]  }
0x34e: {  	(v2sf) =	vpush v0, $0xB;
	s14 =	sor.u32 $0x240, s14;
	[tilespmem:s25+$0xFFFFFE80] =	vst v2;
	v2 =	vadd.f32 v5, v4;
	v5 =	vld [tilespmem:s1+$0x20]  }
0x34f: {  	v16 =	vadd.f32 v7, v6;
	v15 =	vld [tilespmem:s14+$0x30]  }
0x350: {  	v7 =	vld [tilespmem:s26+$0xFFFFFF90];
	[tilespmem:s25+$0xFFFFFE20] =	vst v2;
	v2 =	vadd.f32 v9, v8  }
0x351: {  	[tilespmem:s25+$0xFFFFFE30] =	vst v16;
	v9 =	vadd.f32 v11, v10;
	v11 =	vld [tilespmem:s14+$0xFFFFFFD0]  }
0x352: {  	[tilespmem:s25+$0xFFFFFE40] =	vst v2;
	v2 =	vadd.f32 v13, v12;
	v13 =	vld [tilespmem:s14+$0xFFFFFFE0]  }
0x353: {  	[tilespmem:s25+$0xFFFFFE50] =	vst v9;
	v9 =	vld [tilespmem:s14+$0xFFFFFFF0];
	v5 =	vadd.f32 v5, v14  }
0x354: {  	v15 =	vadd.f32 v15, v1;
	[tilespmem:s25+$0xFFFFFE60] =	vst v2;
	v2 =	vld [tilespmem:s14+$0x0]  }
0x355: {  	v3 =	vadd.f32 v3, v7;
	s26 =	spop (v2sf);
	v59 =	vld [tilespmem:s14+$0x10];
	[tilespmem:s25+$0xFFFFFE70] =	vst v5  }
0x356: {  	s30 =	sor.u32 $0x240, s26;
	[tilespmem:s25+$0xFFFFFF00] =	vst v15;
	v5 =	vadd.f32 v11, v4;
	v11 =	vld [tilespmem:s14+$0x20]  }
0x357: {  	[tilespmem:s25+$0xFFFFFE10] =	vst v3;
	v15 =	vld [tilespmem:s30+$0x30];
	v3 =	vadd.f32 v13, v6  }
0x358: {  	v13 =	vld [tilespmem:s14+$0xFFFFFFC0];
	[tilespmem:s25+$0xFFFFFEA0] =	vst v5;
	v5 =	vadd.f32 v9, v8  }
0x359: {  	v9 =	vld [tilespmem:s30+$0xFFFFFFD0];
	[tilespmem:s25+$0xFFFFFEB0] =	vst v3;
	v2 =	vadd.f32 v2, v10  }
0x35a: {  	v3 =	vld [tilespmem:s30+$0xFFFFFFE0];
	[tilespmem:s25+$0xFFFFFEC0] =	vst v5;
	v5 =	vadd.f32 v59, v12  }
0x35b: {  	v60 =	vld [tilespmem:s30+$0xFFFFFFF0];
	[tilespmem:s25+$0xFFFFFED0] =	vst v2;
	v2 =	vadd.f32 v11, v14  }
0x35c: {  	v11 =	vadd.f32 v15, v1;
	v15 =	vld [tilespmem:s30+$0x0];
	[tilespmem:s25+$0xFFFFFEE0] =	vst v5  }
0x35d: {  	s26 =	spop (v2sf);
	v5 =	vadd.f32 v13, v7;
	v13 =	vld [tilespmem:s30+$0x10];
	[tilespmem:s25+$0xFFFFFEF0] =	vst v2  }
0x35e: {  	s0 =	sor.u32 $0x240, s26;
	[tilespmem:s25+$0xFFFFFF80] =	vst v11;
	v2 =	vadd.f32 v9, v4;
	v9 =	vld [tilespmem:s30+$0x20]  }
0x35f: {  	[tilespmem:s25+$0xFFFFFE90] =	vst v5;
	v11 =	vld [tilespmem:s0+$0x30];
	v3 =	vadd.f32 v3, v6  }
0x360: {  	v5 =	vld [tilespmem:s30+$0xFFFFFFC0];
	[tilespmem:s25+$0xFFFFFF20] =	vst v2;
	v2 =	vadd.f32 v60, v8  }
0x361: {  	v61 =	vld [tilespmem:s0+$0xFFFFFFD0];
	[tilespmem:s25+$0xFFFFFF30] =	vst v3;
	v3 =	vadd.f32 v15, v10  }
0x362: {  	v15 =	vld [tilespmem:s0+$0xFFFFFFE0];
	[tilespmem:s25+$0xFFFFFF40] =	vst v2  }
0x363: {  	v2 =	vadd.f32 v13, v12;
	v13 =	vld [tilespmem:s0+$0xFFFFFFF0];
	[tilespmem:s25+$0xFFFFFF50] =	vst v3;
	v3 =	vadd.f32 v9, v14  }
0x364: {  	v9 =	vld [tilespmem:s0+$0x0]  }
0x365: {  	[tilespmem:s25+$0xFFFFFF70] =	vst v3;
	v3 =	vld [tilespmem:s28+$0x30]  }
0x366: {  	[tilespmem:s25+$0xFFFFFF60] =	vst v2;
	v2 =	vld [tilespmem:s31+$0xFFFFFFB0]  }
0x367: {  	v1 =	vadd.f32 v11, v1;
	v11 =	vld [tilespmem:s28+$0xFFFFFFE0]  }
0x368: {  	v17 =	vld [tilespmem:s0+$0x10];
	v4 =	vadd.f32 v61, v4  }
0x369: {  	v18 =	vld [tilespmem:s0+$0x20];
	[tilespmem:s25+$0x0] =	vst v1;
	v1 =	vadd.f32 v5, v7  }
0x36a: {  	[tilespmem:s25+$0xFFFFFFA0] =	vst v4;
	v4 =	vld [tilespmem:s31+$0xFFFFFFD0];
	v23 =	vadd.f32 v3, v19  }
0x36b: {  	s26 =	simm.s32 $0xC9F0;
	[tilespmem:s25+$0xFFFFFF10] =	vst v1;
	v1 =	vadd.f32 v15, v6;
	v5 =	vadd.f32 v13, v8;
	v8 =	vld [tilespmem:s28+$0x0]  }
0x36c: {  	s29 =	sadd.s32 $0x80, s14;
	v13 =	vld [tilespmem:s28+$0x20];
	[tilespmem:s26+$0xFFFFFE80] =	vst v23  }
0x36d: {  	v11 =	vadd.f32 v11, v2;
	[tilespmem:s25+$0xFFFFFFB0] =	vst v1;
	v15 =	vld [tilespmem:s29+$0x30]  }
0x36e: {  	v3 =	vld [tilespmem:s31+$0xFFFFFFC0];
	v1 =	vadd.f32 v9, v10;
	[tilespmem:s25+$0xFFFFFFC0] =	vst v5  }
0x36f: {  	v6 =	vadd.f32 v17, v12;
	v5 =	vld [tilespmem:s31+$0xFFFFFFE0];
	[tilespmem:s26+$0xFFFFFE30] =	vst v11  }
0x370: {  	v9 =	vld [tilespmem:s28+$0x10];
	[tilespmem:s25+$0xFFFFFFD0] =	vst v1;
	v1 =	vadd.f32 v18, v14  }
0x371: {  	v12 =	vadd.f32 v22, v21;
	[tilespmem:s25+$0xFFFFFFE0] =	vst v6;
	v6 =	vld [tilespmem:s31+$0xFFFFFFF0]  }
0x372: {  	[tilespmem:s25+$0xFFFFFFF0] =	vst v1;
	v1 =	vld [tilespmem:s31+$0xFFFFFF90];
	v10 =	vadd.f32 v15, v19  }
0x373: {  	[tilespmem:s26+$0xFFFFFE20] =	vst v12;
	v8 =	vadd.f32 v8, v4  }
0x374: {  	s30 =	sadd.s32 $0x80, s30;
	v11 =	vld [tilespmem:s29+$0xFFFFFFD0];
	[tilespmem:s26+$0xFFFFFF00] =	vst v10;
	v10 =	vadd.f32 v62, v3  }
0x375: {  	v9 =	vadd.f32 v9, v5;
	[tilespmem:s26+$0xFFFFFE50] =	vst v8;
	v12 =	vld [tilespmem:s30+$0x30]  }
0x376: {  	v13 =	vadd.f32 v13, v6;
	[tilespmem:s26+$0xFFFFFE40] =	vst v10;
	v10 =	vld [tilespmem:s29+$0xFFFFFFE0]  }
0x377: {  	[tilespmem:s26+$0xFFFFFE60] =	vst v9;
	v9 =	vadd.f32 v20, v1;
	v8 =	vld [tilespmem:s29+$0xFFFFFFF0]  }
0x378: {  	v14 =	vld [tilespmem:s29+$0x0];
	[tilespmem:s26+$0xFFFFFE70] =	vst v13  }
0x379: {  	v15 =	vld [tilespmem:s29+$0x10];
	[tilespmem:s26+$0xFFFFFE10] =	vst v9;
	v9 =	vadd.f32 v11, v21  }
0x37a: {  	v11 =	vld [tilespmem:s29+$0x20];
	v12 =	vadd.f32 v12, v19  }
0x37b: {  	v13 =	vld [tilespmem:s29+$0xFFFFFFC0];
	[tilespmem:s26+$0xFFFFFEA0] =	vst v9;
	v10 =	vadd.f32 v10, v2  }
0x37c: {  	s31 =	sadd.s32 $0x80, s0;
	[tilespmem:s26+$0xFFFFFF80] =	vst v12;
	v8 =	vadd.f32 v8, v3;
	v12 =	vld [tilespmem:s30+$0xFFFFFFD0]  }
0x37d: {  	v9 =	vld [tilespmem:s31+$0x30];
	[tilespmem:s26+$0xFFFFFEB0] =	vst v10;
	v10 =	vadd.f32 v14, v4  }
0x37e: {  	v14 =	vld [tilespmem:s30+$0xFFFFFFE0];
	[tilespmem:s26+$0xFFFFFEC0] =	vst v8;
	v8 =	vadd.f32 v15, v5  }
0x37f: {  	v15 =	vld [tilespmem:s30+$0xFFFFFFF0];
	[tilespmem:s26+$0xFFFFFED0] =	vst v10;
	v10 =	vadd.f32 v11, v6  }
0x380: {  	v11 =	vadd.f32 v13, v1;
	v13 =	vld [tilespmem:s30+$0x0];
	[tilespmem:s26+$0xFFFFFEE0] =	vst v8  }
0x381: {  	v8 =	vld [tilespmem:s30+$0x10];
	[tilespmem:s26+$0xFFFFFEF0] =	vst v10;
	v10 =	vadd.f32 v12, v21  }
0x382: {  	[tilespmem:s26+$0xFFFFFE90] =	vst v11;
	v9 =	vadd.f32 v9, v19;
	v12 =	vld [tilespmem:s30+$0x20]  }
0x383: {  	v63 =	vld [tilespmem:s30+$0xFFFFFFC0];
	v11 =	vadd.f32 v14, v2;
	[tilespmem:s26+$0xFFFFFF20] =	vst v10  }
0x384: {  	v14 =	vld [tilespmem:s0+$0xFFFFFFC0];
	[tilespmem:s26+$0x0] =	vst v9;
	v9 =	vadd.f32 v15, v3  }
0x385: {  	v15 =	vld [tilespmem:s31+$0xFFFFFFD0];
	[tilespmem:s26+$0xFFFFFF30] =	vst v11;
	v10 =	vadd.f32 v13, v4  }
0x386: {  	v11 =	vld [tilespmem:s31+$0xFFFFFFE0];
	[tilespmem:s26+$0xFFFFFF40] =	vst v9;
	v9 =	vadd.f32 v8, v5  }
0x387: {  	v8 =	vld [tilespmem:s31+$0xFFFFFFF0];
	[tilespmem:s26+$0xFFFFFF50] =	vst v10;
	v12 =	vadd.f32 v12, v6  }
0x388: {  	v16 =	vadd.f32 v63, v1;
	v10 =	vld [tilespmem:s31+$0x0];
	[tilespmem:s26+$0xFFFFFF60] =	vst v9  }
0x389: {  	v13 =	vadd.f32 v14, v7;
	v9 =	vld [tilespmem:s31+$0x10];
	[tilespmem:s26+$0xFFFFFF70] =	vst v12  }
0x38a: {  	s14 =	simm.s32 $0xFB70;
	s1 =	smov.u32 s31;
	s0 =	simm.s32 $0x8;
	[tilespmem:s26+$0xFFFFFF10] =	vst v16;
	v7 =	vadd.f32 v15, v21;
	v12 =	vld [tilespmem:s31+$0x20]  }
.LBB2_15:
0x38b: {  	v14 =	vld [tilespmem:s14+$0x0];
	v2 =	vadd.f32 v11, v2;
	s28 =	sadd.s32 $0x80, s28;
	[tilespmem:s25+$0xFFFFFF90] =	vst v13;
	s25 =	smov.u32 s26  }
0x38c: {  	s0 =	sadd.s32 $0x8, s0;
	v11 =	vld [tilespmem:s28+$0x30];
	[tilespmem:s26+$0xFFFFFFA0] =	vst v7;
	v3 =	vadd.f32 v8, v3  }
0x38d: {  	p0 =	slt.u32 s0, $0x38;
	v8 =	vld [tilespmem:s28+$0xFFFFFFC0];
	[tilespmem:s26+$0xFFFFFFB0] =	vst v2;
	v2 =	vadd.f32 v10, v4  }
0x38e: {  	v7 =	vld [tilespmem:s14+$0xFFFFFFA0];
	[tilespmem:s26+$0xFFFFFFC0] =	vst v3;
	v3 =	vadd.f32 v9, v5  }
0x38f: {  	v4 =	vld [tilespmem:s28+$0xFFFFFFD0];
	[tilespmem:s26+$0xFFFFFFD0] =	vst v2;
	v5 =	vadd.f32 v12, v6  }
0x390: {  	v2 =	vld [tilespmem:s14+$0xFFFFFFB0];
	[tilespmem:s26+$0xFFFFFFE0] =	vst v3  }
0x391: {  	v6 =	vld [tilespmem:s28+$0xFFFFFFE0];
	v9 =	vadd.f32 v11, v14;
	[tilespmem:s26+$0xFFFFFFF0] =	vst v5  }
0x392: {  	s26 =	sadd.s32 $0x200, s26;
	v3 =	vld [tilespmem:s14+$0xFFFFFFC0]  }
0x393: {  	s29 =	sadd.s32 $0x80, s29;
	v10 =	vld [tilespmem:s28+$0xFFFFFFF0];
	[tilespmem:s26+$0xFFFFFE80] =	vst v9  }
0x394: {  	v5 =	vadd.f32 v4, v7;
	v9 =	vld [tilespmem:s29+$0x30]  }
0x395: {  	v4 =	vld [tilespmem:s14+$0xFFFFFFD0]  }
0x396: {  	[tilespmem:s26+$0xFFFFFE20] =	vst v5;
	v6 =	vadd.f32 v6, v2;
	v11 =	vld [tilespmem:s28+$0x0]  }
0x397: {  	v5 =	vld [tilespmem:s14+$0xFFFFFFE0]  }
0x398: {  	[tilespmem:s26+$0xFFFFFE30] =	vst v6;
	v10 =	vadd.f32 v10, v3;
	v12 =	vld [tilespmem:s28+$0x10]  }
0x399: {  	v6 =	vld [tilespmem:s14+$0xFFFFFFF0];
	v9 =	vadd.f32 v9, v14  }
0x39a: {  	[tilespmem:s26+$0xFFFFFE40] =	vst v10;
	v10 =	vld [tilespmem:s28+$0x20]  }
0x39b: {  	s30 =	sadd.s32 $0x80, s30;
	v15 =	vld [tilespmem:s14+$0xFFFFFF90];
	v11 =	vadd.f32 v11, v4;
	[tilespmem:s26+$0xFFFFFF00] =	vst v9  }
0x39c: {  	v9 =	vld [tilespmem:s30+$0x30]  }
0x39d: {  	v13 =	vld [tilespmem:s29+$0xFFFFFFD0];
	[tilespmem:s26+$0xFFFFFE50] =	vst v11;
	v11 =	vadd.f32 v12, v5  }
0x39e: {  	v12 =	vld [tilespmem:s29+$0xFFFFFFE0]  }
0x39f: {  	v16 =	vld [tilespmem:s29+$0xFFFFFFF0];
	[tilespmem:s26+$0xFFFFFE60] =	vst v11;
	v10 =	vadd.f32 v10, v6  }
0x3a0: {  	v8 =	vadd.f32 v8, v15;
	v11 =	vld [tilespmem:s29+$0x0]  }
0x3a1: {  	v17 =	vld [tilespmem:s29+$0x10];
	[tilespmem:s26+$0xFFFFFE70] =	vst v10;
	v9 =	vadd.f32 v9, v14  }
0x3a2: {  	[tilespmem:s26+$0xFFFFFE10] =	vst v8;
	v8 =	vadd.f32 v13, v7;
	v10 =	vld [tilespmem:s29+$0x20]  }
0x3a3: {  	s31 =	sadd.s32 $0x80, s31;
	v13 =	vld [tilespmem:s29+$0xFFFFFFC0];
	v12 =	vadd.f32 v12, v2;
	[tilespmem:s26+$0xFFFFFF80] =	vst v9  }
0x3a4: {  	[tilespmem:s26+$0xFFFFFEA0] =	vst v8;
	v8 =	vadd.f32 v16, v3;
	v9 =	vld [tilespmem:s31+$0x30]  }
0x3a5: {  	v16 =	vld [tilespmem:s30+$0xFFFFFFD0];
	[tilespmem:s26+$0xFFFFFEB0] =	vst v12;
	v11 =	vadd.f32 v11, v4  }
0x3a6: {  	v12 =	vld [tilespmem:s30+$0xFFFFFFE0];
	[tilespmem:s26+$0xFFFFFEC0] =	vst v8;
	v8 =	vadd.f32 v17, v5  }
0x3a7: {  	v17 =	vld [tilespmem:s30+$0xFFFFFFF0];
	[tilespmem:s26+$0xFFFFFED0] =	vst v11;
	v10 =	vadd.f32 v10, v6  }
0x3a8: {  	v11 =	vadd.f32 v13, v15;
	v13 =	vld [tilespmem:s30+$0x0];
	[tilespmem:s26+$0xFFFFFEE0] =	vst v8  }
0x3a9: {  	v8 =	vld [tilespmem:s30+$0x10];
	[tilespmem:s26+$0xFFFFFEF0] =	vst v10;
	v9 =	vadd.f32 v9, v14  }
0x3aa: {  	[tilespmem:s26+$0xFFFFFE90] =	vst v11;
	v10 =	vadd.f32 v16, v7;
	v14 =	vld [tilespmem:s30+$0x20]  }
0x3ab: {  	v16 =	vld [tilespmem:s30+$0xFFFFFFC0];
	v11 =	vadd.f32 v12, v2;
	[tilespmem:s26+$0x0] =	vst v9  }
0x3ac: {  	[tilespmem:s26+$0xFFFFFF20] =	vst v10;
	v9 =	vadd.f32 v17, v3;
	v12 =	vld [tilespmem:s1+$0xFFFFFFC0];
	s1 =	smov.u32 s31  }
0x3ad: {  	v17 =	vld [tilespmem:s31+$0xFFFFFFD0];
	[tilespmem:s26+$0xFFFFFF30] =	vst v11;
	v10 =	vadd.f32 v13, v4  }
.Ltmp8:
0x3ae: {  	v11 =	vld [tilespmem:s31+$0xFFFFFFE0];
	[tilespmem:s26+$0xFFFFFF40] =	vst v9;
	v9 =	vadd.f32 v8, v5;
	(pc) =	sbr.rel @p0 .LBB2_15-.Ltmp8, $4  }
0x3af: {  	v8 =	vld [tilespmem:s31+$0xFFFFFFF0];
	[tilespmem:s26+$0xFFFFFF50] =	vst v10;
	v13 =	vadd.f32 v14, v6  }
0x3b0: {  	v14 =	vadd.f32 v16, v15;
	v10 =	vld [tilespmem:s31+$0x0];
	[tilespmem:s26+$0xFFFFFF60] =	vst v9  }
0x3b1: {  	v9 =	vld [tilespmem:s31+$0x10];
	[tilespmem:s26+$0xFFFFFF70] =	vst v13;
	v13 =	vadd.f32 v12, v1;
	v1 =	vmov v15  }
0x3b2: {  	s14 =	sadd.s32 $0x200, s14;
	[tilespmem:s26+$0xFFFFFF10] =	vst v14;
	v7 =	vadd.f32 v17, v7;
	v12 =	vld [tilespmem:s31+$0x20]  }
0x3b3: {  	(v2sf) =	vpush v0, $0xC;
	v2 =	vadd.f32 v11, v2;
	[tilespmem:s25+$0xFFFFFF90] =	vst v13;
	v11 =	vld [tilespmem:s1+$0xFFFFFFC0]  }
0x3b4: {  	[tilespmem:s26+$0xFFFFFFA0] =	vst v7;
	v3 =	vadd.f32 v8, v3  }
0x3b5: {  	[tilespmem:s26+$0xFFFFFFB0] =	vst v2;
	v2 =	vadd.f32 v10, v4  }
0x3b6: {  	[tilespmem:s26+$0xFFFFFFC0] =	vst v3;
	v3 =	vadd.f32 v9, v5  }
0x3b7: {  	[tilespmem:s26+$0xFFFFFFD0] =	vst v2;
	v2 =	vadd.f32 v12, v6  }
0x3b8: {  	[tilespmem:s26+$0xFFFFFFE0] =	vst v3;
	v1 =	vadd.f32 v11, v1  }
0x3b9: {  	[tilespmem:s26+$0xFFFFFFF0] =	vst v2  }
0x3ba: {  	[tilespmem:s26+$0xFFFFFF90] =	vst v1;
	s26 =	simm.s32 $0xF7F0  }
0x3bb: {  	v1 =	vld [tilespmem:s26+$0x0]  }
0x3bc: {  	(v2sf) =	vpush v0, $0xD;
	v4 =	vld [tilespmem:s26+$0xFFFFFFA0]  }
0x3bd: {  	v7 =	vld [tilespmem:s26+$0xFFFFFFB0]  }
0x3be: {  	v8 =	vld [tilespmem:s26+$0xFFFFFFC0]  }
0x3bf: {  	v10 =	vld [tilespmem:s26+$0xFFFFFFD0]  }
0x3c0: {  	v12 =	vld [tilespmem:s26+$0xFFFFFFE0]  }
0x3c1: {  	s31 =	simm.s32 $0xF9F0;
	v14 =	vld [tilespmem:s26+$0xFFFFFFF0]  }
0x3c2: {  	v17 =	vld [tilespmem:s31+$0x0];
	s0 =	spop (v2sf)  }
0x3c3: {  	v19 =	vld [tilespmem:s31+$0xFFFFFFA0];
	s1 =	sor.u32 $0x240, s0  }
0x3c4: {  	v2 =	vld [tilespmem:s1+$0x30]  }
0x3c5: {  	v3 =	vld [tilespmem:s1+$0xFFFFFFC0]  }
0x3c6: {  	(v2sf) =	vpush v0, $0xE;
	v5 =	vld [tilespmem:s1+$0xFFFFFFD0]  }
0x3c7: {  	v6 =	vld [tilespmem:s1+$0xFFFFFFE0]  }
0x3c8: {  	v9 =	vld [tilespmem:s1+$0xFFFFFFF0]  }
0x3c9: {  	v11 =	vld [tilespmem:s1+$0x0]  }
0x3ca: {  	v13 =	vld [tilespmem:s1+$0x10];
	s28 =	sadd.s32 $0x80, s1  }
0x3cb: {  	s14 =	spop (v2sf);
	(v2sf) =	vpush v0, $0xF;
	v18 =	vld [tilespmem:s28+$0xFFFFFFC0];
	v2 =	vadd.f32 v2, v1  }
0x3cc: {  	s25 =	simm.s32 $0xD7F0;
	v0 =	vadd.f32 v5, v4;
	v15 =	vadd.f32 v6, v7;
	v6 =	vld [tilespmem:s26+$0xFFFFFF90]  }
0x3cd: {  	s14 =	sor.u32 $0x240, s14;
	[tilespmem:s25+$0xFFFFFE80] =	vst v2;
	v2 =	vld [tilespmem:s1+$0x20]  }
0x3ce: {  	[tilespmem:s25+$0xFFFFFE20] =	vst v0;
	v0 =	vadd.f32 v9, v8;
	v5 =	vld [tilespmem:s14+$0x30]  }
0x3cf: {  	v20 =	vld [tilespmem:s28+$0xFFFFFFD0];
	[tilespmem:s25+$0xFFFFFE30] =	vst v15;
	v9 =	vadd.f32 v11, v10  }
0x3d0: {  	v11 =	vld [tilespmem:s14+$0xFFFFFFD0];
	[tilespmem:s25+$0xFFFFFE40] =	vst v0;
	v0 =	vadd.f32 v13, v12  }
0x3d1: {  	v13 =	vld [tilespmem:s14+$0xFFFFFFE0];
	[tilespmem:s25+$0xFFFFFE50] =	vst v9;
	v3 =	vadd.f32 v3, v6  }
0x3d2: {  	v9 =	vld [tilespmem:s14+$0xFFFFFFF0];
	[tilespmem:s25+$0xFFFFFE60] =	vst v0;
	v2 =	vadd.f32 v2, v14  }
0x3d3: {  	v0 =	vld [tilespmem:s14+$0x0];
	[tilespmem:s25+$0xFFFFFE10] =	vst v3;
	v5 =	vadd.f32 v5, v1  }
0x3d4: {  	v15 =	vld [tilespmem:s14+$0x10];
	[tilespmem:s25+$0xFFFFFE70] =	vst v2  }
0x3d5: {  	s26 =	spop (v2sf);
	v2 =	vadd.f32 v11, v4;
	[tilespmem:s25+$0xFFFFFF00] =	vst v5;
	v5 =	vld [tilespmem:s14+$0x20]  }
0x3d6: {  	s30 =	sor.u32 $0x240, s26;
	v3 =	vadd.f32 v13, v7;
	v13 =	vld [tilespmem:s14+$0xFFFFFFC0]  }
0x3d7: {  	v11 =	vld [tilespmem:s30+$0x30];
	[tilespmem:s25+$0xFFFFFEA0] =	vst v2;
	v2 =	vadd.f32 v9, v8  }
0x3d8: {  	v21 =	vld [tilespmem:s28+$0xFFFFFFE0];
	[tilespmem:s25+$0xFFFFFEB0] =	vst v3;
	v0 =	vadd.f32 v0, v10  }
0x3d9: {  	v9 =	vld [tilespmem:s30+$0xFFFFFFD0];
	[tilespmem:s25+$0xFFFFFEC0] =	vst v2;
	v2 =	vadd.f32 v15, v12  }
0x3da: {  	v3 =	vld [tilespmem:s30+$0xFFFFFFE0];
	[tilespmem:s25+$0xFFFFFED0] =	vst v0;
	v0 =	vadd.f32 v5, v14  }
0x3db: {  	v15 =	vld [tilespmem:s30+$0xFFFFFFF0];
	[tilespmem:s25+$0xFFFFFEE0] =	vst v2;
	v2 =	vadd.f32 v13, v6  }
0x3dc: {  	v5 =	vadd.f32 v11, v1;
	v11 =	vld [tilespmem:s30+$0x0];
	[tilespmem:s25+$0xFFFFFEF0] =	vst v0  }
0x3dd: {  	v13 =	vld [tilespmem:s30+$0x10];
	[tilespmem:s25+$0xFFFFFE90] =	vst v2  }
0x3de: {  	s26 =	spop (v2sf);
	v0 =	vadd.f32 v9, v4;
	[tilespmem:s25+$0xFFFFFF80] =	vst v5;
	v5 =	vld [tilespmem:s30+$0x20]  }
0x3df: {  	s0 =	sor.u32 $0x240, s26;
	v2 =	vadd.f32 v3, v7;
	v3 =	vld [tilespmem:s30+$0xFFFFFFC0]  }
0x3e0: {  	v9 =	vld [tilespmem:s0+$0x30];
	[tilespmem:s25+$0xFFFFFF20] =	vst v0;
	v0 =	vadd.f32 v15, v8  }
0x3e1: {  	[tilespmem:s25+$0xFFFFFF30] =	vst v2;
	v15 =	vld [tilespmem:s0+$0xFFFFFFD0];
	v2 =	vadd.f32 v11, v10  }
0x3e2: {  	v11 =	vld [tilespmem:s0+$0xFFFFFFE0];
	[tilespmem:s25+$0xFFFFFF40] =	vst v0;
	v0 =	vadd.f32 v13, v12  }
0x3e3: {  	v13 =	vld [tilespmem:s0+$0xFFFFFFF0];
	[tilespmem:s25+$0xFFFFFF50] =	vst v2;
	v2 =	vadd.f32 v5, v14  }
0x3e4: {  	[tilespmem:s25+$0xFFFFFF60] =	vst v0;
	v5 =	vld [tilespmem:s0+$0x0]  }
0x3e5: {  	v3 =	vadd.f32 v3, v6;
	[tilespmem:s25+$0xFFFFFF70] =	vst v2;
	v2 =	vld [tilespmem:s28+$0x30]  }
0x3e6: {  	v0 =	vld [tilespmem:s0+$0x10];
	v9 =	vadd.f32 v9, v1  }
0x3e7: {  	v1 =	vld [tilespmem:s31+$0xFFFFFFB0];
	v4 =	vadd.f32 v15, v4;
	[tilespmem:s25+$0xFFFFFF10] =	vst v3  }
0x3e8: {  	v3 =	vld [tilespmem:s31+$0xFFFFFFD0];
	[tilespmem:s25+$0x0] =	vst v9;
	v7 =	vadd.f32 v11, v7  }
0x3e9: {  	v16 =	vld [tilespmem:s0+$0x20];
	[tilespmem:s25+$0xFFFFFFA0] =	vst v4;
	v4 =	vadd.f32 v13, v8  }
0x3ea: {  	v9 =	vld [tilespmem:s28+$0xFFFFFFF0];
	[tilespmem:s25+$0xFFFFFFB0] =	vst v7;
	v22 =	vadd.f32 v2, v17  }
0x3eb: {  	s26 =	simm.s32 $0xD9F0;
	v7 =	vld [tilespmem:s28+$0x0];
	[tilespmem:s25+$0xFFFFFFC0] =	vst v4  }
0x3ec: {  	s29 =	sadd.s32 $0x80, s14;
	v4 =	vld [tilespmem:s31+$0xFFFFFFE0];
	[tilespmem:s26+$0xFFFFFE80] =	vst v22  }
0x3ed: {  	v5 =	vadd.f32 v5, v10;
	v11 =	vld [tilespmem:s29+$0x30]  }
0x3ee: {  	v0 =	vadd.f32 v0, v12;
	v2 =	vld [tilespmem:s31+$0xFFFFFFC0]  }
0x3ef: {  	v10 =	vld [tilespmem:s28+$0x10];
	[tilespmem:s25+$0xFFFFFFD0] =	vst v5;
	v8 =	vadd.f32 v16, v14  }
0x3f0: {  	v12 =	vld [tilespmem:s28+$0x20];
	v13 =	vadd.f32 v21, v1;
	[tilespmem:s25+$0xFFFFFFE0] =	vst v0  }
0x3f1: {  	v5 =	vld [tilespmem:s31+$0xFFFFFFF0];
	[tilespmem:s25+$0xFFFFFFF0] =	vst v8;
	v8 =	vadd.f32 v20, v19  }
0x3f2: {  	v0 =	vld [tilespmem:s31+$0xFFFFFF90];
	[tilespmem:s26+$0xFFFFFE30] =	vst v13;
	v11 =	vadd.f32 v11, v17  }
0x3f3: {  	[tilespmem:s26+$0xFFFFFE20] =	vst v8;
	v8 =	vadd.f32 v9, v2  }
0x3f4: {  	s30 =	sadd.s32 $0x80, s30;
	v7 =	vadd.f32 v7, v3;
	[tilespmem:s26+$0xFFFFFF00] =	vst v11;
	v11 =	vld [tilespmem:s29+$0xFFFFFFD0]  }
0x3f5: {  	[tilespmem:s26+$0xFFFFFE40] =	vst v8;
	v8 =	vadd.f32 v10, v4;
	v9 =	vld [tilespmem:s30+$0x30]  }
0x3f6: {  	[tilespmem:s26+$0xFFFFFE50] =	vst v7;
	v12 =	vadd.f32 v12, v5;
	v10 =	vld [tilespmem:s29+$0xFFFFFFE0]  }
0x3f7: {  	v7 =	vld [tilespmem:s29+$0xFFFFFFF0];
	[tilespmem:s26+$0xFFFFFE60] =	vst v8;
	v8 =	vadd.f32 v18, v0  }
0x3f8: {  	v13 =	vld [tilespmem:s29+$0x0];
	[tilespmem:s26+$0xFFFFFE70] =	vst v12  }
0x3f9: {  	v14 =	vld [tilespmem:s29+$0x10];
	[tilespmem:s26+$0xFFFFFE10] =	vst v8;
	v8 =	vadd.f32 v11, v19  }
0x3fa: {  	v11 =	vld [tilespmem:s29+$0x20];
	v9 =	vadd.f32 v9, v17  }
0x3fb: {  	v12 =	vld [tilespmem:s29+$0xFFFFFFC0];
	v10 =	vadd.f32 v10, v1;
	[tilespmem:s26+$0xFFFFFEA0] =	vst v8  }
0x3fc: {  	s31 =	sadd.s32 $0x80, s0;
	v7 =	vadd.f32 v7, v2;
	[tilespmem:s26+$0xFFFFFF80] =	vst v9;
	v9 =	vld [tilespmem:s30+$0xFFFFFFD0]  }
0x3fd: {  	[tilespmem:s26+$0xFFFFFEB0] =	vst v10;
	v10 =	vadd.f32 v13, v3;
	v8 =	vld [tilespmem:s31+$0x30]  }
0x3fe: {  	v13 =	vld [tilespmem:s30+$0xFFFFFFE0];
	[tilespmem:s26+$0xFFFFFEC0] =	vst v7;
	v7 =	vadd.f32 v14, v4  }
0x3ff: {  	v14 =	vld [tilespmem:s30+$0xFFFFFFF0];
	[tilespmem:s26+$0xFFFFFED0] =	vst v10;
	v10 =	vadd.f32 v11, v5  }
0x400: {  	[tilespmem:s26+$0xFFFFFEE0] =	vst v7;
	v11 =	vadd.f32 v12, v0;
	v12 =	vld [tilespmem:s30+$0x0]  }
0x401: {  	v7 =	vld [tilespmem:s30+$0x10];
	[tilespmem:s26+$0xFFFFFEF0] =	vst v10;
	v9 =	vadd.f32 v9, v19  }
0x402: {  	[tilespmem:s26+$0xFFFFFE90] =	vst v11;
	v11 =	vld [tilespmem:s30+$0x20];
	v8 =	vadd.f32 v8, v17  }
0x403: {  	v10 =	vadd.f32 v13, v1;
	v15 =	vld [tilespmem:s30+$0xFFFFFFC0];
	[tilespmem:s26+$0xFFFFFF20] =	vst v9  }
0x404: {  	v13 =	vld [tilespmem:s0+$0xFFFFFFC0];
	[tilespmem:s26+$0x0] =	vst v8;
	v8 =	vadd.f32 v14, v2  }
0x405: {  	[tilespmem:s26+$0xFFFFFF30] =	vst v10;
	v9 =	vadd.f32 v12, v3;
	v14 =	vld [tilespmem:s31+$0xFFFFFFD0]  }
0x406: {  	v10 =	vld [tilespmem:s31+$0xFFFFFFE0];
	[tilespmem:s26+$0xFFFFFF40] =	vst v8;
	v8 =	vadd.f32 v7, v4  }
0x407: {  	[tilespmem:s26+$0xFFFFFF50] =	vst v9;
	v11 =	vadd.f32 v11, v5;
	v7 =	vld [tilespmem:s31+$0xFFFFFFF0]  }
0x408: {  	v15 =	vadd.f32 v15, v0;
	v9 =	vld [tilespmem:s31+$0x0];
	[tilespmem:s26+$0xFFFFFF60] =	vst v8  }
0x409: {  	v12 =	vadd.f32 v13, v6;
	[tilespmem:s26+$0xFFFFFF70] =	vst v11;
	v8 =	vld [tilespmem:s31+$0x10]  }
0x40a: {  	s14 =	simm.s32 $0xFBF0;
	s1 =	smov.u32 s31;
	s0 =	simm.s32 $0x8;
	[tilespmem:s26+$0xFFFFFF10] =	vst v15;
	v6 =	vadd.f32 v14, v19;
	v11 =	vld [tilespmem:s31+$0x20]  }
.LBB2_17:
0x40b: {  	v13 =	vld [tilespmem:s14+$0x0];
	v1 =	vadd.f32 v10, v1;
	s28 =	sadd.s32 $0x80, s28;
	[tilespmem:s25+$0xFFFFFF90] =	vst v12;
	s25 =	smov.u32 s26  }
0x40c: {  	s0 =	sadd.s32 $0x8, s0;
	v10 =	vld [tilespmem:s28+$0x30];
	[tilespmem:s26+$0xFFFFFFA0] =	vst v6;
	v2 =	vadd.f32 v7, v2  }
0x40d: {  	p0 =	slt.u32 s0, $0x38;
	v7 =	vld [tilespmem:s28+$0xFFFFFFC0];
	[tilespmem:s26+$0xFFFFFFB0] =	vst v1;
	v1 =	vadd.f32 v9, v3  }
0x40e: {  	v6 =	vld [tilespmem:s14+$0xFFFFFFA0];
	[tilespmem:s26+$0xFFFFFFC0] =	vst v2;
	v2 =	vadd.f32 v8, v4  }
0x40f: {  	v3 =	vld [tilespmem:s28+$0xFFFFFFD0];
	[tilespmem:s26+$0xFFFFFFD0] =	vst v1;
	v4 =	vadd.f32 v11, v5  }
0x410: {  	v1 =	vld [tilespmem:s14+$0xFFFFFFB0];
	[tilespmem:s26+$0xFFFFFFE0] =	vst v2  }
0x411: {  	v5 =	vld [tilespmem:s28+$0xFFFFFFE0];
	v8 =	vadd.f32 v10, v13;
	[tilespmem:s26+$0xFFFFFFF0] =	vst v4  }
0x412: {  	s26 =	sadd.s32 $0x200, s26;
	v2 =	vld [tilespmem:s14+$0xFFFFFFC0]  }
0x413: {  	s29 =	sadd.s32 $0x80, s29;
	v9 =	vld [tilespmem:s28+$0xFFFFFFF0];
	[tilespmem:s26+$0xFFFFFE80] =	vst v8  }
0x414: {  	v4 =	vadd.f32 v3, v6;
	v8 =	vld [tilespmem:s29+$0x30]  }
0x415: {  	v3 =	vld [tilespmem:s14+$0xFFFFFFD0]  }
0x416: {  	[tilespmem:s26+$0xFFFFFE20] =	vst v4;
	v5 =	vadd.f32 v5, v1;
	v10 =	vld [tilespmem:s28+$0x0]  }
0x417: {  	v4 =	vld [tilespmem:s14+$0xFFFFFFE0]  }
0x418: {  	[tilespmem:s26+$0xFFFFFE30] =	vst v5;
	v9 =	vadd.f32 v9, v2;
	v11 =	vld [tilespmem:s28+$0x10]  }
0x419: {  	v5 =	vld [tilespmem:s14+$0xFFFFFFF0];
	v8 =	vadd.f32 v8, v13  }
0x41a: {  	[tilespmem:s26+$0xFFFFFE40] =	vst v9;
	v9 =	vld [tilespmem:s28+$0x20]  }
0x41b: {  	s30 =	sadd.s32 $0x80, s30;
	v14 =	vld [tilespmem:s14+$0xFFFFFF90];
	v10 =	vadd.f32 v10, v3;
	[tilespmem:s26+$0xFFFFFF00] =	vst v8  }
0x41c: {  	v8 =	vld [tilespmem:s30+$0x30]  }
0x41d: {  	v12 =	vld [tilespmem:s29+$0xFFFFFFD0];
	[tilespmem:s26+$0xFFFFFE50] =	vst v10;
	v10 =	vadd.f32 v11, v4  }
0x41e: {  	v11 =	vld [tilespmem:s29+$0xFFFFFFE0]  }
0x41f: {  	v15 =	vld [tilespmem:s29+$0xFFFFFFF0];
	[tilespmem:s26+$0xFFFFFE60] =	vst v10;
	v9 =	vadd.f32 v9, v5  }
0x420: {  	v7 =	vadd.f32 v7, v14;
	v10 =	vld [tilespmem:s29+$0x0]  }
0x421: {  	v16 =	vld [tilespmem:s29+$0x10];
	[tilespmem:s26+$0xFFFFFE70] =	vst v9;
	v8 =	vadd.f32 v8, v13  }
0x422: {  	[tilespmem:s26+$0xFFFFFE10] =	vst v7;
	v7 =	vadd.f32 v12, v6;
	v9 =	vld [tilespmem:s29+$0x20]  }
0x423: {  	s31 =	sadd.s32 $0x80, s31;
	v12 =	vld [tilespmem:s29+$0xFFFFFFC0];
	v11 =	vadd.f32 v11, v1;
	[tilespmem:s26+$0xFFFFFF80] =	vst v8  }
0x424: {  	[tilespmem:s26+$0xFFFFFEA0] =	vst v7;
	v7 =	vadd.f32 v15, v2;
	v8 =	vld [tilespmem:s31+$0x30]  }
0x425: {  	v15 =	vld [tilespmem:s30+$0xFFFFFFD0];
	[tilespmem:s26+$0xFFFFFEB0] =	vst v11;
	v10 =	vadd.f32 v10, v3  }
0x426: {  	v11 =	vld [tilespmem:s30+$0xFFFFFFE0];
	[tilespmem:s26+$0xFFFFFEC0] =	vst v7;
	v7 =	vadd.f32 v16, v4  }
0x427: {  	v16 =	vld [tilespmem:s30+$0xFFFFFFF0];
	[tilespmem:s26+$0xFFFFFED0] =	vst v10;
	v9 =	vadd.f32 v9, v5  }
0x428: {  	v10 =	vadd.f32 v12, v14;
	v12 =	vld [tilespmem:s30+$0x0];
	[tilespmem:s26+$0xFFFFFEE0] =	vst v7  }
0x429: {  	v7 =	vld [tilespmem:s30+$0x10];
	[tilespmem:s26+$0xFFFFFEF0] =	vst v9;
	v8 =	vadd.f32 v8, v13  }
0x42a: {  	[tilespmem:s26+$0xFFFFFE90] =	vst v10;
	v9 =	vadd.f32 v15, v6;
	v13 =	vld [tilespmem:s30+$0x20]  }
0x42b: {  	v15 =	vld [tilespmem:s30+$0xFFFFFFC0];
	v10 =	vadd.f32 v11, v1;
	[tilespmem:s26+$0x0] =	vst v8  }
0x42c: {  	[tilespmem:s26+$0xFFFFFF20] =	vst v9;
	v8 =	vadd.f32 v16, v2;
	v11 =	vld [tilespmem:s1+$0xFFFFFFC0];
	s1 =	smov.u32 s31  }
0x42d: {  	v16 =	vld [tilespmem:s31+$0xFFFFFFD0];
	[tilespmem:s26+$0xFFFFFF30] =	vst v10;
	v9 =	vadd.f32 v12, v3  }
.Ltmp9:
0x42e: {  	v10 =	vld [tilespmem:s31+$0xFFFFFFE0];
	[tilespmem:s26+$0xFFFFFF40] =	vst v8;
	v8 =	vadd.f32 v7, v4;
	(pc) =	sbr.rel @p0 .LBB2_17-.Ltmp9, $4  }
0x42f: {  	v7 =	vld [tilespmem:s31+$0xFFFFFFF0];
	[tilespmem:s26+$0xFFFFFF50] =	vst v9;
	v12 =	vadd.f32 v13, v5  }
0x430: {  	v13 =	vadd.f32 v15, v14;
	v9 =	vld [tilespmem:s31+$0x0];
	[tilespmem:s26+$0xFFFFFF60] =	vst v8  }
0x431: {  	v8 =	vld [tilespmem:s31+$0x10];
	[tilespmem:s26+$0xFFFFFF70] =	vst v12;
	v12 =	vadd.f32 v11, v0;
	v0 =	vmov v14  }
0x432: {  	s14 =	sadd.s32 $0x200, s14;
	[tilespmem:s26+$0xFFFFFF10] =	vst v13;
	v6 =	vadd.f32 v16, v6;
	v11 =	vld [tilespmem:s31+$0x20]  }
0x433: {  	v1 =	vadd.f32 v10, v1;
	[tilespmem:s25+$0xFFFFFF90] =	vst v12;
	v60 =	vld [tilespmem:s1+$0xFFFFFFC0]  }
0x434: {  	[tilespmem:s26+$0xFFFFFFA0] =	vst v6;
	v2 =	vadd.f32 v7, v2  }
0x435: {  	[tilespmem:s26+$0xFFFFFFB0] =	vst v1;
	v61 =	vadd.f32 v9, v3  }
0x436: {  	[tilespmem:s26+$0xFFFFFFC0] =	vst v2;
	v62 =	vadd.f32 v8, v4  }
.Ltmp10:
0x437: {  	[tilespmem:s26+$0xFFFFFFD0] =	vst v61;
	v63 =	vadd.f32 v11, v5;
	(pc) =	sbr.rel @p1 .LBB2_20-.Ltmp10, $4  }
0x438: {  	[tilespmem:s26+$0xFFFFFFE0] =	vst v62;
	v0 =	vadd.f32 v60, v0  }
0x439: {  	s0 =	sshll.u32 s24, $0xB;
	[tilespmem:s26+$0xFFFFFFF0] =	vst v63  }
0x43a: {  	s0 =	sadd.s32 s0, s7;
	[tilespmem:s26+$0xFFFFFF90] =	vst v0  }
0x43b: {  	[hbm4b:s0+s2] =	stream.linear.scatter [tilespmem:s19], [sflag:$0x4], $0x4000, $0x38;
	[tilespmem:$0x10600] =	vst v63  }
.Ltmp11:
0x43c: {  	(pc) =	sbr.rel .LBB2_2-.Ltmp11, $4  }
0x43d: {  	_ = 	snop  }
0x43e: {  	s0 =	sshll.u32 s23, $0xA  }
0x43f: {  	s23 =	sadd.s32 $0x1, s23;
	s0 =	sadd.s32 s10, s0  }
0x440: {  	[tilespmem:s15], [sflag:$0x2] =	stream.strided.gather [hbm4b:s0+s12], $0x1000, s13, s12, $0x38;
	[tilespmem:$0x10600] =	vst v63  }
.LBB2_21:
0x441: {  	_ =	sfence.sel $0x180000  }
0x442: {  	[bflag:$0x0] =	sbarrier.arrive $0xFFFF  }
0x443: {  	_ =	strace $0x90000047  }
0x444: {  	s0 =	stileid.u32;
	[bflag:$0x2] =	sbarrier.arrive $0xFFFF  }
0x445: {  	p0 =	sne.s32 s0, $0x0;
	s0 =	rddreg [dreg:$0x2]  }
0x446: {  	s0 =	sadd.s32 @!p0 $0x100000, s0  }
0x447: {  	[sflag:s0] =	ssyncadd.tile.s32 @!p0 $0x1;
	_ =	shalt  }
.Lfunc_end2:
_tile_overlayer_lowered:
.L_overlay_start_2:
0x448: {  	(tag) =	ssettag $0x2  }
0x449: {  	s0 =	rddreg [dreg:$0x0];
	s2 =	stileid.u32  }
0x44a: {  	s1 =	rddreg [dreg:$0x1];
	p0 =	sne.s32 s2, $0x0  }
0x44b: {  	s3 =	rddreg [dreg:$0x2];
	[bflag:$0x3] =	sbarrier.arrive $0xFFFF;
	s2 =	simm.s32 @!p0 $0x1C05  }
0x44c: {  	[timem:s3], [sflag:s2] =	dma.local @!p0 [hbm:s0], s1  }
0x44d: {  	s0 =	simm.s32 @!p0 $0x5  }
0x44e: {  	_ =	swait.ge @!p0 [sflag:s0], s1  }
0x44f: {  	s1 =	ssub.s32 @!p0 $0x0, s1;
	[sflag:s0] =	ssyncset.done @!p0 $0x0  }
0x450: {  	[sflag:s0] =	ssyncadd.s32 @!p0 s1  }
0x451: {  	[bflag:$0x3] =	sbarrier.arrive $0xFFFF  }
0x452: {  	_ =	shalt  }

</sc_bundles>
